<compile_context>
chip_gen: v7x
topology: tpu7x:2x2x1
jax: 0.10.2.dev20260603
libtpu: 0.0.44.dev20260713+nightly
codegen_flags: <defaults>
</compile_context>

<pallas_src>
import functools

import jax
import jax.numpy as jnp
import numpy as np
from jax import lax
from jax.experimental import pallas as pl
from jax.experimental.pallas import tpu as pltpu
from jax.experimental.pallas import tpu_sc as plsc

EGO = 61
GMS = 275
RES = 0.1
COORD_MIN = -GMS * RES / 2.0
COORD_MAX = GMS * RES / 2.0
LOCAL_SCALE = (COORD_MAX - COORD_MIN) / GMS

NCELL = EGO * EGO
NPAD = 3840
NPTS = 256 * 256
STAGE = 4096
CH = 1024
NCH = NPTS // CH
CCH = 256
NB = 32
NF = 64
FQ = 16
NEG = -1e16


def _prep_body(head_ref, dfull_ref, lin_ref, wts_ref, lidx_ref):
    b = pl.program_id(0)
    Z = dfull_ref[0] * 10.0
    coli = lax.broadcasted_iota(jnp.int32, (256, 256), 1)
    rowi = lax.broadcasted_iota(jnp.int32, (256, 256), 0)
    col = coli.astype(jnp.float32)
    row = rowi.astype(jnp.float32)
    xx = (col - 128.0) / 128.0
    yy = (128.0 - row) / 128.0
    X = xx * Z
    Y = yy * Z
    even = ((rowi & 1) == 0) & ((coli & 1) == 0)
    valid = (Z != 0) & (Y > -1.5) & (Y < 0.1) & even
    x_gp = jnp.round(X / LOCAL_SCALE + (EGO - 1) / 2.0).astype(jnp.int32)
    y_gp = jnp.round(-(Z / LOCAL_SCALE) + (EGO - 1) / 2.0).astype(jnp.int32)
    ok = valid & (y_gp >= 0) & (y_gp < EGO) & (x_gp >= 0) & (x_gp < EGO)
    lin_ref[0] = jnp.where(ok, y_gp * EGO + x_gp, -1)

    t = -head_ref[b, 0]
    tb = jnp.full((30, 128), t, jnp.float32)
    sin_t = jnp.sin(tb)
    cos_t = jnp.cos(tb)
    cell = (lax.broadcasted_iota(jnp.int32, (30, 128), 0) * 128
            + lax.broadcasted_iota(jnp.int32, (30, 128), 1))
    cellf = cell.astype(jnp.float32)
    ii = jnp.floor((cellf + 0.5) / float(EGO))
    jj = cellf - ii * float(EGO)
    inb = cell < NCELL
    gx = (jj * 2.0 + 1.0) / EGO - 1.0
    gy = (ii * 2.0 + 1.0) / EGO - 1.0
    def _bf(x):
        return x.astype(jnp.bfloat16).astype(jnp.float32)
    gxb, gyb = _bf(gx), _bf(gy)
    sinb, cosb = _bf(sin_t), _bf(cos_t)
    gridx = cosb * gxb + sinb * gyb
    gridy = (-sinb) * gxb + cosb * gyb
    ix = ((gridx + 1.0) * EGO - 1.0) / 2.0
    iy = ((gridy + 1.0) * EGO - 1.0) / 2.0
    x0 = jnp.floor(ix)
    y0 = jnp.floor(iy)
    x1 = x0 + 1.0
    y1 = y0 + 1.0
    corners = (
        (x0, y0, (x1 - ix) * (y1 - iy)),
        (x0, y1, (x1 - ix) * (iy - y0)),
        (x1, y0, (ix - x0) * (y1 - iy)),
        (x1, y1, (ix - x0) * (iy - y0)),
    )
    for k, (xq, yq, w) in enumerate(corners):
        v = (xq >= 0) & (xq <= EGO - 1) & (yq >= 0) & (yq <= EGO - 1) & inb
        xc = jnp.clip(xq, 0, EGO - 1).astype(jnp.int32)
        yc = jnp.clip(yq, 0, EGO - 1).astype(jnp.int32)
        wts_ref[0, k] = w * v.astype(jnp.float32)
        lidx_ref[0, k] = yc * EGO + xc


def _tc_prep(depth_full, heading):
    return pl.pallas_call(
        _prep_body,
        grid=(NB,),
        in_specs=[
            pl.BlockSpec(memory_space=pltpu.SMEM),
            pl.BlockSpec((1, 256, 256), lambda b: (b, 0, 0)),
        ],
        out_specs=[
            pl.BlockSpec((1, 256, 256), lambda b: (b, 0, 0)),
            pl.BlockSpec((1, 4, 30, 128), lambda b: (b, 0, 0, 0)),
            pl.BlockSpec((1, 4, 30, 128), lambda b: (b, 0, 0, 0)),
        ],
        out_shape=[
            jax.ShapeDtypeStruct((NB, 256, 256), jnp.int32),
            jax.ShapeDtypeStruct((NB, 4, 30, 128), jnp.float32),
            jax.ShapeDtypeStruct((NB, 4, 30, 128), jnp.int32),
        ],
    )(heading, depth_full)


def _sc_scatter_body(conv_hbm, lin_hbm, neg_hbm, proj_hbm,
                     stage, lin_cmp, pid_cmp, projq, cbuf, bnd, sem):
    cid = lax.axis_index("c")
    sid = lax.axis_index("s")
    b = cid * 16 + sid
    iota = lax.iota(jnp.int32, 16)

    pltpu.sync_copy(neg_hbm, projq)

    bnd[0] = 0

    def stage_step(sc, cnt):
        pltpu.sync_copy(lin_hbm.at[b, pl.ds(sc * STAGE, STAGE)], stage)

        def chunk_step(q, cnt):
            def vreg_step(vi, cnt):
                off = q * CH + vi * 16
                lvec = plsc.load_gather(stage, [off + iota])
                mask = lvec >= 0
                m32 = mask.astype(jnp.int32)
                pos = cnt + plsc.cumsum(m32) - 1
                o256 = (vi * 16 + iota)
                rloc = lax.shift_right_logical(o256, 8)
                c256 = o256 & 255
                coff = (lax.shift_right_logical(rloc, 1) * 128
                        + lax.shift_right_logical(c256, 1))
                plsc.store_scatter(lin_cmp, [pos], lvec, mask=mask)
                plsc.store_scatter(pid_cmp, [pos], coff, mask=mask)
                return cnt + jnp.sum(m32)

            cnt = lax.fori_loop(0, CH // 16, vreg_step, cnt)
            bnd[sc * (STAGE // CH) + q + 1] = cnt
            return cnt

        return lax.fori_loop(0, STAGE // CH, chunk_step, cnt)

    lax.fori_loop(0, NPTS // STAGE, stage_step, 0)

    for fq in range(4):
        def chunk_scatter(ci, _):
            pltpu.sync_copy(
                conv_hbm.at[b, pl.ds(fq * FQ, FQ), pl.ds(ci * CCH, CCH)],
                cbuf)
            lo = bnd[ci]
            hi = bnd[ci + 1]

            def pt(i, _):
                cellv = plsc.load_gather(lin_cmp, [jnp.full((16,), i, jnp.int32)])
                offv = plsc.load_gather(pid_cmp, [jnp.full((16,), i, jnp.int32)])
                vals = plsc.load_gather(cbuf, [iota, offv])
                cur = plsc.load_gather(projq, [cellv, iota])
                plsc.store_scatter(projq, [cellv, iota], jnp.maximum(cur, vals))
                return 0

            lax.fori_loop(lo, hi, pt, 0)
            return 0

        lax.fori_loop(0, NCH, chunk_scatter, 0)

        def fix(i, _):
            rv = jnp.full((16,), i, jnp.int32)
            v = plsc.load_gather(projq, [rv, iota])
            plsc.store_scatter(projq, [rv, iota],
                               jnp.where(v == NEG, 0.0, v))
            return 0

        lax.fori_loop(0, NCELL, fix, 0)
        pltpu.sync_copy(projq, proj_hbm.at[b, fq])
        if fq != 3:
            pltpu.sync_copy(neg_hbm, projq)


def _sc_scatter(conv_flat, lin, neg_const):
    mesh = plsc.VectorSubcoreMesh(core_axis_name="c", subcore_axis_name="s")
    f = functools.partial(
        pl.kernel,
        mesh=mesh,
        compiler_params=pltpu.CompilerParams(needs_layout_passes=False, use_tc_tiling_on_sc=False),
        out_type=jax.ShapeDtypeStruct((NB, 4, NCELL, FQ), jnp.float32),
        scratch_types=[
            pltpu.VMEM((STAGE,), jnp.int32),
            pltpu.VMEM((NPTS // 4 + 16,), jnp.int32),
            pltpu.VMEM((NPTS // 4 + 16,), jnp.int32),
            pltpu.VMEM((NCELL, FQ), jnp.float32),
            pltpu.VMEM((FQ, CCH), jnp.float32),
            pltpu.SMEM((NCH + 1,), jnp.int32),
            pltpu.SemaphoreType.DMA,
        ],
    )(_sc_scatter_body)
    return f(conv_flat, lin, neg_const)


def _sc_sample_body(proj_hbm, wts_hbm, lidx_hbm, out_hbm,
                    idxb, wb, rows, obuf, sem):
    cid = lax.axis_index("c")
    sid = lax.axis_index("s")
    b = cid * 16 + sid
    iota = lax.iota(jnp.int32, 16)

    def group(g, _):
        for k in range(4):
            pltpu.sync_copy(lidx_hbm.at[b, k, pl.ds(g * 128, 128)], idxb.at[k])
            pltpu.sync_copy(wts_hbm.at[b, k, pl.ds(g * 128, 128)], wb.at[k])
        handles = []
        for k in range(4):
            for fq in range(4):
                handles.append(pltpu.async_copy(
                    proj_hbm.at[b, fq].at[idxb.at[k]], rows.at[k, fq], sem))
        for h in handles:
            h.wait()

        def cellstep(cl, _):
            clv = jnp.full((16,), cl, jnp.int32)
            ws = [plsc.load_gather(wb, [jnp.full((16,), k, jnp.int32), clv])
                  for k in range(4)]
            for fq in range(4):
                acc = jnp.zeros((16,), jnp.float32)
                for k in range(4):
                    r = plsc.load_gather(
                        rows, [jnp.full((16,), k, jnp.int32),
                               jnp.full((16,), fq, jnp.int32), clv, iota])
                    acc = acc + ws[k] * r
                plsc.store_scatter(obuf, [fq * 16 + iota, clv], acc)
            return 0

        lax.fori_loop(0, 128, cellstep, 0)
        pltpu.sync_copy(obuf, out_hbm.at[b, :, pl.ds(g * 128, 128)])
        return 0

    lax.fori_loop(0, NPAD // 128, group, 0)


def _sc_sample(proj, wts, lidx):
    mesh = plsc.VectorSubcoreMesh(core_axis_name="c", subcore_axis_name="s")
    f = functools.partial(
        pl.kernel,
        mesh=mesh,
        compiler_params=pltpu.CompilerParams(needs_layout_passes=False, use_tc_tiling_on_sc=False),
        out_type=jax.ShapeDtypeStruct((NB, NF, NPAD), jnp.float32),
        scratch_types=[
            pltpu.VMEM((4, 128), jnp.int32),
            pltpu.VMEM((4, 128), jnp.float32),
            pltpu.VMEM((4, 4, 128, FQ), jnp.float32),
            pltpu.VMEM((NF, 128), jnp.float32),
            pltpu.SemaphoreType.DMA,
        ],
    )(_sc_sample_body)
    return f(proj, wts, lidx)


def kernel(conv, depth, heading):
    depth_full = depth.reshape(NB, 256, 256)
    lin, wts, lidx = _tc_prep(depth_full, heading)
    lin = lin.reshape(NB, NPTS)
    wts = wts.reshape(NB, 4, NPAD)
    lidx = lidx.reshape(NB, 4, NPAD)
    conv_flat = conv.reshape(NB, NF, NPTS // 4)
    neg_const = jnp.full((NCELL, FQ), NEG, jnp.float32)
    proj = _sc_scatter(conv_flat, lin, neg_const)
    out = _sc_sample(proj, wts, lidx)
    return out[:, :, :NCELL].reshape(NB, NF, EGO, EGO)

# --- scband reference (transcript-rebuilt; emitter-appended) ---
"""Pipeline reference for scband-mapping-25890062860344 (READ-ONLY COPY).

The authoritative reference and input builder live on the scoring server;
editing this copy changes nothing except your own understanding.
"""

import jax, jax.numpy as jnp
import numpy as np

EGO = 61
GMS = 275
RES = 0.1
COORD_MIN = -GMS * RES / 2.0
COORD_MAX = GMS * RES / 2.0
LOCAL_SCALE = (COORD_MAX - COORD_MIN) / GMS


def setup_inputs(seed: int = 0):
    key = jax.random.key(seed)
    k1, k2, k3 = jax.random.split(key, 3)
    conv = jax.random.normal(k1, (32, 64, 128, 128), dtype=jnp.float32)
    depth = jax.random.uniform(k2, (32, 256, 256, 1), dtype=jnp.float32)
    heading = jax.random.normal(k3, (32, 1), dtype=jnp.float32)
    return {"conv": conv, "depth": depth, "heading": heading}


def compute_spatial_locs(depth):
    d = jnp.transpose(depth, (0, 3, 1, 2))
    bs, _, imh, imw = d.shape
    cx, cy = imh / 2.0, imw / 2.0
    fx = imh / 2.0 / np.tan(np.deg2rad(45.0))
    fy = imw / 2.0 / np.tan(np.deg2rad(45.0))
    x = jnp.arange(imw).reshape(1, 1, 1, imw).astype(jnp.float32)
    y = jnp.arange(imh, 0, -1).reshape(1, 1, imh, 1).astype(jnp.float32)
    xx = (x - cx) / fx
    yy = (y - cy) / fy
    Z = d
    X = xx * Z
    Y = yy * Z
    valid = (d != 0) & (Y > -1.5) & (Y < 0.1)
    x_gp = jnp.round(X / LOCAL_SCALE + (EGO - 1) / 2.0).astype(jnp.int32)
    y_gp = jnp.round(-(Z / LOCAL_SCALE) + (EGO - 1) / 2.0).astype(jnp.int32)
    return jnp.concatenate([x_gp, y_gp], axis=1), valid


def project_to_ground_plane(conv, spatial_locs, valid_inputs):
    outh, outw = EGO, EGO
    bs, f, HbyK, WbyK = conv.shape
    eps = -1e16
    depth_h = spatial_locs.shape[-1]
    K = depth_h // WbyK
    idx_h = jnp.arange(HbyK) * K
    idx_w = jnp.arange(WbyK) * K
    sl = spatial_locs[:, :, idx_h[:, None], idx_w]
    vi = valid_inputs[:, :, idx_h[:, None], idx_w][:, 0]
    invalid = (~vi) | (sl[:, 1] >= outh) | (sl[:, 1] < 0) | (sl[:, 0] >= outw) | (sl[:, 0] < 0)
    slx = jnp.where(invalid, 0, sl[:, 0])
    sly = jnp.where(invalid, 0, sl[:, 1])
    inv_f = invalid[:, None, :, :].astype(jnp.float32)
    conv_masked = conv * (1.0 - inv_f) + eps * inv_f
    conv_masked = conv_masked.reshape(bs, f, HbyK * WbyK)
    lin = (sly * outw + slx).reshape(bs, HbyK * WbyK)

    def per_b(cm, li):
        res = jax.ops.segment_max(cm.T, li, num_segments=outh * outw)
        return res.T

    proj = jax.vmap(per_b)(conv_masked, lin)
    proj = jnp.where(jnp.isneginf(proj), 0.0, proj)
    eps_mask = (proj == eps).astype(jnp.float32)
    proj = proj * (1.0 - eps_mask) + eps_mask * (proj - eps)
    return proj.reshape(bs, f, outh, outw)


def affine_grid(A, H, W):
    xs = (jnp.arange(W, dtype=jnp.float32) * 2.0 + 1.0) / W - 1.0
    ys = (jnp.arange(H, dtype=jnp.float32) * 2.0 + 1.0) / H - 1.0
    gx, gy = jnp.meshgrid(xs, ys)
    base = jnp.stack([gx, gy, jnp.ones_like(gx)], axis=-1)
    return jnp.einsum('bij,hwj->bhwi', A, base)


def grid_sample(im, grid):
    B, C, H, W = im.shape
    ix = ((grid[..., 0] + 1.0) * W - 1.0) / 2.0
    iy = ((grid[..., 1] + 1.0) * H - 1.0) / 2.0
    x0 = jnp.floor(ix)
    y0 = jnp.floor(iy)
    x1 = x0 + 1.0
    y1 = y0 + 1.0
    wa = (x1 - ix) * (y1 - iy)
    wb = (x1 - ix) * (iy - y0)
    wc = (ix - x0) * (y1 - iy)
    wd = (ix - x0) * (iy - y0)

    def gather(xq, yq):
        valid = (xq >= 0) & (xq <= W - 1) & (yq >= 0) & (yq <= H - 1)
        xc = jnp.clip(xq, 0, W - 1).astype(jnp.int32)
        yc = jnp.clip(yq, 0, H - 1).astype(jnp.int32)
        vals = jax.vmap(lambda img, yy, xx: img[:, yy, xx])(im, yc, xc)
        return vals * valid[:, None, :, :].astype(im.dtype)

    out = (wa[:, None] * gather(x0, y0) + wb[:, None] * gather(x0, y1)
           + wc[:, None] * gather(x1, y0) + wd[:, None] * gather(x1, y1))
    return out


def rotate_tensor(x_gp, heading):
    t = heading[:, 0]
    sin_t = jnp.sin(t)
    cos_t = jnp.cos(t)
    z = jnp.zeros_like(t)
    A = jnp.stack([jnp.stack([cos_t, sin_t, z], axis=1),
                   jnp.stack([-sin_t, cos_t, z], axis=1)], axis=1)
    grid = affine_grid(A, x_gp.shape[2], x_gp.shape[3])
    return grid_sample(x_gp, grid)


def reference(conv, depth, heading):
    sl, valid = compute_spatial_locs(depth * 10.0)
    x_gp = project_to_ground_plane(conv, sl, valid)
    return rotate_tensor(x_gp, -heading)

if __name__ == "__main__":
    import jax
    _d = setup_inputs()
    print(jax.jit(kernel)(*tuple(_d.values())))

</pallas_src>

<mosaic_0001>
#map = affine_map<(d0, d1) -> (0, 0, 0)>
#map1 = affine_map<(d0, d1) -> (0, 0)>
#map2 = affine_map<(d0, d1) -> (0, 0, 0, 0)>
module attributes {stable_mosaic.version = 14 : i64} {
  func.func @_sc_scatter_body(%arg0: i32, %arg1: i32, %arg2: memref<32x64x16384xf32, #tpu.memory_space<hbm>>, %arg3: memref<32x65536xi32, #tpu.memory_space<hbm>>, %arg4: memref<3721x16xf32, #tpu.memory_space<hbm>>, %arg5: memref<32x4x3721x16xf32, #tpu.memory_space<hbm>>, %arg6: memref<4096xi32, #tpu.memory_space<vmem>>, %arg7: memref<16400xi32, #tpu.memory_space<vmem>>, %arg8: memref<16400xi32, #tpu.memory_space<vmem>>, %arg9: memref<3721x16xf32, #tpu.memory_space<vmem>>, %arg10: memref<16x256xf32, #tpu.memory_space<vmem>>, %arg11: memref<65xi32, #tpu.memory_space<smem>>, %arg12: memref<!tpu.dma_semaphore, #tpu.memory_space<semaphore_mem>>) attributes {dimension_semantics = [#tpu.dimension_semantics<core_parallel>, #tpu.dimension_semantics<subcore_parallel>], iteration_bounds = array<i64: 2, 16>, scalar_prefetch = 0 : i64, scratch_operands = 7 : i64, tpu.core_type = #tpu.core_type<sc_vector_subcore>, window_params = [{transform_indices = #map}, {transform_indices = #map1}, {transform_indices = #map1}, {transform_indices = #map2}]} {
    %mul3A = arith.constant 16 : i32
    %mul3A_0 = arith.muli %arg0, %mul3A : i32
    %add3A = arith.addi %mul3A_0, %arg1 : i32
    %iota3A = tpu.iota {dimensions = array<i32: 0>} : vector<16xi32>
    "tpu.region"() ({
      %run_scoped3A_69 = tpu.sem_alloc : memref<!tpu.dma_semaphore, #tpu.memory_space<semaphore_mem>>
      tpu.enqueue_dma source(%arg4 : memref<3721x16xf32, #tpu.memory_space<hbm>>) target(%arg9 : memref<3721x16xf32, #tpu.memory_space<vmem>>) target_semaphore(%run_scoped3A_69 : memref<!tpu.dma_semaphore, #tpu.memory_space<semaphore_mem>>)
      tpu.wait_dma2 semaphore(%run_scoped3A_69 : memref<!tpu.dma_semaphore, #tpu.memory_space<semaphore_mem>>) src(%arg4 : memref<3721x16xf32, #tpu.memory_space<hbm>>) dst(%arg9 : memref<3721x16xf32, #tpu.memory_space<vmem>>)
      tpu.yield
    }) : () -> ()
    %swap3A = arith.constant 0 : i32
    %swap3A_1 = arith.constant 0 : i32
    %swap3A_2 = arith.index_cast %swap3A_1 : i32 to index
    %swap3A_3 = memref.load %arg11[%swap3A_2] : memref<65xi32, #tpu.memory_space<smem>>
    memref.store %swap3A, %arg11[%swap3A_2] : memref<65xi32, #tpu.memory_space<smem>>
    %scan3A = arith.constant 0 : i32
    %scan3A_4 = arith.constant 0 : i32
    %scan3A_5 = arith.constant 16 : i32
    %scan3A_6 = arith.addi %scan3A_4, %scan3A_5 : i32
    %scan3A_7 = arith.constant 1 : i32
    %scan3A_8 = scf.for %scan3A_69 = %scan3A_4 to %scan3A_6 step %scan3A_7 iter_args(%scan3A_70 = %scan3A) -> (i32)  : i32 {
      %mul3A_71 = arith.constant 4096 : i32
      %mul3A_72 = arith.muli %scan3A_69, %mul3A_71 : i32
      "tpu.region"() ({
        %run_scoped3A_79 = tpu.sem_alloc : memref<!tpu.dma_semaphore, #tpu.memory_space<semaphore_mem>>
        %dma_start3A = tpu.memref_slice %arg3[%add3A, %mul3A_72] : memref<32x65536xi32, #tpu.memory_space<hbm>> -> memref<1x4096xi32, #tpu.memory_space<hbm>>
        %dma_start3A_80 = tpu.memref_squeeze %dma_start3A : memref<1x4096xi32, #tpu.memory_space<hbm>> -> memref<4096xi32, #tpu.memory_space<hbm>>
        %dma_start3A_81 = tpu.memref_slice %arg3[%add3A, %mul3A_72] : memref<32x65536xi32, #tpu.memory_space<hbm>> -> memref<1x4096xi32, #tpu.memory_space<hbm>>
        %dma_start3A_82 = tpu.memref_squeeze %dma_start3A_81 : memref<1x4096xi32, #tpu.memory_space<hbm>> -> memref<4096xi32, #tpu.memory_space<hbm>>
        tpu.enqueue_dma source(%dma_start3A_82 : memref<4096xi32, #tpu.memory_space<hbm>>) target(%arg6 : memref<4096xi32, #tpu.memory_space<vmem>>) target_semaphore(%run_scoped3A_79 : memref<!tpu.dma_semaphore, #tpu.memory_space<semaphore_mem>>)
        %dma_wait3A = tpu.memref_slice %arg3[%add3A, %mul3A_72] : memref<32x65536xi32, #tpu.memory_space<hbm>> -> memref<1x4096xi32, #tpu.memory_space<hbm>>
        %dma_wait3A_83 = tpu.memref_squeeze %dma_wait3A : memref<1x4096xi32, #tpu.memory_space<hbm>> -> memref<4096xi32, #tpu.memory_space<hbm>>
        %dma_wait3A_84 = tpu.memref_slice %arg3[%add3A, %mul3A_72] : memref<32x65536xi32, #tpu.memory_space<hbm>> -> memref<1x4096xi32, #tpu.memory_space<hbm>>
        %dma_wait3A_85 = tpu.memref_squeeze %dma_wait3A_84 : memref<1x4096xi32, #tpu.memory_space<hbm>> -> memref<4096xi32, #tpu.memory_space<hbm>>
        tpu.wait_dma2 semaphore(%run_scoped3A_79 : memref<!tpu.dma_semaphore, #tpu.memory_space<semaphore_mem>>) src(%dma_wait3A_85 : memref<4096xi32, #tpu.memory_space<hbm>>) dst(%arg6 : memref<4096xi32, #tpu.memory_space<vmem>>)
        tpu.yield
      }) : () -> ()
      %scan3A_73 = arith.constant 0 : i32
      %scan3A_74 = arith.constant 4 : i32
      %scan3A_75 = arith.addi %scan3A_73, %scan3A_74 : i32
      %scan3A_76 = arith.constant 1 : i32
      %scan3A_77 = scf.for %scan3A_79 = %scan3A_73 to %scan3A_75 step %scan3A_76 iter_args(%scan3A_80 = %scan3A_70) -> (i32)  : i32 {
        %scan3A_81 = arith.constant 0 : i32
        %scan3A_82 = arith.constant 64 : i32
        %scan3A_83 = arith.addi %scan3A_81, %scan3A_82 : i32
        %scan3A_84 = arith.constant 1 : i32
        %scan3A_85 = scf.for %scan3A_94 = %scan3A_81 to %scan3A_83 step %scan3A_84 iter_args(%scan3A_95 = %scan3A_80) -> (i32)  : i32 {
          %mul3A_96 = arith.constant 1024 : i32
          %mul3A_97 = arith.muli %scan3A_79, %mul3A_96 : i32
          %mul3A_98 = arith.constant 16 : i32
          %mul3A_99 = arith.muli %scan3A_94, %mul3A_98 : i32
          %add3A_100 = arith.addi %mul3A_97, %mul3A_99 : i32
          %add3A_101 = vector.broadcast %add3A_100 : i32 to vector<16xi32>
          %add3A_102 = arith.addi %add3A_101, %iota3A : vector<16xi32>
          %gather3A = tpu.vector_load_idx %arg6[%add3A_102] : memref<4096xi32, #tpu.memory_space<vmem>>[vector<16xi32>], vector<16xi32>,
          %ge3A = arith.constant 0 : i32
          %ge3A_103 = vector.broadcast %ge3A : i32 to vector<16xi32>
          %ge3A_104 = arith.cmpi sge, %gather3A, %ge3A_103 : vector<16xi32>
          %convert_element_type3A = arith.extui %ge3A_104 : vector<16xi1> to vector<16xi32>
          %broadcast_in_dim3A = arith.constant true
          %broadcast_in_dim3A_105 = vector.broadcast %broadcast_in_dim3A : i1 to vector<16xi1>
          %masked_cumsum3A = tpu.scan <sum>, %convert_element_type3A masked %broadcast_in_dim3A_105 : vector<16xi32>, vector<16xi1> -> vector<16xi32>
          %add3A_106 = vector.broadcast %scan3A_95 : i32 to vector<16xi32>
          %add3A_107 = arith.addi %add3A_106, %masked_cumsum3A : vector<16xi32>
          %sub3A = arith.constant 1 : i32
          %sub3A_108 = vector.broadcast %sub3A : i32 to vector<16xi32>
          %sub3A_109 = arith.subi %add3A_107, %sub3A_108 : vector<16xi32>
          %mul3A_110 = arith.constant 16 : i32
          %mul3A_111 = arith.muli %scan3A_94, %mul3A_110 : i32
          %add3A_112 = vector.broadcast %mul3A_111 : i32 to vector<16xi32>
          %add3A_113 = arith.addi %add3A_112, %iota3A : vector<16xi32>
          %shift_right_logical3A = arith.constant 8 : i32
          %shift_right_logical3A_114 = vector.broadcast %shift_right_logical3A : i32 to vector<16xi32>
          %shift_right_logical3A_115 = arith.shrui %add3A_113, %shift_right_logical3A_114 : vector<16xi32>
          %and3A = arith.constant 255 : i32
          %and3A_116 = vector.broadcast %and3A : i32 to vector<16xi32>
          %and3A_117 = arith.andi %add3A_113, %and3A_116 : vector<16xi32>
          %shift_right_logical3A_118 = arith.constant 1 : i32
          %shift_right_logical3A_119 = vector.broadcast %shift_right_logical3A_118 : i32 to vector<16xi32>
          %shift_right_logical3A_120 = arith.shrui %shift_right_logical3A_115, %shift_right_logical3A_119 : vector<16xi32>
          %mul3A_121 = arith.constant 128 : i32
          %mul3A_122 = vector.broadcast %mul3A_121 : i32 to vector<16xi32>
          %mul3A_123 = arith.muli %shift_right_logical3A_120, %mul3A_122 : vector<16xi32>
          %shift_right_logical3A_124 = arith.constant 1 : i32
          %shift_right_logical3A_125 = vector.broadcast %shift_right_logical3A_124 : i32 to vector<16xi32>
          %shift_right_logical3A_126 = arith.shrui %and3A_117, %shift_right_logical3A_125 : vector<16xi32>
          %add3A_127 = arith.addi %mul3A_123, %shift_right_logical3A_126 : vector<16xi32>
          tpu.vector_store_idx %arg7[%sub3A_109], %gather3A masked %ge3A_104 : memref<16400xi32, #tpu.memory_space<vmem>>[vector<16xi32>], vector<16xi32>, vector<16xi1>
          tpu.vector_store_idx %arg8[%sub3A_109], %add3A_127 masked %ge3A_104 : memref<16400xi32, #tpu.memory_space<vmem>>[vector<16xi32>], vector<16xi32>, vector<16xi1>
          %reduce_sum3A = arith.constant true
          %reduce_sum3A_128 = vector.broadcast %reduce_sum3A : i1 to vector<16xi1>
          %reduce_sum3A_129 = tpu.scan <sum>, %convert_element_type3A masked %reduce_sum3A_128 : vector<16xi32>, vector<16xi1> -> vector<16xi32>
          %reduce_sum3A_130 = vector.extract %reduce_sum3A_129[15] : i32 from vector<16xi32>
          %add3A_131 = arith.addi %scan3A_95, %reduce_sum3A_130 : i32
          scf.yield %add3A_131 : i32
        }
        %scan3A_86 = arith.constant 64 : i32
        %mul3A_87 = arith.constant 4 : i32
        %mul3A_88 = arith.muli %scan3A_69, %mul3A_87 : i32
        %add3A_89 = arith.addi %mul3A_88, %scan3A_79 : i32
        %add3A_90 = arith.constant 1 : i32
        %add3A_91 = arith.addi %add3A_89, %add3A_90 : i32
        %swap3A_92 = arith.index_cast %add3A_91 : i32 to index
        %swap3A_93 = memref.load %arg11[%swap3A_92] : memref<65xi32, #tpu.memory_space<smem>>
        memref.store %scan3A_85, %arg11[%swap3A_92] : memref<65xi32, #tpu.memory_space<smem>>
        scf.yield %scan3A_85 : i32
      }
      %scan3A_78 = arith.constant 4 : i32
      scf.yield %scan3A_77 : i32
    }
    %scan3A_9 = arith.constant 16 : i32
    %scan3A_10 = arith.constant 0 : i32
    %scan3A_11 = arith.constant 0 : i32
    %scan3A_12 = arith.constant 64 : i32
    %scan3A_13 = arith.addi %scan3A_11, %scan3A_12 : i32
    %scan3A_14 = arith.constant 1 : i32
    %scan3A_15 = scf.for %scan3A_69 = %scan3A_11 to %scan3A_13 step %scan3A_14 iter_args(%scan3A_70 = %scan3A_10) -> (i32)  : i32 {
      %mul3A_71 = arith.constant 256 : i32
      %mul3A_72 = arith.muli %scan3A_69, %mul3A_71 : i32
      "tpu.region"() ({
        %run_scoped3A_89 = tpu.sem_alloc : memref<!tpu.dma_semaphore, #tpu.memory_space<semaphore_mem>>
        %dma_start3A = arith.constant 0 : i32
        %dma_start3A_90 = tpu.memref_slice %arg2[%add3A, %dma_start3A, %mul3A_72] : memref<32x64x16384xf32, #tpu.memory_space<hbm>> -> memref<1x16x256xf32, #tpu.memory_space<hbm>>
        %dma_start3A_91 = tpu.memref_squeeze %dma_start3A_90 : memref<1x16x256xf32, #tpu.memory_space<hbm>> -> memref<16x256xf32, #tpu.memory_space<hbm>>
        %dma_start3A_92 = arith.constant 0 : i32
        %dma_start3A_93 = tpu.memref_slice %arg2[%add3A, %dma_start3A_92, %mul3A_72] : memref<32x64x16384xf32, #tpu.memory_space<hbm>> -> memref<1x16x256xf32, #tpu.memory_space<hbm>>
        %dma_start3A_94 = tpu.memref_squeeze %dma_start3A_93 : memref<1x16x256xf32, #tpu.memory_space<hbm>> -> memref<16x256xf32, #tpu.memory_space<hbm>>
        tpu.enqueue_dma source(%dma_start3A_94 : memref<16x256xf32, #tpu.memory_space<hbm>>) target(%arg10 : memref<16x256xf32, #tpu.memory_space<vmem>>) target_semaphore(%run_scoped3A_89 : memref<!tpu.dma_semaphore, #tpu.memory_space<semaphore_mem>>)
        %dma_wait3A = arith.constant 0 : i32
        %dma_wait3A_95 = tpu.memref_slice %arg2[%add3A, %dma_wait3A, %mul3A_72] : memref<32x64x16384xf32, #tpu.memory_space<hbm>> -> memref<1x16x256xf32, #tpu.memory_space<hbm>>
        %dma_wait3A_96 = tpu.memref_squeeze %dma_wait3A_95 : memref<1x16x256xf32, #tpu.memory_space<hbm>> -> memref<16x256xf32, #tpu.memory_space<hbm>>
        %dma_wait3A_97 = arith.constant 0 : i32
        %dma_wait3A_98 = tpu.memref_slice %arg2[%add3A, %dma_wait3A_97, %mul3A_72] : memref<32x64x16384xf32, #tpu.memory_space<hbm>> -> memref<1x16x256xf32, #tpu.memory_space<hbm>>
        %dma_wait3A_99 = tpu.memref_squeeze %dma_wait3A_98 : memref<1x16x256xf32, #tpu.memory_space<hbm>> -> memref<16x256xf32, #tpu.memory_space<hbm>>
        tpu.wait_dma2 semaphore(%run_scoped3A_89 : memref<!tpu.dma_semaphore, #tpu.memory_space<semaphore_mem>>) src(%dma_wait3A_99 : memref<16x256xf32, #tpu.memory_space<hbm>>) dst(%arg10 : memref<16x256xf32, #tpu.memory_space<vmem>>)
        tpu.yield
      }) : () -> ()
      %get3A = arith.index_cast %scan3A_69 : i32 to index
      %get3A_73 = memref.load %arg11[%get3A] : memref<65xi32, #tpu.memory_space<smem>>
      %add3A_74 = arith.constant 1 : i32
      %add3A_75 = arith.addi %scan3A_69, %add3A_74 : i32
      %get3A_76 = arith.index_cast %add3A_75 : i32 to index
      %get3A_77 = memref.load %arg11[%get3A_76] : memref<65xi32, #tpu.memory_space<smem>>
      %while3A = arith.constant 0 : i32
      %while3A_78 = arith.subi %get3A_77, %get3A_73 : i32
      %while3A_79 = arith.addi %get3A_73, %while3A_78 : i32
      %while3A_80 = arith.constant 1 : i32
      %while3A_81 = arith.divsi %while3A_78, %while3A_80 : i32
      %while3A_82 = arith.muli %while3A_81, %while3A_80 : i32
      %while3A_83 = arith.addi %get3A_73, %while3A_82 : i32
      %while3A_84 = arith.constant 1 : i32
      %while3A_85 = scf.for %while3A_89 = %get3A_73 to %while3A_83 step %while3A_84 iter_args(%while3A_90 = %while3A) -> (i32)  : i32 {
        %broadcast_in_dim3A = vector.broadcast %while3A_89 : i32 to vector<16xi32>
        %gather3A = tpu.vector_load_idx %arg7[%broadcast_in_dim3A] : memref<16400xi32, #tpu.memory_space<vmem>>[vector<16xi32>], vector<16xi32>,
        %broadcast_in_dim3A_91 = vector.broadcast %while3A_89 : i32 to vector<16xi32>
        %gather3A_92 = tpu.vector_load_idx %arg8[%broadcast_in_dim3A_91] : memref<16400xi32, #tpu.memory_space<vmem>>[vector<16xi32>], vector<16xi32>,
        %gather3A_93 = tpu.vector_load_idx %arg10[%iota3A, %gather3A_92] : memref<16x256xf32, #tpu.memory_space<vmem>>[vector<16xi32>, vector<16xi32>], vector<16xf32>,
        %gather3A_94 = tpu.vector_load_idx %arg9[%gather3A, %iota3A] : memref<3721x16xf32, #tpu.memory_space<vmem>>[vector<16xi32>, vector<16xi32>], vector<16xf32>,
        %max3A = arith.maximumf %gather3A_94, %gather3A_93 : vector<16xf32>
        tpu.vector_store_idx %arg9[%gather3A, %iota3A], %max3A : memref<3721x16xf32, #tpu.memory_space<vmem>>[vector<16xi32>, vector<16xi32>], vector<16xf32>,
        %while3A_95 = arith.constant 0 : i32
        scf.yield %while3A_95 : i32
      }
      %while3A_86 = arith.constant 1 : i32
      %while3A_87 = scf.for %while3A_89 = %while3A_83 to %while3A_79 step %while3A_86 iter_args(%while3A_90 = %while3A_85) -> (i32)  : i32 {
        %broadcast_in_dim3A = vector.broadcast %while3A_89 : i32 to vector<16xi32>
        %gather3A = tpu.vector_load_idx %arg7[%broadcast_in_dim3A] : memref<16400xi32, #tpu.memory_space<vmem>>[vector<16xi32>], vector<16xi32>,
        %broadcast_in_dim3A_91 = vector.broadcast %while3A_89 : i32 to vector<16xi32>
        %gather3A_92 = tpu.vector_load_idx %arg8[%broadcast_in_dim3A_91] : memref<16400xi32, #tpu.memory_space<vmem>>[vector<16xi32>], vector<16xi32>,
        %gather3A_93 = tpu.vector_load_idx %arg10[%iota3A, %gather3A_92] : memref<16x256xf32, #tpu.memory_space<vmem>>[vector<16xi32>, vector<16xi32>], vector<16xf32>,
        %gather3A_94 = tpu.vector_load_idx %arg9[%gather3A, %iota3A] : memref<3721x16xf32, #tpu.memory_space<vmem>>[vector<16xi32>, vector<16xi32>], vector<16xf32>,
        %max3A = arith.maximumf %gather3A_94, %gather3A_93 : vector<16xf32>
        tpu.vector_store_idx %arg9[%gather3A, %iota3A], %max3A : memref<3721x16xf32, #tpu.memory_space<vmem>>[vector<16xi32>, vector<16xi32>], vector<16xf32>,
        %while3A_95 = arith.constant 0 : i32
        scf.yield %while3A_95 : i32
      }
      %scan3A_88 = arith.constant 0 : i32
      scf.yield %scan3A_88 : i32
    }
    %scan3A_16 = arith.constant 64 : i32
    %scan3A_17 = arith.constant 0 : i32
    %scan3A_18 = arith.constant 0 : i32
    %scan3A_19 = arith.constant 3721 : i32
    %scan3A_20 = arith.addi %scan3A_18, %scan3A_19 : i32
    %scan3A_21 = arith.constant 1 : i32
    %scan3A_22 = scf.for %scan3A_69 = %scan3A_18 to %scan3A_20 step %scan3A_21 iter_args(%scan3A_70 = %scan3A_17) -> (i32)  : i32 {
      %broadcast_in_dim3A = vector.broadcast %scan3A_69 : i32 to vector<16xi32>
      %gather3A = tpu.vector_load_idx %arg9[%broadcast_in_dim3A, %iota3A] : memref<3721x16xf32, #tpu.memory_space<vmem>>[vector<16xi32>, vector<16xi32>], vector<16xf32>,
      %eq3A = arith.constant -1.000000e+16 : f32
      %eq3A_71 = vector.broadcast %eq3A : f32 to vector<16xf32>
      %eq3A_72 = arith.cmpf oeq, %gather3A, %eq3A_71 : vector<16xf32>
      %jit3A = arith.constant 0.000000e+00 : f32
      %broadcast_in_dim3A_73 = vector.broadcast %jit3A : f32 to vector<16xf32>
      %select_n3A = arith.select %eq3A_72, %broadcast_in_dim3A_73, %gather3A : vector<16xi1>, vector<16xf32>
      tpu.vector_store_idx %arg9[%broadcast_in_dim3A, %iota3A], %select_n3A : memref<3721x16xf32, #tpu.memory_space<vmem>>[vector<16xi32>, vector<16xi32>], vector<16xf32>,
      %scan3A_74 = arith.constant 0 : i32
      scf.yield %scan3A_74 : i32
    }
    %scan3A_23 = arith.constant 3721 : i32
    %run_scoped3A = arith.constant 0 : i32
    "tpu.region"() ({
      %run_scoped3A_69 = tpu.sem_alloc : memref<!tpu.dma_semaphore, #tpu.memory_space<semaphore_mem>>
      %dma_start3A = arith.constant 0 : i32
      %dma_start3A_70 = arith.constant 0 : i32
      %dma_start3A_71 = tpu.memref_slice %arg5[%add3A, %run_scoped3A, %dma_start3A, %dma_start3A_70] : memref<32x4x3721x16xf32, #tpu.memory_space<hbm>> -> memref<1x1x3721x16xf32, #tpu.memory_space<hbm>>
      %dma_start3A_72 = tpu.memref_squeeze %dma_start3A_71 : memref<1x1x3721x16xf32, #tpu.memory_space<hbm>> -> memref<3721x16xf32, #tpu.memory_space<hbm>>
      %dma_start3A_73 = arith.constant 0 : i32
      %dma_start3A_74 = arith.constant 0 : i32
      %dma_start3A_75 = tpu.memref_slice %arg5[%add3A, %run_scoped3A, %dma_start3A_73, %dma_start3A_74] : memref<32x4x3721x16xf32, #tpu.memory_space<hbm>> -> memref<1x1x3721x16xf32, #tpu.memory_space<hbm>>
      %dma_start3A_76 = tpu.memref_squeeze %dma_start3A_75 : memref<1x1x3721x16xf32, #tpu.memory_space<hbm>> -> memref<3721x16xf32, #tpu.memory_space<hbm>>
      tpu.enqueue_dma source(%arg9 : memref<3721x16xf32, #tpu.memory_space<vmem>>) target(%dma_start3A_76 : memref<3721x16xf32, #tpu.memory_space<hbm>>) target_semaphore(%run_scoped3A_69 : memref<!tpu.dma_semaphore, #tpu.memory_space<semaphore_mem>>)
      %dma_wait3A = arith.constant 0 : i32
      %dma_wait3A_77 = arith.constant 0 : i32
      %dma_wait3A_78 = tpu.memref_slice %arg5[%add3A, %run_scoped3A, %dma_wait3A, %dma_wait3A_77] : memref<32x4x3721x16xf32, #tpu.memory_space<hbm>> -> memref<1x1x3721x16xf32, #tpu.memory_space<hbm>>
      %dma_wait3A_79 = tpu.memref_squeeze %dma_wait3A_78 : memref<1x1x3721x16xf32, #tpu.memory_space<hbm>> -> memref<3721x16xf32, #tpu.memory_space<hbm>>
      %dma_wait3A_80 = arith.constant 0 : i32
      %dma_wait3A_81 = arith.constant 0 : i32
      %dma_wait3A_82 = tpu.memref_slice %arg5[%add3A, %run_scoped3A, %dma_wait3A_80, %dma_wait3A_81] : memref<32x4x3721x16xf32, #tpu.memory_space<hbm>> -> memref<1x1x3721x16xf32, #tpu.memory_space<hbm>>
      %dma_wait3A_83 = tpu.memref_squeeze %dma_wait3A_82 : memref<1x1x3721x16xf32, #tpu.memory_space<hbm>> -> memref<3721x16xf32, #tpu.memory_space<hbm>>
      tpu.wait_dma2 semaphore(%run_scoped3A_69 : memref<!tpu.dma_semaphore, #tpu.memory_space<semaphore_mem>>) src(%arg9 : memref<3721x16xf32, #tpu.memory_space<vmem>>) dst(%dma_wait3A_83 : memref<3721x16xf32, #tpu.memory_space<hbm>>)
      tpu.yield
    }) : () -> ()
    "tpu.region"() ({
      %run_scoped3A_69 = tpu.sem_alloc : memref<!tpu.dma_semaphore, #tpu.memory_space<semaphore_mem>>
      tpu.enqueue_dma source(%arg4 : memref<3721x16xf32, #tpu.memory_space<hbm>>) target(%arg9 : memref<3721x16xf32, #tpu.memory_space<vmem>>) target_semaphore(%run_scoped3A_69 : memref<!tpu.dma_semaphore, #tpu.memory_space<semaphore_mem>>)
      tpu.wait_dma2 semaphore(%run_scoped3A_69 : memref<!tpu.dma_semaphore, #tpu.memory_space<semaphore_mem>>) src(%arg4 : memref<3721x16xf32, #tpu.memory_space<hbm>>) dst(%arg9 : memref<3721x16xf32, #tpu.memory_space<vmem>>)
      tpu.yield
    }) : () -> ()
    %scan3A_24 = arith.constant 0 : i32
    %scan3A_25 = arith.constant 0 : i32
    %scan3A_26 = arith.constant 64 : i32
    %scan3A_27 = arith.addi %scan3A_25, %scan3A_26 : i32
    %scan3A_28 = arith.constant 1 : i32
    %scan3A_29 = scf.for %scan3A_69 = %scan3A_25 to %scan3A_27 step %scan3A_28 iter_args(%scan3A_70 = %scan3A_24) -> (i32)  : i32 {
      %mul3A_71 = arith.constant 256 : i32
      %mul3A_72 = arith.muli %scan3A_69, %mul3A_71 : i32
      "tpu.region"() ({
        %run_scoped3A_89 = tpu.sem_alloc : memref<!tpu.dma_semaphore, #tpu.memory_space<semaphore_mem>>
        %dma_start3A = arith.constant 16 : i32
        %dma_start3A_90 = tpu.memref_slice %arg2[%add3A, %dma_start3A, %mul3A_72] : memref<32x64x16384xf32, #tpu.memory_space<hbm>> -> memref<1x16x256xf32, #tpu.memory_space<hbm>>
        %dma_start3A_91 = tpu.memref_squeeze %dma_start3A_90 : memref<1x16x256xf32, #tpu.memory_space<hbm>> -> memref<16x256xf32, #tpu.memory_space<hbm>>
        %dma_start3A_92 = arith.constant 16 : i32
        %dma_start3A_93 = tpu.memref_slice %arg2[%add3A, %dma_start3A_92, %mul3A_72] : memref<32x64x16384xf32, #tpu.memory_space<hbm>> -> memref<1x16x256xf32, #tpu.memory_space<hbm>>
        %dma_start3A_94 = tpu.memref_squeeze %dma_start3A_93 : memref<1x16x256xf32, #tpu.memory_space<hbm>> -> memref<16x256xf32, #tpu.memory_space<hbm>>
        tpu.enqueue_dma source(%dma_start3A_94 : memref<16x256xf32, #tpu.memory_space<hbm>>) target(%arg10 : memref<16x256xf32, #tpu.memory_space<vmem>>) target_semaphore(%run_scoped3A_89 : memref<!tpu.dma_semaphore, #tpu.memory_space<semaphore_mem>>)
        %dma_wait3A = arith.constant 16 : i32
        %dma_wait3A_95 = tpu.memref_slice %arg2[%add3A, %dma_wait3A, %mul3A_72] : memref<32x64x16384xf32, #tpu.memory_space<hbm>> -> memref<1x16x256xf32, #tpu.memory_space<hbm>>
        %dma_wait3A_96 = tpu.memref_squeeze %dma_wait3A_95 : memref<1x16x256xf32, #tpu.memory_space<hbm>> -> memref<16x256xf32, #tpu.memory_space<hbm>>
        %dma_wait3A_97 = arith.constant 16 : i32
        %dma_wait3A_98 = tpu.memref_slice %arg2[%add3A, %dma_wait3A_97, %mul3A_72] : memref<32x64x16384xf32, #tpu.memory_space<hbm>> -> memref<1x16x256xf32, #tpu.memory_space<hbm>>
        %dma_wait3A_99 = tpu.memref_squeeze %dma_wait3A_98 : memref<1x16x256xf32, #tpu.memory_space<hbm>> -> memref<16x256xf32, #tpu.memory_space<hbm>>
        tpu.wait_dma2 semaphore(%run_scoped3A_89 : memref<!tpu.dma_semaphore, #tpu.memory_space<semaphore_mem>>) src(%dma_wait3A_99 : memref<16x256xf32, #tpu.memory_space<hbm>>) dst(%arg10 : memref<16x256xf32, #tpu.memory_space<vmem>>)
        tpu.yield
      }) : () -> ()
      %get3A = arith.index_cast %scan3A_69 : i32 to index
      %get3A_73 = memref.load %arg11[%get3A] : memref<65xi32, #tpu.memory_space<smem>>
      %add3A_74 = arith.constant 1 : i32
      %add3A_75 = arith.addi %scan3A_69, %add3A_74 : i32
      %get3A_76 = arith.index_cast %add3A_75 : i32 to index
      %get3A_77 = memref.load %arg11[%get3A_76] : memref<65xi32, #tpu.memory_space<smem>>
      %while3A = arith.constant 0 : i32
      %while3A_78 = arith.subi %get3A_77, %get3A_73 : i32
      %while3A_79 = arith.addi %get3A_73, %while3A_78 : i32
      %while3A_80 = arith.constant 1 : i32
      %while3A_81 = arith.divsi %while3A_78, %while3A_80 : i32
      %while3A_82 = arith.muli %while3A_81, %while3A_80 : i32
      %while3A_83 = arith.addi %get3A_73, %while3A_82 : i32
      %while3A_84 = arith.constant 1 : i32
      %while3A_85 = scf.for %while3A_89 = %get3A_73 to %while3A_83 step %while3A_84 iter_args(%while3A_90 = %while3A) -> (i32)  : i32 {
        %broadcast_in_dim3A = vector.broadcast %while3A_89 : i32 to vector<16xi32>
        %gather3A = tpu.vector_load_idx %arg7[%broadcast_in_dim3A] : memref<16400xi32, #tpu.memory_space<vmem>>[vector<16xi32>], vector<16xi32>,
        %broadcast_in_dim3A_91 = vector.broadcast %while3A_89 : i32 to vector<16xi32>
        %gather3A_92 = tpu.vector_load_idx %arg8[%broadcast_in_dim3A_91] : memref<16400xi32, #tpu.memory_space<vmem>>[vector<16xi32>], vector<16xi32>,
        %gather3A_93 = tpu.vector_load_idx %arg10[%iota3A, %gather3A_92] : memref<16x256xf32, #tpu.memory_space<vmem>>[vector<16xi32>, vector<16xi32>], vector<16xf32>,
        %gather3A_94 = tpu.vector_load_idx %arg9[%gather3A, %iota3A] : memref<3721x16xf32, #tpu.memory_space<vmem>>[vector<16xi32>, vector<16xi32>], vector<16xf32>,
        %max3A = arith.maximumf %gather3A_94, %gather3A_93 : vector<16xf32>
        tpu.vector_store_idx %arg9[%gather3A, %iota3A], %max3A : memref<3721x16xf32, #tpu.memory_space<vmem>>[vector<16xi32>, vector<16xi32>], vector<16xf32>,
        %while3A_95 = arith.constant 0 : i32
        scf.yield %while3A_95 : i32
      }
      %while3A_86 = arith.constant 1 : i32
      %while3A_87 = scf.for %while3A_89 = %while3A_83 to %while3A_79 step %while3A_86 iter_args(%while3A_90 = %while3A_85) -> (i32)  : i32 {
        %broadcast_in_dim3A = vector.broadcast %while3A_89 : i32 to vector<16xi32>
        %gather3A = tpu.vector_load_idx %arg7[%broadcast_in_dim3A] : memref<16400xi32, #tpu.memory_space<vmem>>[vector<16xi32>], vector<16xi32>,
        %broadcast_in_dim3A_91 = vector.broadcast %while3A_89 : i32 to vector<16xi32>
        %gather3A_92 = tpu.vector_load_idx %arg8[%broadcast_in_dim3A_91] : memref<16400xi32, #tpu.memory_space<vmem>>[vector<16xi32>], vector<16xi32>,
        %gather3A_93 = tpu.vector_load_idx %arg10[%iota3A, %gather3A_92] : memref<16x256xf32, #tpu.memory_space<vmem>>[vector<16xi32>, vector<16xi32>], vector<16xf32>,
        %gather3A_94 = tpu.vector_load_idx %arg9[%gather3A, %iota3A] : memref<3721x16xf32, #tpu.memory_space<vmem>>[vector<16xi32>, vector<16xi32>], vector<16xf32>,
        %max3A = arith.maximumf %gather3A_94, %gather3A_93 : vector<16xf32>
        tpu.vector_store_idx %arg9[%gather3A, %iota3A], %max3A : memref<3721x16xf32, #tpu.memory_space<vmem>>[vector<16xi32>, vector<16xi32>], vector<16xf32>,
        %while3A_95 = arith.constant 0 : i32
        scf.yield %while3A_95 : i32
      }
      %scan3A_88 = arith.constant 0 : i32
      scf.yield %scan3A_88 : i32
    }
    %scan3A_30 = arith.constant 64 : i32
    %scan3A_31 = arith.constant 0 : i32
    %scan3A_32 = arith.constant 0 : i32
    %scan3A_33 = arith.constant 3721 : i32
    %scan3A_34 = arith.addi %scan3A_32, %scan3A_33 : i32
    %scan3A_35 = arith.constant 1 : i32
    %scan3A_36 = scf.for %scan3A_69 = %scan3A_32 to %scan3A_34 step %scan3A_35 iter_args(%scan3A_70 = %scan3A_31) -> (i32)  : i32 {
      %broadcast_in_dim3A = vector.broadcast %scan3A_69 : i32 to vector<16xi32>
      %gather3A = tpu.vector_load_idx %arg9[%broadcast_in_dim3A, %iota3A] : memref<3721x16xf32, #tpu.memory_space<vmem>>[vector<16xi32>, vector<16xi32>], vector<16xf32>,
      %eq3A = arith.constant -1.000000e+16 : f32
      %eq3A_71 = vector.broadcast %eq3A : f32 to vector<16xf32>
      %eq3A_72 = arith.cmpf oeq, %gather3A, %eq3A_71 : vector<16xf32>
      %jit3A = arith.constant 0.000000e+00 : f32
      %broadcast_in_dim3A_73 = vector.broadcast %jit3A : f32 to vector<16xf32>
      %select_n3A = arith.select %eq3A_72, %broadcast_in_dim3A_73, %gather3A : vector<16xi1>, vector<16xf32>
      tpu.vector_store_idx %arg9[%broadcast_in_dim3A, %iota3A], %select_n3A : memref<3721x16xf32, #tpu.memory_space<vmem>>[vector<16xi32>, vector<16xi32>], vector<16xf32>,
      %scan3A_74 = arith.constant 0 : i32
      scf.yield %scan3A_74 : i32
    }
    %scan3A_37 = arith.constant 3721 : i32
    %run_scoped3A_38 = arith.constant 1 : i32
    "tpu.region"() ({
      %run_scoped3A_69 = tpu.sem_alloc : memref<!tpu.dma_semaphore, #tpu.memory_space<semaphore_mem>>
      %dma_start3A = arith.constant 0 : i32
      %dma_start3A_70 = arith.constant 0 : i32
      %dma_start3A_71 = tpu.memref_slice %arg5[%add3A, %run_scoped3A_38, %dma_start3A, %dma_start3A_70] : memref<32x4x3721x16xf32, #tpu.memory_space<hbm>> -> memref<1x1x3721x16xf32, #tpu.memory_space<hbm>>
      %dma_start3A_72 = tpu.memref_squeeze %dma_start3A_71 : memref<1x1x3721x16xf32, #tpu.memory_space<hbm>> -> memref<3721x16xf32, #tpu.memory_space<hbm>>
      %dma_start3A_73 = arith.constant 0 : i32
      %dma_start3A_74 = arith.constant 0 : i32
      %dma_start3A_75 = tpu.memref_slice %arg5[%add3A, %run_scoped3A_38, %dma_start3A_73, %dma_start3A_74] : memref<32x4x3721x16xf32, #tpu.memory_space<hbm>> -> memref<1x1x3721x16xf32, #tpu.memory_space<hbm>>
      %dma_start3A_76 = tpu.memref_squeeze %dma_start3A_75 : memref<1x1x3721x16xf32, #tpu.memory_space<hbm>> -> memref<3721x16xf32, #tpu.memory_space<hbm>>
      tpu.enqueue_dma source(%arg9 : memref<3721x16xf32, #tpu.memory_space<vmem>>) target(%dma_start3A_76 : memref<3721x16xf32, #tpu.memory_space<hbm>>) target_semaphore(%run_scoped3A_69 : memref<!tpu.dma_semaphore, #tpu.memory_space<semaphore_mem>>)
      %dma_wait3A = arith.constant 0 : i32
      %dma_wait3A_77 = arith.constant 0 : i32
      %dma_wait3A_78 = tpu.memref_slice %arg5[%add3A, %run_scoped3A_38, %dma_wait3A, %dma_wait3A_77] : memref<32x4x3721x16xf32, #tpu.memory_space<hbm>> -> memref<1x1x3721x16xf32, #tpu.memory_space<hbm>>
      %dma_wait3A_79 = tpu.memref_squeeze %dma_wait3A_78 : memref<1x1x3721x16xf32, #tpu.memory_space<hbm>> -> memref<3721x16xf32, #tpu.memory_space<hbm>>
      %dma_wait3A_80 = arith.constant 0 : i32
      %dma_wait3A_81 = arith.constant 0 : i32
      %dma_wait3A_82 = tpu.memref_slice %arg5[%add3A, %run_scoped3A_38, %dma_wait3A_80, %dma_wait3A_81] : memref<32x4x3721x16xf32, #tpu.memory_space<hbm>> -> memref<1x1x3721x16xf32, #tpu.memory_space<hbm>>
      %dma_wait3A_83 = tpu.memref_squeeze %dma_wait3A_82 : memref<1x1x3721x16xf32, #tpu.memory_space<hbm>> -> memref<3721x16xf32, #tpu.memory_space<hbm>>
      tpu.wait_dma2 semaphore(%run_scoped3A_69 : memref<!tpu.dma_semaphore, #tpu.memory_space<semaphore_mem>>) src(%arg9 : memref<3721x16xf32, #tpu.memory_space<vmem>>) dst(%dma_wait3A_83 : memref<3721x16xf32, #tpu.memory_space<hbm>>)
      tpu.yield
    }) : () -> ()
    "tpu.region"() ({
      %run_scoped3A_69 = tpu.sem_alloc : memref<!tpu.dma_semaphore, #tpu.memory_space<semaphore_mem>>
      tpu.enqueue_dma source(%arg4 : memref<3721x16xf32, #tpu.memory_space<hbm>>) target(%arg9 : memref<3721x16xf32, #tpu.memory_space<vmem>>) target_semaphore(%run_scoped3A_69 : memref<!tpu.dma_semaphore, #tpu.memory_space<semaphore_mem>>)
      tpu.wait_dma2 semaphore(%run_scoped3A_69 : memref<!tpu.dma_semaphore, #tpu.memory_space<semaphore_mem>>) src(%arg4 : memref<3721x16xf32, #tpu.memory_space<hbm>>) dst(%arg9 : memref<3721x16xf32, #tpu.memory_space<vmem>>)
      tpu.yield
    }) : () -> ()
    %scan3A_39 = arith.constant 0 : i32
    %scan3A_40 = arith.constant 0 : i32
    %scan3A_41 = arith.constant 64 : i32
    %scan3A_42 = arith.addi %scan3A_40, %scan3A_41 : i32
    %scan3A_43 = arith.constant 1 : i32
    %scan3A_44 = scf.for %scan3A_69 = %scan3A_40 to %scan3A_42 step %scan3A_43 iter_args(%scan3A_70 = %scan3A_39) -> (i32)  : i32 {
      %mul3A_71 = arith.constant 256 : i32
      %mul3A_72 = arith.muli %scan3A_69, %mul3A_71 : i32
      "tpu.region"() ({
        %run_scoped3A_89 = tpu.sem_alloc : memref<!tpu.dma_semaphore, #tpu.memory_space<semaphore_mem>>
        %dma_start3A = arith.constant 32 : i32
        %dma_start3A_90 = tpu.memref_slice %arg2[%add3A, %dma_start3A, %mul3A_72] : memref<32x64x16384xf32, #tpu.memory_space<hbm>> -> memref<1x16x256xf32, #tpu.memory_space<hbm>>
        %dma_start3A_91 = tpu.memref_squeeze %dma_start3A_90 : memref<1x16x256xf32, #tpu.memory_space<hbm>> -> memref<16x256xf32, #tpu.memory_space<hbm>>
        %dma_start3A_92 = arith.constant 32 : i32
        %dma_start3A_93 = tpu.memref_slice %arg2[%add3A, %dma_start3A_92, %mul3A_72] : memref<32x64x16384xf32, #tpu.memory_space<hbm>> -> memref<1x16x256xf32, #tpu.memory_space<hbm>>
        %dma_start3A_94 = tpu.memref_squeeze %dma_start3A_93 : memref<1x16x256xf32, #tpu.memory_space<hbm>> -> memref<16x256xf32, #tpu.memory_space<hbm>>
        tpu.enqueue_dma source(%dma_start3A_94 : memref<16x256xf32, #tpu.memory_space<hbm>>) target(%arg10 : memref<16x256xf32, #tpu.memory_space<vmem>>) target_semaphore(%run_scoped3A_89 : memref<!tpu.dma_semaphore, #tpu.memory_space<semaphore_mem>>)
        %dma_wait3A = arith.constant 32 : i32
        %dma_wait3A_95 = tpu.memref_slice %arg2[%add3A, %dma_wait3A, %mul3A_72] : memref<32x64x16384xf32, #tpu.memory_space<hbm>> -> memref<1x16x256xf32, #tpu.memory_space<hbm>>
        %dma_wait3A_96 = tpu.memref_squeeze %dma_wait3A_95 : memref<1x16x256xf32, #tpu.memory_space<hbm>> -> memref<16x256xf32, #tpu.memory_space<hbm>>
        %dma_wait3A_97 = arith.constant 32 : i32
        %dma_wait3A_98 = tpu.memref_slice %arg2[%add3A, %dma_wait3A_97, %mul3A_72] : memref<32x64x16384xf32, #tpu.memory_space<hbm>> -> memref<1x16x256xf32, #tpu.memory_space<hbm>>
        %dma_wait3A_99 = tpu.memref_squeeze %dma_wait3A_98 : memref<1x16x256xf32, #tpu.memory_space<hbm>> -> memref<16x256xf32, #tpu.memory_space<hbm>>
        tpu.wait_dma2 semaphore(%run_scoped3A_89 : memref<!tpu.dma_semaphore, #tpu.memory_space<semaphore_mem>>) src(%dma_wait3A_99 : memref<16x256xf32, #tpu.memory_space<hbm>>) dst(%arg10 : memref<16x256xf32, #tpu.memory_space<vmem>>)
        tpu.yield
      }) : () -> ()
      %get3A = arith.index_cast %scan3A_69 : i32 to index
      %get3A_73 = memref.load %arg11[%get3A] : memref<65xi32, #tpu.memory_space<smem>>
      %add3A_74 = arith.constant 1 : i32
      %add3A_75 = arith.addi %scan3A_69, %add3A_74 : i32
      %get3A_76 = arith.index_cast %add3A_75 : i32 to index
      %get3A_77 = memref.load %arg11[%get3A_76] : memref<65xi32, #tpu.memory_space<smem>>
      %while3A = arith.constant 0 : i32
      %while3A_78 = arith.subi %get3A_77, %get3A_73 : i32
      %while3A_79 = arith.addi %get3A_73, %while3A_78 : i32
      %while3A_80 = arith.constant 1 : i32
      %while3A_81 = arith.divsi %while3A_78, %while3A_80 : i32
      %while3A_82 = arith.muli %while3A_81, %while3A_80 : i32
      %while3A_83 = arith.addi %get3A_73, %while3A_82 : i32
      %while3A_84 = arith.constant 1 : i32
      %while3A_85 = scf.for %while3A_89 = %get3A_73 to %while3A_83 step %while3A_84 iter_args(%while3A_90 = %while3A) -> (i32)  : i32 {
        %broadcast_in_dim3A = vector.broadcast %while3A_89 : i32 to vector<16xi32>
        %gather3A = tpu.vector_load_idx %arg7[%broadcast_in_dim3A] : memref<16400xi32, #tpu.memory_space<vmem>>[vector<16xi32>], vector<16xi32>,
        %broadcast_in_dim3A_91 = vector.broadcast %while3A_89 : i32 to vector<16xi32>
        %gather3A_92 = tpu.vector_load_idx %arg8[%broadcast_in_dim3A_91] : memref<16400xi32, #tpu.memory_space<vmem>>[vector<16xi32>], vector<16xi32>,
        %gather3A_93 = tpu.vector_load_idx %arg10[%iota3A, %gather3A_92] : memref<16x256xf32, #tpu.memory_space<vmem>>[vector<16xi32>, vector<16xi32>], vector<16xf32>,
        %gather3A_94 = tpu.vector_load_idx %arg9[%gather3A, %iota3A] : memref<3721x16xf32, #tpu.memory_space<vmem>>[vector<16xi32>, vector<16xi32>], vector<16xf32>,
        %max3A = arith.maximumf %gather3A_94, %gather3A_93 : vector<16xf32>
        tpu.vector_store_idx %arg9[%gather3A, %iota3A], %max3A : memref<3721x16xf32, #tpu.memory_space<vmem>>[vector<16xi32>, vector<16xi32>], vector<16xf32>,
        %while3A_95 = arith.constant 0 : i32
        scf.yield %while3A_95 : i32
      }
      %while3A_86 = arith.constant 1 : i32
      %while3A_87 = scf.for %while3A_89 = %while3A_83 to %while3A_79 step %while3A_86 iter_args(%while3A_90 = %while3A_85) -> (i32)  : i32 {
        %broadcast_in_dim3A = vector.broadcast %while3A_89 : i32 to vector<16xi32>
        %gather3A = tpu.vector_load_idx %arg7[%broadcast_in_dim3A] : memref<16400xi32, #tpu.memory_space<vmem>>[vector<16xi32>], vector<16xi32>,
        %broadcast_in_dim3A_91 = vector.broadcast %while3A_89 : i32 to vector<16xi32>
        %gather3A_92 = tpu.vector_load_idx %arg8[%broadcast_in_dim3A_91] : memref<16400xi32, #tpu.memory_space<vmem>>[vector<16xi32>], vector<16xi32>,
        %gather3A_93 = tpu.vector_load_idx %arg10[%iota3A, %gather3A_92] : memref<16x256xf32, #tpu.memory_space<vmem>>[vector<16xi32>, vector<16xi32>], vector<16xf32>,
        %gather3A_94 = tpu.vector_load_idx %arg9[%gather3A, %iota3A] : memref<3721x16xf32, #tpu.memory_space<vmem>>[vector<16xi32>, vector<16xi32>], vector<16xf32>,
        %max3A = arith.maximumf %gather3A_94, %gather3A_93 : vector<16xf32>
        tpu.vector_store_idx %arg9[%gather3A, %iota3A], %max3A : memref<3721x16xf32, #tpu.memory_space<vmem>>[vector<16xi32>, vector<16xi32>], vector<16xf32>,
        %while3A_95 = arith.constant 0 : i32
        scf.yield %while3A_95 : i32
      }
      %scan3A_88 = arith.constant 0 : i32
      scf.yield %scan3A_88 : i32
    }
    %scan3A_45 = arith.constant 64 : i32
    %scan3A_46 = arith.constant 0 : i32
    %scan3A_47 = arith.constant 0 : i32
    %scan3A_48 = arith.constant 3721 : i32
    %scan3A_49 = arith.addi %scan3A_47, %scan3A_48 : i32
    %scan3A_50 = arith.constant 1 : i32
    %scan3A_51 = scf.for %scan3A_69 = %scan3A_47 to %scan3A_49 step %scan3A_50 iter_args(%scan3A_70 = %scan3A_46) -> (i32)  : i32 {
      %broadcast_in_dim3A = vector.broadcast %scan3A_69 : i32 to vector<16xi32>
      %gather3A = tpu.vector_load_idx %arg9[%broadcast_in_dim3A, %iota3A] : memref<3721x16xf32, #tpu.memory_space<vmem>>[vector<16xi32>, vector<16xi32>], vector<16xf32>,
      %eq3A = arith.constant -1.000000e+16 : f32
      %eq3A_71 = vector.broadcast %eq3A : f32 to vector<16xf32>
      %eq3A_72 = arith.cmpf oeq, %gather3A, %eq3A_71 : vector<16xf32>
      %jit3A = arith.constant 0.000000e+00 : f32
      %broadcast_in_dim3A_73 = vector.broadcast %jit3A : f32 to vector<16xf32>
      %select_n3A = arith.select %eq3A_72, %broadcast_in_dim3A_73, %gather3A : vector<16xi1>, vector<16xf32>
      tpu.vector_store_idx %arg9[%broadcast_in_dim3A, %iota3A], %select_n3A : memref<3721x16xf32, #tpu.memory_space<vmem>>[vector<16xi32>, vector<16xi32>], vector<16xf32>,
      %scan3A_74 = arith.constant 0 : i32
      scf.yield %scan3A_74 : i32
    }
    %scan3A_52 = arith.constant 3721 : i32
    %run_scoped3A_53 = arith.constant 2 : i32
    "tpu.region"() ({
      %run_scoped3A_69 = tpu.sem_alloc : memref<!tpu.dma_semaphore, #tpu.memory_space<semaphore_mem>>
      %dma_start3A = arith.constant 0 : i32
      %dma_start3A_70 = arith.constant 0 : i32
      %dma_start3A_71 = tpu.memref_slice %arg5[%add3A, %run_scoped3A_53, %dma_start3A, %dma_start3A_70] : memref<32x4x3721x16xf32, #tpu.memory_space<hbm>> -> memref<1x1x3721x16xf32, #tpu.memory_space<hbm>>
      %dma_start3A_72 = tpu.memref_squeeze %dma_start3A_71 : memref<1x1x3721x16xf32, #tpu.memory_space<hbm>> -> memref<3721x16xf32, #tpu.memory_space<hbm>>
      %dma_start3A_73 = arith.constant 0 : i32
      %dma_start3A_74 = arith.constant 0 : i32
      %dma_start3A_75 = tpu.memref_slice %arg5[%add3A, %run_scoped3A_53, %dma_start3A_73, %dma_start3A_74] : memref<32x4x3721x16xf32, #tpu.memory_space<hbm>> -> memref<1x1x3721x16xf32, #tpu.memory_space<hbm>>
      %dma_start3A_76 = tpu.memref_squeeze %dma_start3A_75 : memref<1x1x3721x16xf32, #tpu.memory_space<hbm>> -> memref<3721x16xf32, #tpu.memory_space<hbm>>
      tpu.enqueue_dma source(%arg9 : memref<3721x16xf32, #tpu.memory_space<vmem>>) target(%dma_start3A_76 : memref<3721x16xf32, #tpu.memory_space<hbm>>) target_semaphore(%run_scoped3A_69 : memref<!tpu.dma_semaphore, #tpu.memory_space<semaphore_mem>>)
      %dma_wait3A = arith.constant 0 : i32
      %dma_wait3A_77 = arith.constant 0 : i32
      %dma_wait3A_78 = tpu.memref_slice %arg5[%add3A, %run_scoped3A_53, %dma_wait3A, %dma_wait3A_77] : memref<32x4x3721x16xf32, #tpu.memory_space<hbm>> -> memref<1x1x3721x16xf32, #tpu.memory_space<hbm>>
      %dma_wait3A_79 = tpu.memref_squeeze %dma_wait3A_78 : memref<1x1x3721x16xf32, #tpu.memory_space<hbm>> -> memref<3721x16xf32, #tpu.memory_space<hbm>>
      %dma_wait3A_80 = arith.constant 0 : i32
      %dma_wait3A_81 = arith.constant 0 : i32
      %dma_wait3A_82 = tpu.memref_slice %arg5[%add3A, %run_scoped3A_53, %dma_wait3A_80, %dma_wait3A_81] : memref<32x4x3721x16xf32, #tpu.memory_space<hbm>> -> memref<1x1x3721x16xf32, #tpu.memory_space<hbm>>
      %dma_wait3A_83 = tpu.memref_squeeze %dma_wait3A_82 : memref<1x1x3721x16xf32, #tpu.memory_space<hbm>> -> memref<3721x16xf32, #tpu.memory_space<hbm>>
      tpu.wait_dma2 semaphore(%run_scoped3A_69 : memref<!tpu.dma_semaphore, #tpu.memory_space<semaphore_mem>>) src(%arg9 : memref<3721x16xf32, #tpu.memory_space<vmem>>) dst(%dma_wait3A_83 : memref<3721x16xf32, #tpu.memory_space<hbm>>)
      tpu.yield
    }) : () -> ()
    "tpu.region"() ({
      %run_scoped3A_69 = tpu.sem_alloc : memref<!tpu.dma_semaphore, #tpu.memory_space<semaphore_mem>>
      tpu.enqueue_dma source(%arg4 : memref<3721x16xf32, #tpu.memory_space<hbm>>) target(%arg9 : memref<3721x16xf32, #tpu.memory_space<vmem>>) target_semaphore(%run_scoped3A_69 : memref<!tpu.dma_semaphore, #tpu.memory_space<semaphore_mem>>)
      tpu.wait_dma2 semaphore(%run_scoped3A_69 : memref<!tpu.dma_semaphore, #tpu.memory_space<semaphore_mem>>) src(%arg4 : memref<3721x16xf32, #tpu.memory_space<hbm>>) dst(%arg9 : memref<3721x16xf32, #tpu.memory_space<vmem>>)
      tpu.yield
    }) : () -> ()
    %scan3A_54 = arith.constant 0 : i32
    %scan3A_55 = arith.constant 0 : i32
    %scan3A_56 = arith.constant 64 : i32
    %scan3A_57 = arith.addi %scan3A_55, %scan3A_56 : i32
    %scan3A_58 = arith.constant 1 : i32
    %scan3A_59 = scf.for %scan3A_69 = %scan3A_55 to %scan3A_57 step %scan3A_58 iter_args(%scan3A_70 = %scan3A_54) -> (i32)  : i32 {
      %mul3A_71 = arith.constant 256 : i32
      %mul3A_72 = arith.muli %scan3A_69, %mul3A_71 : i32
      "tpu.region"() ({
        %run_scoped3A_89 = tpu.sem_alloc : memref<!tpu.dma_semaphore, #tpu.memory_space<semaphore_mem>>
        %dma_start3A = arith.constant 48 : i32
        %dma_start3A_90 = tpu.memref_slice %arg2[%add3A, %dma_start3A, %mul3A_72] : memref<32x64x16384xf32, #tpu.memory_space<hbm>> -> memref<1x16x256xf32, #tpu.memory_space<hbm>>
        %dma_start3A_91 = tpu.memref_squeeze %dma_start3A_90 : memref<1x16x256xf32, #tpu.memory_space<hbm>> -> memref<16x256xf32, #tpu.memory_space<hbm>>
        %dma_start3A_92 = arith.constant 48 : i32
        %dma_start3A_93 = tpu.memref_slice %arg2[%add3A, %dma_start3A_92, %mul3A_72] : memref<32x64x16384xf32, #tpu.memory_space<hbm>> -> memref<1x16x256xf32, #tpu.memory_space<hbm>>
        %dma_start3A_94 = tpu.memref_squeeze %dma_start3A_93 : memref<1x16x256xf32, #tpu.memory_space<hbm>> -> memref<16x256xf32, #tpu.memory_space<hbm>>
        tpu.enqueue_dma source(%dma_start3A_94 : memref<16x256xf32, #tpu.memory_space<hbm>>) target(%arg10 : memref<16x256xf32, #tpu.memory_space<vmem>>) target_semaphore(%run_scoped3A_89 : memref<!tpu.dma_semaphore, #tpu.memory_space<semaphore_mem>>)
        %dma_wait3A = arith.constant 48 : i32
        %dma_wait3A_95 = tpu.memref_slice %arg2[%add3A, %dma_wait3A, %mul3A_72] : memref<32x64x16384xf32, #tpu.memory_space<hbm>> -> memref<1x16x256xf32, #tpu.memory_space<hbm>>
        %dma_wait3A_96 = tpu.memref_squeeze %dma_wait3A_95 : memref<1x16x256xf32, #tpu.memory_space<hbm>> -> memref<16x256xf32, #tpu.memory_space<hbm>>
        %dma_wait3A_97 = arith.constant 48 : i32
        %dma_wait3A_98 = tpu.memref_slice %arg2[%add3A, %dma_wait3A_97, %mul3A_72] : memref<32x64x16384xf32, #tpu.memory_space<hbm>> -> memref<1x16x256xf32, #tpu.memory_space<hbm>>
        %dma_wait3A_99 = tpu.memref_squeeze %dma_wait3A_98 : memref<1x16x256xf32, #tpu.memory_space<hbm>> -> memref<16x256xf32, #tpu.memory_space<hbm>>
        tpu.wait_dma2 semaphore(%run_scoped3A_89 : memref<!tpu.dma_semaphore, #tpu.memory_space<semaphore_mem>>) src(%dma_wait3A_99 : memref<16x256xf32, #tpu.memory_space<hbm>>) dst(%arg10 : memref<16x256xf32, #tpu.memory_space<vmem>>)
        tpu.yield
      }) : () -> ()
      %get3A = arith.index_cast %scan3A_69 : i32 to index
      %get3A_73 = memref.load %arg11[%get3A] : memref<65xi32, #tpu.memory_space<smem>>
      %add3A_74 = arith.constant 1 : i32
      %add3A_75 = arith.addi %scan3A_69, %add3A_74 : i32
      %get3A_76 = arith.index_cast %add3A_75 : i32 to index
      %get3A_77 = memref.load %arg11[%get3A_76] : memref<65xi32, #tpu.memory_space<smem>>
      %while3A = arith.constant 0 : i32
      %while3A_78 = arith.subi %get3A_77, %get3A_73 : i32
      %while3A_79 = arith.addi %get3A_73, %while3A_78 : i32
      %while3A_80 = arith.constant 1 : i32
      %while3A_81 = arith.divsi %while3A_78, %while3A_80 : i32
      %while3A_82 = arith.muli %while3A_81, %while3A_80 : i32
      %while3A_83 = arith.addi %get3A_73, %while3A_82 : i32
      %while3A_84 = arith.constant 1 : i32
      %while3A_85 = scf.for %while3A_89 = %get3A_73 to %while3A_83 step %while3A_84 iter_args(%while3A_90 = %while3A) -> (i32)  : i32 {
        %broadcast_in_dim3A = vector.broadcast %while3A_89 : i32 to vector<16xi32>
        %gather3A = tpu.vector_load_idx %arg7[%broadcast_in_dim3A] : memref<16400xi32, #tpu.memory_space<vmem>>[vector<16xi32>], vector<16xi32>,
        %broadcast_in_dim3A_91 = vector.broadcast %while3A_89 : i32 to vector<16xi32>
        %gather3A_92 = tpu.vector_load_idx %arg8[%broadcast_in_dim3A_91] : memref<16400xi32, #tpu.memory_space<vmem>>[vector<16xi32>], vector<16xi32>,
        %gather3A_93 = tpu.vector_load_idx %arg10[%iota3A, %gather3A_92] : memref<16x256xf32, #tpu.memory_space<vmem>>[vector<16xi32>, vector<16xi32>], vector<16xf32>,
        %gather3A_94 = tpu.vector_load_idx %arg9[%gather3A, %iota3A] : memref<3721x16xf32, #tpu.memory_space<vmem>>[vector<16xi32>, vector<16xi32>], vector<16xf32>,
        %max3A = arith.maximumf %gather3A_94, %gather3A_93 : vector<16xf32>
        tpu.vector_store_idx %arg9[%gather3A, %iota3A], %max3A : memref<3721x16xf32, #tpu.memory_space<vmem>>[vector<16xi32>, vector<16xi32>], vector<16xf32>,
        %while3A_95 = arith.constant 0 : i32
        scf.yield %while3A_95 : i32
      }
      %while3A_86 = arith.constant 1 : i32
      %while3A_87 = scf.for %while3A_89 = %while3A_83 to %while3A_79 step %while3A_86 iter_args(%while3A_90 = %while3A_85) -> (i32)  : i32 {
        %broadcast_in_dim3A = vector.broadcast %while3A_89 : i32 to vector<16xi32>
        %gather3A = tpu.vector_load_idx %arg7[%broadcast_in_dim3A] : memref<16400xi32, #tpu.memory_space<vmem>>[vector<16xi32>], vector<16xi32>,
        %broadcast_in_dim3A_91 = vector.broadcast %while3A_89 : i32 to vector<16xi32>
        %gather3A_92 = tpu.vector_load_idx %arg8[%broadcast_in_dim3A_91] : memref<16400xi32, #tpu.memory_space<vmem>>[vector<16xi32>], vector<16xi32>,
        %gather3A_93 = tpu.vector_load_idx %arg10[%iota3A, %gather3A_92] : memref<16x256xf32, #tpu.memory_space<vmem>>[vector<16xi32>, vector<16xi32>], vector<16xf32>,
        %gather3A_94 = tpu.vector_load_idx %arg9[%gather3A, %iota3A] : memref<3721x16xf32, #tpu.memory_space<vmem>>[vector<16xi32>, vector<16xi32>], vector<16xf32>,
        %max3A = arith.maximumf %gather3A_94, %gather3A_93 : vector<16xf32>
        tpu.vector_store_idx %arg9[%gather3A, %iota3A], %max3A : memref<3721x16xf32, #tpu.memory_space<vmem>>[vector<16xi32>, vector<16xi32>], vector<16xf32>,
        %while3A_95 = arith.constant 0 : i32
        scf.yield %while3A_95 : i32
      }
      %scan3A_88 = arith.constant 0 : i32
      scf.yield %scan3A_88 : i32
    }
    %scan3A_60 = arith.constant 64 : i32
    %scan3A_61 = arith.constant 0 : i32
    %scan3A_62 = arith.constant 0 : i32
    %scan3A_63 = arith.constant 3721 : i32
    %scan3A_64 = arith.addi %scan3A_62, %scan3A_63 : i32
    %scan3A_65 = arith.constant 1 : i32
    %scan3A_66 = scf.for %scan3A_69 = %scan3A_62 to %scan3A_64 step %scan3A_65 iter_args(%scan3A_70 = %scan3A_61) -> (i32)  : i32 {
      %broadcast_in_dim3A = vector.broadcast %scan3A_69 : i32 to vector<16xi32>
      %gather3A = tpu.vector_load_idx %arg9[%broadcast_in_dim3A, %iota3A] : memref<3721x16xf32, #tpu.memory_space<vmem>>[vector<16xi32>, vector<16xi32>], vector<16xf32>,
      %eq3A = arith.constant -1.000000e+16 : f32
      %eq3A_71 = vector.broadcast %eq3A : f32 to vector<16xf32>
      %eq3A_72 = arith.cmpf oeq, %gather3A, %eq3A_71 : vector<16xf32>
      %jit3A = arith.constant 0.000000e+00 : f32
      %broadcast_in_dim3A_73 = vector.broadcast %jit3A : f32 to vector<16xf32>
      %select_n3A = arith.select %eq3A_72, %broadcast_in_dim3A_73, %gather3A : vector<16xi1>, vector<16xf32>
      tpu.vector_store_idx %arg9[%broadcast_in_dim3A, %iota3A], %select_n3A : memref<3721x16xf32, #tpu.memory_space<vmem>>[vector<16xi32>, vector<16xi32>], vector<16xf32>,
      %scan3A_74 = arith.constant 0 : i32
      scf.yield %scan3A_74 : i32
    }
    %scan3A_67 = arith.constant 3721 : i32
    %run_scoped3A_68 = arith.constant 3 : i32
    "tpu.region"() ({
      %run_scoped3A_69 = tpu.sem_alloc : memref<!tpu.dma_semaphore, #tpu.memory_space<semaphore_mem>>
      %dma_start3A = arith.constant 0 : i32
      %dma_start3A_70 = arith.constant 0 : i32
      %dma_start3A_71 = tpu.memref_slice %arg5[%add3A, %run_scoped3A_68, %dma_start3A, %dma_start3A_70] : memref<32x4x3721x16xf32, #tpu.memory_space<hbm>> -> memref<1x1x3721x16xf32, #tpu.memory_space<hbm>>
      %dma_start3A_72 = tpu.memref_squeeze %dma_start3A_71 : memref<1x1x3721x16xf32, #tpu.memory_space<hbm>> -> memref<3721x16xf32, #tpu.memory_space<hbm>>
      %dma_start3A_73 = arith.constant 0 : i32
      %dma_start3A_74 = arith.constant 0 : i32
      %dma_start3A_75 = tpu.memref_slice %arg5[%add3A, %run_scoped3A_68, %dma_start3A_73, %dma_start3A_74] : memref<32x4x3721x16xf32, #tpu.memory_space<hbm>> -> memref<1x1x3721x16xf32, #tpu.memory_space<hbm>>
      %dma_start3A_76 = tpu.memref_squeeze %dma_start3A_75 : memref<1x1x3721x16xf32, #tpu.memory_space<hbm>> -> memref<3721x16xf32, #tpu.memory_space<hbm>>
      tpu.enqueue_dma source(%arg9 : memref<3721x16xf32, #tpu.memory_space<vmem>>) target(%dma_start3A_76 : memref<3721x16xf32, #tpu.memory_space<hbm>>) target_semaphore(%run_scoped3A_69 : memref<!tpu.dma_semaphore, #tpu.memory_space<semaphore_mem>>)
      %dma_wait3A = arith.constant 0 : i32
      %dma_wait3A_77 = arith.constant 0 : i32
      %dma_wait3A_78 = tpu.memref_slice %arg5[%add3A, %run_scoped3A_68, %dma_wait3A, %dma_wait3A_77] : memref<32x4x3721x16xf32, #tpu.memory_space<hbm>> -> memref<1x1x3721x16xf32, #tpu.memory_space<hbm>>
      %dma_wait3A_79 = tpu.memref_squeeze %dma_wait3A_78 : memref<1x1x3721x16xf32, #tpu.memory_space<hbm>> -> memref<3721x16xf32, #tpu.memory_space<hbm>>
      %dma_wait3A_80 = arith.constant 0 : i32
      %dma_wait3A_81 = arith.constant 0 : i32
      %dma_wait3A_82 = tpu.memref_slice %arg5[%add3A, %run_scoped3A_68, %dma_wait3A_80, %dma_wait3A_81] : memref<32x4x3721x16xf32, #tpu.memory_space<hbm>> -> memref<1x1x3721x16xf32, #tpu.memory_space<hbm>>
      %dma_wait3A_83 = tpu.memref_squeeze %dma_wait3A_82 : memref<1x1x3721x16xf32, #tpu.memory_space<hbm>> -> memref<3721x16xf32, #tpu.memory_space<hbm>>
      tpu.wait_dma2 semaphore(%run_scoped3A_69 : memref<!tpu.dma_semaphore, #tpu.memory_space<semaphore_mem>>) src(%arg9 : memref<3721x16xf32, #tpu.memory_space<vmem>>) dst(%dma_wait3A_83 : memref<3721x16xf32, #tpu.memory_space<hbm>>)
      tpu.yield
    }) : () -> ()
    return
  }
}

#map = affine_map<(d0, d1) -> (0, 0, 0, 0)>
#map1 = affine_map<(d0, d1) -> (0, 0, 0)>
module attributes {stable_mosaic.version = 14 : i64} {
  func.func @_sc_sample_body(%arg0: i32, %arg1: i32, %arg2: memref<32x4x3721x16xf32, #tpu.memory_space<hbm>>, %arg3: memref<32x4x3840xf32, #tpu.memory_space<hbm>>, %arg4: memref<32x4x3840xi32, #tpu.memory_space<hbm>>, %arg5: memref<32x64x3840xf32, #tpu.memory_space<hbm>>, %arg6: memref<4x128xi32, #tpu.memory_space<vmem>>, %arg7: memref<4x128xf32, #tpu.memory_space<vmem>>, %arg8: memref<4x4x128x16xf32, #tpu.memory_space<vmem>>, %arg9: memref<64x128xf32, #tpu.memory_space<vmem>>, %arg10: memref<!tpu.dma_semaphore, #tpu.memory_space<semaphore_mem>>) attributes {dimension_semantics = [#tpu.dimension_semantics<core_parallel>, #tpu.dimension_semantics<subcore_parallel>], iteration_bounds = array<i64: 2, 16>, scalar_prefetch = 0 : i64, scratch_operands = 5 : i64, tpu.core_type = #tpu.core_type<sc_vector_subcore>, window_params = [{transform_indices = #map}, {transform_indices = #map1}, {transform_indices = #map1}, {transform_indices = #map1}]} {
    %mul3A = arith.constant 16 : i32
    %mul3A_0 = arith.muli %arg0, %mul3A : i32
    %add3A = arith.addi %mul3A_0, %arg1 : i32
    %iota3A = tpu.iota {dimensions = array<i32: 0>} : vector<16xi32>
    %scan3A = arith.constant 0 : i32
    %scan3A_1 = arith.constant 0 : i32
    %scan3A_2 = arith.constant 30 : i32
    %scan3A_3 = arith.addi %scan3A_1, %scan3A_2 : i32
    %scan3A_4 = arith.constant 1 : i32
    %scan3A_5 = scf.for %scan3A_7 = %scan3A_1 to %scan3A_3 step %scan3A_4 iter_args(%scan3A_8 = %scan3A) -> (i32)  : i32 {
      %mul3A_9 = arith.constant 128 : i32
      %mul3A_10 = arith.muli %scan3A_7, %mul3A_9 : i32
      %run_scoped3A = arith.constant 0 : i32
      %run_scoped3A_11 = arith.constant 0 : i32
      "tpu.region"() ({
        %run_scoped3A_624 = tpu.sem_alloc : memref<!tpu.dma_semaphore, #tpu.memory_space<semaphore_mem>>
        %dma_start3A_625 = arith.constant 0 : i32
        %dma_start3A_626 = tpu.memref_slice %arg6[%run_scoped3A_11, %dma_start3A_625] : memref<4x128xi32, #tpu.memory_space<vmem>> -> memref<1x128xi32, #tpu.memory_space<vmem>>
        %dma_start3A_627 = tpu.memref_squeeze %dma_start3A_626 : memref<1x128xi32, #tpu.memory_space<vmem>> -> memref<128xi32, #tpu.memory_space<vmem>>
        %dma_start3A_628 = tpu.memref_slice %arg4[%add3A, %run_scoped3A, %mul3A_10] : memref<32x4x3840xi32, #tpu.memory_space<hbm>> -> memref<1x1x128xi32, #tpu.memory_space<hbm>>
        %dma_start3A_629 = tpu.memref_squeeze %dma_start3A_628 : memref<1x1x128xi32, #tpu.memory_space<hbm>> -> memref<128xi32, #tpu.memory_space<hbm>>
        %dma_start3A_630 = arith.constant 0 : i32
        %dma_start3A_631 = tpu.memref_slice %arg6[%run_scoped3A_11, %dma_start3A_630] : memref<4x128xi32, #tpu.memory_space<vmem>> -> memref<1x128xi32, #tpu.memory_space<vmem>>
        %dma_start3A_632 = tpu.memref_squeeze %dma_start3A_631 : memref<1x128xi32, #tpu.memory_space<vmem>> -> memref<128xi32, #tpu.memory_space<vmem>>
        %dma_start3A_633 = tpu.memref_slice %arg4[%add3A, %run_scoped3A, %mul3A_10] : memref<32x4x3840xi32, #tpu.memory_space<hbm>> -> memref<1x1x128xi32, #tpu.memory_space<hbm>>
        %dma_start3A_634 = tpu.memref_squeeze %dma_start3A_633 : memref<1x1x128xi32, #tpu.memory_space<hbm>> -> memref<128xi32, #tpu.memory_space<hbm>>
        tpu.enqueue_dma source(%dma_start3A_634 : memref<128xi32, #tpu.memory_space<hbm>>) target(%dma_start3A_632 : memref<128xi32, #tpu.memory_space<vmem>>) target_semaphore(%run_scoped3A_624 : memref<!tpu.dma_semaphore, #tpu.memory_space<semaphore_mem>>)
        %dma_wait3A_635 = arith.constant 0 : i32
        %dma_wait3A_636 = tpu.memref_slice %arg6[%run_scoped3A_11, %dma_wait3A_635] : memref<4x128xi32, #tpu.memory_space<vmem>> -> memref<1x128xi32, #tpu.memory_space<vmem>>
        %dma_wait3A_637 = tpu.memref_squeeze %dma_wait3A_636 : memref<1x128xi32, #tpu.memory_space<vmem>> -> memref<128xi32, #tpu.memory_space<vmem>>
        %dma_wait3A_638 = tpu.memref_slice %arg4[%add3A, %run_scoped3A, %mul3A_10] : memref<32x4x3840xi32, #tpu.memory_space<hbm>> -> memref<1x1x128xi32, #tpu.memory_space<hbm>>
        %dma_wait3A_639 = tpu.memref_squeeze %dma_wait3A_638 : memref<1x1x128xi32, #tpu.memory_space<hbm>> -> memref<128xi32, #tpu.memory_space<hbm>>
        %dma_wait3A_640 = arith.constant 0 : i32
        %dma_wait3A_641 = tpu.memref_slice %arg6[%run_scoped3A_11, %dma_wait3A_640] : memref<4x128xi32, #tpu.memory_space<vmem>> -> memref<1x128xi32, #tpu.memory_space<vmem>>
        %dma_wait3A_642 = tpu.memref_squeeze %dma_wait3A_641 : memref<1x128xi32, #tpu.memory_space<vmem>> -> memref<128xi32, #tpu.memory_space<vmem>>
        %dma_wait3A_643 = tpu.memref_slice %arg4[%add3A, %run_scoped3A, %mul3A_10] : memref<32x4x3840xi32, #tpu.memory_space<hbm>> -> memref<1x1x128xi32, #tpu.memory_space<hbm>>
        %dma_wait3A_644 = tpu.memref_squeeze %dma_wait3A_643 : memref<1x1x128xi32, #tpu.memory_space<hbm>> -> memref<128xi32, #tpu.memory_space<hbm>>
        tpu.wait_dma2 semaphore(%run_scoped3A_624 : memref<!tpu.dma_semaphore, #tpu.memory_space<semaphore_mem>>) src(%dma_wait3A_644 : memref<128xi32, #tpu.memory_space<hbm>>) dst(%dma_wait3A_642 : memref<128xi32, #tpu.memory_space<vmem>>)
        tpu.yield
      }) : () -> ()
      %mul3A_12 = arith.constant 128 : i32
      %mul3A_13 = arith.muli %scan3A_7, %mul3A_12 : i32
      %run_scoped3A_14 = arith.constant 0 : i32
      %run_scoped3A_15 = arith.constant 0 : i32
      "tpu.region"() ({
        %run_scoped3A_624 = tpu.sem_alloc : memref<!tpu.dma_semaphore, #tpu.memory_space<semaphore_mem>>
        %dma_start3A_625 = arith.constant 0 : i32
        %dma_start3A_626 = tpu.memref_slice %arg7[%run_scoped3A_15, %dma_start3A_625] : memref<4x128xf32, #tpu.memory_space<vmem>> -> memref<1x128xf32, #tpu.memory_space<vmem>>
        %dma_start3A_627 = tpu.memref_squeeze %dma_start3A_626 : memref<1x128xf32, #tpu.memory_space<vmem>> -> memref<128xf32, #tpu.memory_space<vmem>>
        %dma_start3A_628 = tpu.memref_slice %arg3[%add3A, %run_scoped3A_14, %mul3A_13] : memref<32x4x3840xf32, #tpu.memory_space<hbm>> -> memref<1x1x128xf32, #tpu.memory_space<hbm>>
        %dma_start3A_629 = tpu.memref_squeeze %dma_start3A_628 : memref<1x1x128xf32, #tpu.memory_space<hbm>> -> memref<128xf32, #tpu.memory_space<hbm>>
        %dma_start3A_630 = arith.constant 0 : i32
        %dma_start3A_631 = tpu.memref_slice %arg7[%run_scoped3A_15, %dma_start3A_630] : memref<4x128xf32, #tpu.memory_space<vmem>> -> memref<1x128xf32, #tpu.memory_space<vmem>>
        %dma_start3A_632 = tpu.memref_squeeze %dma_start3A_631 : memref<1x128xf32, #tpu.memory_space<vmem>> -> memref<128xf32, #tpu.memory_space<vmem>>
        %dma_start3A_633 = tpu.memref_slice %arg3[%add3A, %run_scoped3A_14, %mul3A_13] : memref<32x4x3840xf32, #tpu.memory_space<hbm>> -> memref<1x1x128xf32, #tpu.memory_space<hbm>>
        %dma_start3A_634 = tpu.memref_squeeze %dma_start3A_633 : memref<1x1x128xf32, #tpu.memory_space<hbm>> -> memref<128xf32, #tpu.memory_space<hbm>>
        tpu.enqueue_dma source(%dma_start3A_634 : memref<128xf32, #tpu.memory_space<hbm>>) target(%dma_start3A_632 : memref<128xf32, #tpu.memory_space<vmem>>) target_semaphore(%run_scoped3A_624 : memref<!tpu.dma_semaphore, #tpu.memory_space<semaphore_mem>>)
        %dma_wait3A_635 = arith.constant 0 : i32
        %dma_wait3A_636 = tpu.memref_slice %arg7[%run_scoped3A_15, %dma_wait3A_635] : memref<4x128xf32, #tpu.memory_space<vmem>> -> memref<1x128xf32, #tpu.memory_space<vmem>>
        %dma_wait3A_637 = tpu.memref_squeeze %dma_wait3A_636 : memref<1x128xf32, #tpu.memory_space<vmem>> -> memref<128xf32, #tpu.memory_space<vmem>>
        %dma_wait3A_638 = tpu.memref_slice %arg3[%add3A, %run_scoped3A_14, %mul3A_13] : memref<32x4x3840xf32, #tpu.memory_space<hbm>> -> memref<1x1x128xf32, #tpu.memory_space<hbm>>
        %dma_wait3A_639 = tpu.memref_squeeze %dma_wait3A_638 : memref<1x1x128xf32, #tpu.memory_space<hbm>> -> memref<128xf32, #tpu.memory_space<hbm>>
        %dma_wait3A_640 = arith.constant 0 : i32
        %dma_wait3A_641 = tpu.memref_slice %arg7[%run_scoped3A_15, %dma_wait3A_640] : memref<4x128xf32, #tpu.memory_space<vmem>> -> memref<1x128xf32, #tpu.memory_space<vmem>>
        %dma_wait3A_642 = tpu.memref_squeeze %dma_wait3A_641 : memref<1x128xf32, #tpu.memory_space<vmem>> -> memref<128xf32, #tpu.memory_space<vmem>>
        %dma_wait3A_643 = tpu.memref_slice %arg3[%add3A, %run_scoped3A_14, %mul3A_13] : memref<32x4x3840xf32, #tpu.memory_space<hbm>> -> memref<1x1x128xf32, #tpu.memory_space<hbm>>
        %dma_wait3A_644 = tpu.memref_squeeze %dma_wait3A_643 : memref<1x1x128xf32, #tpu.memory_space<hbm>> -> memref<128xf32, #tpu.memory_space<hbm>>
        tpu.wait_dma2 semaphore(%run_scoped3A_624 : memref<!tpu.dma_semaphore, #tpu.memory_space<semaphore_mem>>) src(%dma_wait3A_644 : memref<128xf32, #tpu.memory_space<hbm>>) dst(%dma_wait3A_642 : memref<128xf32, #tpu.memory_space<vmem>>)
        tpu.yield
      }) : () -> ()
      %mul3A_16 = arith.constant 128 : i32
      %mul3A_17 = arith.muli %scan3A_7, %mul3A_16 : i32
      %run_scoped3A_18 = arith.constant 1 : i32
      %run_scoped3A_19 = arith.constant 1 : i32
      "tpu.region"() ({
        %run_scoped3A_624 = tpu.sem_alloc : memref<!tpu.dma_semaphore, #tpu.memory_space<semaphore_mem>>
        %dma_start3A_625 = arith.constant 0 : i32
        %dma_start3A_626 = tpu.memref_slice %arg6[%run_scoped3A_19, %dma_start3A_625] : memref<4x128xi32, #tpu.memory_space<vmem>> -> memref<1x128xi32, #tpu.memory_space<vmem>>
        %dma_start3A_627 = tpu.memref_squeeze %dma_start3A_626 : memref<1x128xi32, #tpu.memory_space<vmem>> -> memref<128xi32, #tpu.memory_space<vmem>>
        %dma_start3A_628 = tpu.memref_slice %arg4[%add3A, %run_scoped3A_18, %mul3A_17] : memref<32x4x3840xi32, #tpu.memory_space<hbm>> -> memref<1x1x128xi32, #tpu.memory_space<hbm>>
        %dma_start3A_629 = tpu.memref_squeeze %dma_start3A_628 : memref<1x1x128xi32, #tpu.memory_space<hbm>> -> memref<128xi32, #tpu.memory_space<hbm>>
        %dma_start3A_630 = arith.constant 0 : i32
        %dma_start3A_631 = tpu.memref_slice %arg6[%run_scoped3A_19, %dma_start3A_630] : memref<4x128xi32, #tpu.memory_space<vmem>> -> memref<1x128xi32, #tpu.memory_space<vmem>>
        %dma_start3A_632 = tpu.memref_squeeze %dma_start3A_631 : memref<1x128xi32, #tpu.memory_space<vmem>> -> memref<128xi32, #tpu.memory_space<vmem>>
        %dma_start3A_633 = tpu.memref_slice %arg4[%add3A, %run_scoped3A_18, %mul3A_17] : memref<32x4x3840xi32, #tpu.memory_space<hbm>> -> memref<1x1x128xi32, #tpu.memory_space<hbm>>
        %dma_start3A_634 = tpu.memref_squeeze %dma_start3A_633 : memref<1x1x128xi32, #tpu.memory_space<hbm>> -> memref<128xi32, #tpu.memory_space<hbm>>
        tpu.enqueue_dma source(%dma_start3A_634 : memref<128xi32, #tpu.memory_space<hbm>>) target(%dma_start3A_632 : memref<128xi32, #tpu.memory_space<vmem>>) target_semaphore(%run_scoped3A_624 : memref<!tpu.dma_semaphore, #tpu.memory_space<semaphore_mem>>)
        %dma_wait3A_635 = arith.constant 0 : i32
        %dma_wait3A_636 = tpu.memref_slice %arg6[%run_scoped3A_19, %dma_wait3A_635] : memref<4x128xi32, #tpu.memory_space<vmem>> -> memref<1x128xi32, #tpu.memory_space<vmem>>
        %dma_wait3A_637 = tpu.memref_squeeze %dma_wait3A_636 : memref<1x128xi32, #tpu.memory_space<vmem>> -> memref<128xi32, #tpu.memory_space<vmem>>
        %dma_wait3A_638 = tpu.memref_slice %arg4[%add3A, %run_scoped3A_18, %mul3A_17] : memref<32x4x3840xi32, #tpu.memory_space<hbm>> -> memref<1x1x128xi32, #tpu.memory_space<hbm>>
        %dma_wait3A_639 = tpu.memref_squeeze %dma_wait3A_638 : memref<1x1x128xi32, #tpu.memory_space<hbm>> -> memref<128xi32, #tpu.memory_space<hbm>>
        %dma_wait3A_640 = arith.constant 0 : i32
        %dma_wait3A_641 = tpu.memref_slice %arg6[%run_scoped3A_19, %dma_wait3A_640] : memref<4x128xi32, #tpu.memory_space<vmem>> -> memref<1x128xi32, #tpu.memory_space<vmem>>
        %dma_wait3A_642 = tpu.memref_squeeze %dma_wait3A_641 : memref<1x128xi32, #tpu.memory_space<vmem>> -> memref<128xi32, #tpu.memory_space<vmem>>
        %dma_wait3A_643 = tpu.memref_slice %arg4[%add3A, %run_scoped3A_18, %mul3A_17] : memref<32x4x3840xi32, #tpu.memory_space<hbm>> -> memref<1x1x128xi32, #tpu.memory_space<hbm>>
        %dma_wait3A_644 = tpu.memref_squeeze %dma_wait3A_643 : memref<1x1x128xi32, #tpu.memory_space<hbm>> -> memref<128xi32, #tpu.memory_space<hbm>>
        tpu.wait_dma2 semaphore(%run_scoped3A_624 : memref<!tpu.dma_semaphore, #tpu.memory_space<semaphore_mem>>) src(%dma_wait3A_644 : memref<128xi32, #tpu.memory_space<hbm>>) dst(%dma_wait3A_642 : memref<128xi32, #tpu.memory_space<vmem>>)
        tpu.yield
      }) : () -> ()
      %mul3A_20 = arith.constant 128 : i32
      %mul3A_21 = arith.muli %scan3A_7, %mul3A_20 : i32
      %run_scoped3A_22 = arith.constant 1 : i32
      %run_scoped3A_23 = arith.constant 1 : i32
      "tpu.region"() ({
        %run_scoped3A_624 = tpu.sem_alloc : memref<!tpu.dma_semaphore, #tpu.memory_space<semaphore_mem>>
        %dma_start3A_625 = arith.constant 0 : i32
        %dma_start3A_626 = tpu.memref_slice %arg7[%run_scoped3A_23, %dma_start3A_625] : memref<4x128xf32, #tpu.memory_space<vmem>> -> memref<1x128xf32, #tpu.memory_space<vmem>>
        %dma_start3A_627 = tpu.memref_squeeze %dma_start3A_626 : memref<1x128xf32, #tpu.memory_space<vmem>> -> memref<128xf32, #tpu.memory_space<vmem>>
        %dma_start3A_628 = tpu.memref_slice %arg3[%add3A, %run_scoped3A_22, %mul3A_21] : memref<32x4x3840xf32, #tpu.memory_space<hbm>> -> memref<1x1x128xf32, #tpu.memory_space<hbm>>
        %dma_start3A_629 = tpu.memref_squeeze %dma_start3A_628 : memref<1x1x128xf32, #tpu.memory_space<hbm>> -> memref<128xf32, #tpu.memory_space<hbm>>
        %dma_start3A_630 = arith.constant 0 : i32
        %dma_start3A_631 = tpu.memref_slice %arg7[%run_scoped3A_23, %dma_start3A_630] : memref<4x128xf32, #tpu.memory_space<vmem>> -> memref<1x128xf32, #tpu.memory_space<vmem>>
        %dma_start3A_632 = tpu.memref_squeeze %dma_start3A_631 : memref<1x128xf32, #tpu.memory_space<vmem>> -> memref<128xf32, #tpu.memory_space<vmem>>
        %dma_start3A_633 = tpu.memref_slice %arg3[%add3A, %run_scoped3A_22, %mul3A_21] : memref<32x4x3840xf32, #tpu.memory_space<hbm>> -> memref<1x1x128xf32, #tpu.memory_space<hbm>>
        %dma_start3A_634 = tpu.memref_squeeze %dma_start3A_633 : memref<1x1x128xf32, #tpu.memory_space<hbm>> -> memref<128xf32, #tpu.memory_space<hbm>>
        tpu.enqueue_dma source(%dma_start3A_634 : memref<128xf32, #tpu.memory_space<hbm>>) target(%dma_start3A_632 : memref<128xf32, #tpu.memory_space<vmem>>) target_semaphore(%run_scoped3A_624 : memref<!tpu.dma_semaphore, #tpu.memory_space<semaphore_mem>>)
        %dma_wait3A_635 = arith.constant 0 : i32
        %dma_wait3A_636 = tpu.memref_slice %arg7[%run_scoped3A_23, %dma_wait3A_635] : memref<4x128xf32, #tpu.memory_space<vmem>> -> memref<1x128xf32, #tpu.memory_space<vmem>>
        %dma_wait3A_637 = tpu.memref_squeeze %dma_wait3A_636 : memref<1x128xf32, #tpu.memory_space<vmem>> -> memref<128xf32, #tpu.memory_space<vmem>>
        %dma_wait3A_638 = tpu.memref_slice %arg3[%add3A, %run_scoped3A_22, %mul3A_21] : memref<32x4x3840xf32, #tpu.memory_space<hbm>> -> memref<1x1x128xf32, #tpu.memory_space<hbm>>
        %dma_wait3A_639 = tpu.memref_squeeze %dma_wait3A_638 : memref<1x1x128xf32, #tpu.memory_space<hbm>> -> memref<128xf32, #tpu.memory_space<hbm>>
        %dma_wait3A_640 = arith.constant 0 : i32
        %dma_wait3A_641 = tpu.memref_slice %arg7[%run_scoped3A_23, %dma_wait3A_640] : memref<4x128xf32, #tpu.memory_space<vmem>> -> memref<1x128xf32, #tpu.memory_space<vmem>>
        %dma_wait3A_642 = tpu.memref_squeeze %dma_wait3A_641 : memref<1x128xf32, #tpu.memory_space<vmem>> -> memref<128xf32, #tpu.memory_space<vmem>>
        %dma_wait3A_643 = tpu.memref_slice %arg3[%add3A, %run_scoped3A_22, %mul3A_21] : memref<32x4x3840xf32, #tpu.memory_space<hbm>> -> memref<1x1x128xf32, #tpu.memory_space<hbm>>
        %dma_wait3A_644 = tpu.memref_squeeze %dma_wait3A_643 : memref<1x1x128xf32, #tpu.memory_space<hbm>> -> memref<128xf32, #tpu.memory_space<hbm>>
        tpu.wait_dma2 semaphore(%run_scoped3A_624 : memref<!tpu.dma_semaphore, #tpu.memory_space<semaphore_mem>>) src(%dma_wait3A_644 : memref<128xf32, #tpu.memory_space<hbm>>) dst(%dma_wait3A_642 : memref<128xf32, #tpu.memory_space<vmem>>)
        tpu.yield
      }) : () -> ()
      %mul3A_24 = arith.constant 128 : i32
      %mul3A_25 = arith.muli %scan3A_7, %mul3A_24 : i32
      %run_scoped3A_26 = arith.constant 2 : i32
      %run_scoped3A_27 = arith.constant 2 : i32
      "tpu.region"() ({
        %run_scoped3A_624 = tpu.sem_alloc : memref<!tpu.dma_semaphore, #tpu.memory_space<semaphore_mem>>
        %dma_start3A_625 = arith.constant 0 : i32
        %dma_start3A_626 = tpu.memref_slice %arg6[%run_scoped3A_27, %dma_start3A_625] : memref<4x128xi32, #tpu.memory_space<vmem>> -> memref<1x128xi32, #tpu.memory_space<vmem>>
        %dma_start3A_627 = tpu.memref_squeeze %dma_start3A_626 : memref<1x128xi32, #tpu.memory_space<vmem>> -> memref<128xi32, #tpu.memory_space<vmem>>
        %dma_start3A_628 = tpu.memref_slice %arg4[%add3A, %run_scoped3A_26, %mul3A_25] : memref<32x4x3840xi32, #tpu.memory_space<hbm>> -> memref<1x1x128xi32, #tpu.memory_space<hbm>>
        %dma_start3A_629 = tpu.memref_squeeze %dma_start3A_628 : memref<1x1x128xi32, #tpu.memory_space<hbm>> -> memref<128xi32, #tpu.memory_space<hbm>>
        %dma_start3A_630 = arith.constant 0 : i32
        %dma_start3A_631 = tpu.memref_slice %arg6[%run_scoped3A_27, %dma_start3A_630] : memref<4x128xi32, #tpu.memory_space<vmem>> -> memref<1x128xi32, #tpu.memory_space<vmem>>
        %dma_start3A_632 = tpu.memref_squeeze %dma_start3A_631 : memref<1x128xi32, #tpu.memory_space<vmem>> -> memref<128xi32, #tpu.memory_space<vmem>>
        %dma_start3A_633 = tpu.memref_slice %arg4[%add3A, %run_scoped3A_26, %mul3A_25] : memref<32x4x3840xi32, #tpu.memory_space<hbm>> -> memref<1x1x128xi32, #tpu.memory_space<hbm>>
        %dma_start3A_634 = tpu.memref_squeeze %dma_start3A_633 : memref<1x1x128xi32, #tpu.memory_space<hbm>> -> memref<128xi32, #tpu.memory_space<hbm>>
        tpu.enqueue_dma source(%dma_start3A_634 : memref<128xi32, #tpu.memory_space<hbm>>) target(%dma_start3A_632 : memref<128xi32, #tpu.memory_space<vmem>>) target_semaphore(%run_scoped3A_624 : memref<!tpu.dma_semaphore, #tpu.memory_space<semaphore_mem>>)
        %dma_wait3A_635 = arith.constant 0 : i32
        %dma_wait3A_636 = tpu.memref_slice %arg6[%run_scoped3A_27, %dma_wait3A_635] : memref<4x128xi32, #tpu.memory_space<vmem>> -> memref<1x128xi32, #tpu.memory_space<vmem>>
        %dma_wait3A_637 = tpu.memref_squeeze %dma_wait3A_636 : memref<1x128xi32, #tpu.memory_space<vmem>> -> memref<128xi32, #tpu.memory_space<vmem>>
        %dma_wait3A_638 = tpu.memref_slice %arg4[%add3A, %run_scoped3A_26, %mul3A_25] : memref<32x4x3840xi32, #tpu.memory_space<hbm>> -> memref<1x1x128xi32, #tpu.memory_space<hbm>>
        %dma_wait3A_639 = tpu.memref_squeeze %dma_wait3A_638 : memref<1x1x128xi32, #tpu.memory_space<hbm>> -> memref<128xi32, #tpu.memory_space<hbm>>
        %dma_wait3A_640 = arith.constant 0 : i32
        %dma_wait3A_641 = tpu.memref_slice %arg6[%run_scoped3A_27, %dma_wait3A_640] : memref<4x128xi32, #tpu.memory_space<vmem>> -> memref<1x128xi32, #tpu.memory_space<vmem>>
        %dma_wait3A_642 = tpu.memref_squeeze %dma_wait3A_641 : memref<1x128xi32, #tpu.memory_space<vmem>> -> memref<128xi32, #tpu.memory_space<vmem>>
        %dma_wait3A_643 = tpu.memref_slice %arg4[%add3A, %run_scoped3A_26, %mul3A_25] : memref<32x4x3840xi32, #tpu.memory_space<hbm>> -> memref<1x1x128xi32, #tpu.memory_space<hbm>>
        %dma_wait3A_644 = tpu.memref_squeeze %dma_wait3A_643 : memref<1x1x128xi32, #tpu.memory_space<hbm>> -> memref<128xi32, #tpu.memory_space<hbm>>
        tpu.wait_dma2 semaphore(%run_scoped3A_624 : memref<!tpu.dma_semaphore, #tpu.memory_space<semaphore_mem>>) src(%dma_wait3A_644 : memref<128xi32, #tpu.memory_space<hbm>>) dst(%dma_wait3A_642 : memref<128xi32, #tpu.memory_space<vmem>>)
        tpu.yield
      }) : () -> ()
      %mul3A_28 = arith.constant 128 : i32
      %mul3A_29 = arith.muli %scan3A_7, %mul3A_28 : i32
      %run_scoped3A_30 = arith.constant 2 : i32
      %run_scoped3A_31 = arith.constant 2 : i32
      "tpu.region"() ({
        %run_scoped3A_624 = tpu.sem_alloc : memref<!tpu.dma_semaphore, #tpu.memory_space<semaphore_mem>>
        %dma_start3A_625 = arith.constant 0 : i32
        %dma_start3A_626 = tpu.memref_slice %arg7[%run_scoped3A_31, %dma_start3A_625] : memref<4x128xf32, #tpu.memory_space<vmem>> -> memref<1x128xf32, #tpu.memory_space<vmem>>
        %dma_start3A_627 = tpu.memref_squeeze %dma_start3A_626 : memref<1x128xf32, #tpu.memory_space<vmem>> -> memref<128xf32, #tpu.memory_space<vmem>>
        %dma_start3A_628 = tpu.memref_slice %arg3[%add3A, %run_scoped3A_30, %mul3A_29] : memref<32x4x3840xf32, #tpu.memory_space<hbm>> -> memref<1x1x128xf32, #tpu.memory_space<hbm>>
        %dma_start3A_629 = tpu.memref_squeeze %dma_start3A_628 : memref<1x1x128xf32, #tpu.memory_space<hbm>> -> memref<128xf32, #tpu.memory_space<hbm>>
        %dma_start3A_630 = arith.constant 0 : i32
        %dma_start3A_631 = tpu.memref_slice %arg7[%run_scoped3A_31, %dma_start3A_630] : memref<4x128xf32, #tpu.memory_space<vmem>> -> memref<1x128xf32, #tpu.memory_space<vmem>>
        %dma_start3A_632 = tpu.memref_squeeze %dma_start3A_631 : memref<1x128xf32, #tpu.memory_space<vmem>> -> memref<128xf32, #tpu.memory_space<vmem>>
        %dma_start3A_633 = tpu.memref_slice %arg3[%add3A, %run_scoped3A_30, %mul3A_29] : memref<32x4x3840xf32, #tpu.memory_space<hbm>> -> memref<1x1x128xf32, #tpu.memory_space<hbm>>
        %dma_start3A_634 = tpu.memref_squeeze %dma_start3A_633 : memref<1x1x128xf32, #tpu.memory_space<hbm>> -> memref<128xf32, #tpu.memory_space<hbm>>
        tpu.enqueue_dma source(%dma_start3A_634 : memref<128xf32, #tpu.memory_space<hbm>>) target(%dma_start3A_632 : memref<128xf32, #tpu.memory_space<vmem>>) target_semaphore(%run_scoped3A_624 : memref<!tpu.dma_semaphore, #tpu.memory_space<semaphore_mem>>)
        %dma_wait3A_635 = arith.constant 0 : i32
        %dma_wait3A_636 = tpu.memref_slice %arg7[%run_scoped3A_31, %dma_wait3A_635] : memref<4x128xf32, #tpu.memory_space<vmem>> -> memref<1x128xf32, #tpu.memory_space<vmem>>
        %dma_wait3A_637 = tpu.memref_squeeze %dma_wait3A_636 : memref<1x128xf32, #tpu.memory_space<vmem>> -> memref<128xf32, #tpu.memory_space<vmem>>
        %dma_wait3A_638 = tpu.memref_slice %arg3[%add3A, %run_scoped3A_30, %mul3A_29] : memref<32x4x3840xf32, #tpu.memory_space<hbm>> -> memref<1x1x128xf32, #tpu.memory_space<hbm>>
        %dma_wait3A_639 = tpu.memref_squeeze %dma_wait3A_638 : memref<1x1x128xf32, #tpu.memory_space<hbm>> -> memref<128xf32, #tpu.memory_space<hbm>>
        %dma_wait3A_640 = arith.constant 0 : i32
        %dma_wait3A_641 = tpu.memref_slice %arg7[%run_scoped3A_31, %dma_wait3A_640] : memref<4x128xf32, #tpu.memory_space<vmem>> -> memref<1x128xf32, #tpu.memory_space<vmem>>
        %dma_wait3A_642 = tpu.memref_squeeze %dma_wait3A_641 : memref<1x128xf32, #tpu.memory_space<vmem>> -> memref<128xf32, #tpu.memory_space<vmem>>
        %dma_wait3A_643 = tpu.memref_slice %arg3[%add3A, %run_scoped3A_30, %mul3A_29] : memref<32x4x3840xf32, #tpu.memory_space<hbm>> -> memref<1x1x128xf32, #tpu.memory_space<hbm>>
        %dma_wait3A_644 = tpu.memref_squeeze %dma_wait3A_643 : memref<1x1x128xf32, #tpu.memory_space<hbm>> -> memref<128xf32, #tpu.memory_space<hbm>>
        tpu.wait_dma2 semaphore(%run_scoped3A_624 : memref<!tpu.dma_semaphore, #tpu.memory_space<semaphore_mem>>) src(%dma_wait3A_644 : memref<128xf32, #tpu.memory_space<hbm>>) dst(%dma_wait3A_642 : memref<128xf32, #tpu.memory_space<vmem>>)
        tpu.yield
      }) : () -> ()
      %mul3A_32 = arith.constant 128 : i32
      %mul3A_33 = arith.muli %scan3A_7, %mul3A_32 : i32
      %run_scoped3A_34 = arith.constant 3 : i32
      %run_scoped3A_35 = arith.constant 3 : i32
      "tpu.region"() ({
        %run_scoped3A_624 = tpu.sem_alloc : memref<!tpu.dma_semaphore, #tpu.memory_space<semaphore_mem>>
        %dma_start3A_625 = arith.constant 0 : i32
        %dma_start3A_626 = tpu.memref_slice %arg6[%run_scoped3A_35, %dma_start3A_625] : memref<4x128xi32, #tpu.memory_space<vmem>> -> memref<1x128xi32, #tpu.memory_space<vmem>>
        %dma_start3A_627 = tpu.memref_squeeze %dma_start3A_626 : memref<1x128xi32, #tpu.memory_space<vmem>> -> memref<128xi32, #tpu.memory_space<vmem>>
        %dma_start3A_628 = tpu.memref_slice %arg4[%add3A, %run_scoped3A_34, %mul3A_33] : memref<32x4x3840xi32, #tpu.memory_space<hbm>> -> memref<1x1x128xi32, #tpu.memory_space<hbm>>
        %dma_start3A_629 = tpu.memref_squeeze %dma_start3A_628 : memref<1x1x128xi32, #tpu.memory_space<hbm>> -> memref<128xi32, #tpu.memory_space<hbm>>
        %dma_start3A_630 = arith.constant 0 : i32
        %dma_start3A_631 = tpu.memref_slice %arg6[%run_scoped3A_35, %dma_start3A_630] : memref<4x128xi32, #tpu.memory_space<vmem>> -> memref<1x128xi32, #tpu.memory_space<vmem>>
        %dma_start3A_632 = tpu.memref_squeeze %dma_start3A_631 : memref<1x128xi32, #tpu.memory_space<vmem>> -> memref<128xi32, #tpu.memory_space<vmem>>
        %dma_start3A_633 = tpu.memref_slice %arg4[%add3A, %run_scoped3A_34, %mul3A_33] : memref<32x4x3840xi32, #tpu.memory_space<hbm>> -> memref<1x1x128xi32, #tpu.memory_space<hbm>>
        %dma_start3A_634 = tpu.memref_squeeze %dma_start3A_633 : memref<1x1x128xi32, #tpu.memory_space<hbm>> -> memref<128xi32, #tpu.memory_space<hbm>>
        tpu.enqueue_dma source(%dma_start3A_634 : memref<128xi32, #tpu.memory_space<hbm>>) target(%dma_start3A_632 : memref<128xi32, #tpu.memory_space<vmem>>) target_semaphore(%run_scoped3A_624 : memref<!tpu.dma_semaphore, #tpu.memory_space<semaphore_mem>>)
        %dma_wait3A_635 = arith.constant 0 : i32
        %dma_wait3A_636 = tpu.memref_slice %arg6[%run_scoped3A_35, %dma_wait3A_635] : memref<4x128xi32, #tpu.memory_space<vmem>> -> memref<1x128xi32, #tpu.memory_space<vmem>>
        %dma_wait3A_637 = tpu.memref_squeeze %dma_wait3A_636 : memref<1x128xi32, #tpu.memory_space<vmem>> -> memref<128xi32, #tpu.memory_space<vmem>>
        %dma_wait3A_638 = tpu.memref_slice %arg4[%add3A, %run_scoped3A_34, %mul3A_33] : memref<32x4x3840xi32, #tpu.memory_space<hbm>> -> memref<1x1x128xi32, #tpu.memory_space<hbm>>
        %dma_wait3A_639 = tpu.memref_squeeze %dma_wait3A_638 : memref<1x1x128xi32, #tpu.memory_space<hbm>> -> memref<128xi32, #tpu.memory_space<hbm>>
        %dma_wait3A_640 = arith.constant 0 : i32
        %dma_wait3A_641 = tpu.memref_slice %arg6[%run_scoped3A_35, %dma_wait3A_640] : memref<4x128xi32, #tpu.memory_space<vmem>> -> memref<1x128xi32, #tpu.memory_space<vmem>>
        %dma_wait3A_642 = tpu.memref_squeeze %dma_wait3A_641 : memref<1x128xi32, #tpu.memory_space<vmem>> -> memref<128xi32, #tpu.memory_space<vmem>>
        %dma_wait3A_643 = tpu.memref_slice %arg4[%add3A, %run_scoped3A_34, %mul3A_33] : memref<32x4x3840xi32, #tpu.memory_space<hbm>> -> memref<1x1x128xi32, #tpu.memory_space<hbm>>
        %dma_wait3A_644 = tpu.memref_squeeze %dma_wait3A_643 : memref<1x1x128xi32, #tpu.memory_space<hbm>> -> memref<128xi32, #tpu.memory_space<hbm>>
        tpu.wait_dma2 semaphore(%run_scoped3A_624 : memref<!tpu.dma_semaphore, #tpu.memory_space<semaphore_mem>>) src(%dma_wait3A_644 : memref<128xi32, #tpu.memory_space<hbm>>) dst(%dma_wait3A_642 : memref<128xi32, #tpu.memory_space<vmem>>)
        tpu.yield
      }) : () -> ()
      %mul3A_36 = arith.constant 128 : i32
      %mul3A_37 = arith.muli %scan3A_7, %mul3A_36 : i32
      %run_scoped3A_38 = arith.constant 3 : i32
      %run_scoped3A_39 = arith.constant 3 : i32
      "tpu.region"() ({
        %run_scoped3A_624 = tpu.sem_alloc : memref<!tpu.dma_semaphore, #tpu.memory_space<semaphore_mem>>
        %dma_start3A_625 = arith.constant 0 : i32
        %dma_start3A_626 = tpu.memref_slice %arg7[%run_scoped3A_39, %dma_start3A_625] : memref<4x128xf32, #tpu.memory_space<vmem>> -> memref<1x128xf32, #tpu.memory_space<vmem>>
        %dma_start3A_627 = tpu.memref_squeeze %dma_start3A_626 : memref<1x128xf32, #tpu.memory_space<vmem>> -> memref<128xf32, #tpu.memory_space<vmem>>
        %dma_start3A_628 = tpu.memref_slice %arg3[%add3A, %run_scoped3A_38, %mul3A_37] : memref<32x4x3840xf32, #tpu.memory_space<hbm>> -> memref<1x1x128xf32, #tpu.memory_space<hbm>>
        %dma_start3A_629 = tpu.memref_squeeze %dma_start3A_628 : memref<1x1x128xf32, #tpu.memory_space<hbm>> -> memref<128xf32, #tpu.memory_space<hbm>>
        %dma_start3A_630 = arith.constant 0 : i32
        %dma_start3A_631 = tpu.memref_slice %arg7[%run_scoped3A_39, %dma_start3A_630] : memref<4x128xf32, #tpu.memory_space<vmem>> -> memref<1x128xf32, #tpu.memory_space<vmem>>
        %dma_start3A_632 = tpu.memref_squeeze %dma_start3A_631 : memref<1x128xf32, #tpu.memory_space<vmem>> -> memref<128xf32, #tpu.memory_space<vmem>>
        %dma_start3A_633 = tpu.memref_slice %arg3[%add3A, %run_scoped3A_38, %mul3A_37] : memref<32x4x3840xf32, #tpu.memory_space<hbm>> -> memref<1x1x128xf32, #tpu.memory_space<hbm>>
        %dma_start3A_634 = tpu.memref_squeeze %dma_start3A_633 : memref<1x1x128xf32, #tpu.memory_space<hbm>> -> memref<128xf32, #tpu.memory_space<hbm>>
        tpu.enqueue_dma source(%dma_start3A_634 : memref<128xf32, #tpu.memory_space<hbm>>) target(%dma_start3A_632 : memref<128xf32, #tpu.memory_space<vmem>>) target_semaphore(%run_scoped3A_624 : memref<!tpu.dma_semaphore, #tpu.memory_space<semaphore_mem>>)
        %dma_wait3A_635 = arith.constant 0 : i32
        %dma_wait3A_636 = tpu.memref_slice %arg7[%run_scoped3A_39, %dma_wait3A_635] : memref<4x128xf32, #tpu.memory_space<vmem>> -> memref<1x128xf32, #tpu.memory_space<vmem>>
        %dma_wait3A_637 = tpu.memref_squeeze %dma_wait3A_636 : memref<1x128xf32, #tpu.memory_space<vmem>> -> memref<128xf32, #tpu.memory_space<vmem>>
        %dma_wait3A_638 = tpu.memref_slice %arg3[%add3A, %run_scoped3A_38, %mul3A_37] : memref<32x4x3840xf32, #tpu.memory_space<hbm>> -> memref<1x1x128xf32, #tpu.memory_space<hbm>>
        %dma_wait3A_639 = tpu.memref_squeeze %dma_wait3A_638 : memref<1x1x128xf32, #tpu.memory_space<hbm>> -> memref<128xf32, #tpu.memory_space<hbm>>
        %dma_wait3A_640 = arith.constant 0 : i32
        %dma_wait3A_641 = tpu.memref_slice %arg7[%run_scoped3A_39, %dma_wait3A_640] : memref<4x128xf32, #tpu.memory_space<vmem>> -> memref<1x128xf32, #tpu.memory_space<vmem>>
        %dma_wait3A_642 = tpu.memref_squeeze %dma_wait3A_641 : memref<1x128xf32, #tpu.memory_space<vmem>> -> memref<128xf32, #tpu.memory_space<vmem>>
        %dma_wait3A_643 = tpu.memref_slice %arg3[%add3A, %run_scoped3A_38, %mul3A_37] : memref<32x4x3840xf32, #tpu.memory_space<hbm>> -> memref<1x1x128xf32, #tpu.memory_space<hbm>>
        %dma_wait3A_644 = tpu.memref_squeeze %dma_wait3A_643 : memref<1x1x128xf32, #tpu.memory_space<hbm>> -> memref<128xf32, #tpu.memory_space<hbm>>
        tpu.wait_dma2 semaphore(%run_scoped3A_624 : memref<!tpu.dma_semaphore, #tpu.memory_space<semaphore_mem>>) src(%dma_wait3A_644 : memref<128xf32, #tpu.memory_space<hbm>>) dst(%dma_wait3A_642 : memref<128xf32, #tpu.memory_space<vmem>>)
        tpu.yield
      }) : () -> ()
      %dma_start3A = arith.constant 0 : i32
      %dma_start3A_40 = arith.constant 0 : i32
      %dma_start3A_41 = arith.constant 0 : i32
      %dma_start3A_42 = arith.constant 0 : i32
      %dma_start3A_43 = arith.constant 0 : i32
      %dma_start3A_44 = arith.constant 0 : i32
      %dma_start3A_45 = tpu.memref_slice %arg8[%dma_start3A_41, %dma_start3A_42, %dma_start3A_43, %dma_start3A_44] : memref<4x4x128x16xf32, #tpu.memory_space<vmem>> -> memref<1x1x128x16xf32, #tpu.memory_space<vmem>>
      %dma_start3A_46 = tpu.memref_squeeze %dma_start3A_45 : memref<1x1x128x16xf32, #tpu.memory_space<vmem>> -> memref<128x16xf32, #tpu.memory_space<vmem>>
      %dma_start3A_47 = arith.constant 0 : i32
      %dma_start3A_48 = tpu.memref_slice %arg6[%dma_start3A_40, %dma_start3A_47] : memref<4x128xi32, #tpu.memory_space<vmem>> -> memref<1x128xi32, #tpu.memory_space<vmem>>
      %dma_start3A_49 = tpu.memref_squeeze %dma_start3A_48 : memref<1x128xi32, #tpu.memory_space<vmem>> -> memref<128xi32, #tpu.memory_space<vmem>>
      %dma_start3A_50 = arith.constant 0 : i32
      %dma_start3A_51 = arith.constant 0 : i32
      %dma_start3A_52 = tpu.memref_slice %arg2[%add3A, %dma_start3A, %dma_start3A_50, %dma_start3A_51] : memref<32x4x3721x16xf32, #tpu.memory_space<hbm>> -> memref<1x1x3721x16xf32, #tpu.memory_space<hbm>>
      %dma_start3A_53 = tpu.memref_squeeze %dma_start3A_52 : memref<1x1x3721x16xf32, #tpu.memory_space<hbm>> -> memref<3721x16xf32, #tpu.memory_space<hbm>>
      %dma_start3A_54 = arith.constant 0 : i32
      %dma_start3A_55 = arith.constant 0 : i32
      %dma_start3A_56 = tpu.memref_slice %dma_start3A_53[%dma_start3A_54, %dma_start3A_55] : memref<3721x16xf32, #tpu.memory_space<hbm>> -> memref<3721x16xf32, #tpu.memory_space<hbm>>
      tpu.enqueue_indirect_dma source(%dma_start3A_56 : memref<3721x16xf32, #tpu.memory_space<hbm>>) target(%dma_start3A_46 : memref<128x16xf32, #tpu.memory_space<vmem>>) offsets(%dma_start3A_49 : memref<128xi32, #tpu.memory_space<vmem>>) semaphore(%arg10 : memref<!tpu.dma_semaphore, #tpu.memory_space<semaphore_mem>>)
      %dma_start3A_57 = arith.constant 1 : i32
      %dma_start3A_58 = arith.constant 0 : i32
      %dma_start3A_59 = arith.constant 0 : i32
      %dma_start3A_60 = arith.constant 1 : i32
      %dma_start3A_61 = arith.constant 0 : i32
      %dma_start3A_62 = arith.constant 0 : i32
      %dma_start3A_63 = tpu.memref_slice %arg8[%dma_start3A_59, %dma_start3A_60, %dma_start3A_61, %dma_start3A_62] : memref<4x4x128x16xf32, #tpu.memory_space<vmem>> -> memref<1x1x128x16xf32, #tpu.memory_space<vmem>>
      %dma_start3A_64 = tpu.memref_squeeze %dma_start3A_63 : memref<1x1x128x16xf32, #tpu.memory_space<vmem>> -> memref<128x16xf32, #tpu.memory_space<vmem>>
      %dma_start3A_65 = arith.constant 0 : i32
      %dma_start3A_66 = tpu.memref_slice %arg6[%dma_start3A_58, %dma_start3A_65] : memref<4x128xi32, #tpu.memory_space<vmem>> -> memref<1x128xi32, #tpu.memory_space<vmem>>
      %dma_start3A_67 = tpu.memref_squeeze %dma_start3A_66 : memref<1x128xi32, #tpu.memory_space<vmem>> -> memref<128xi32, #tpu.memory_space<vmem>>
      %dma_start3A_68 = arith.constant 0 : i32
      %dma_start3A_69 = arith.constant 0 : i32
      %dma_start3A_70 = tpu.memref_slice %arg2[%add3A, %dma_start3A_57, %dma_start3A_68, %dma_start3A_69] : memref<32x4x3721x16xf32, #tpu.memory_space<hbm>> -> memref<1x1x3721x16xf32, #tpu.memory_space<hbm>>
      %dma_start3A_71 = tpu.memref_squeeze %dma_start3A_70 : memref<1x1x3721x16xf32, #tpu.memory_space<hbm>> -> memref<3721x16xf32, #tpu.memory_space<hbm>>
      %dma_start3A_72 = arith.constant 0 : i32
      %dma_start3A_73 = arith.constant 0 : i32
      %dma_start3A_74 = tpu.memref_slice %dma_start3A_71[%dma_start3A_72, %dma_start3A_73] : memref<3721x16xf32, #tpu.memory_space<hbm>> -> memref<3721x16xf32, #tpu.memory_space<hbm>>
      tpu.enqueue_indirect_dma source(%dma_start3A_74 : memref<3721x16xf32, #tpu.memory_space<hbm>>) target(%dma_start3A_64 : memref<128x16xf32, #tpu.memory_space<vmem>>) offsets(%dma_start3A_67 : memref<128xi32, #tpu.memory_space<vmem>>) semaphore(%arg10 : memref<!tpu.dma_semaphore, #tpu.memory_space<semaphore_mem>>)
      %dma_start3A_75 = arith.constant 2 : i32
      %dma_start3A_76 = arith.constant 0 : i32
      %dma_start3A_77 = arith.constant 0 : i32
      %dma_start3A_78 = arith.constant 2 : i32
      %dma_start3A_79 = arith.constant 0 : i32
      %dma_start3A_80 = arith.constant 0 : i32
      %dma_start3A_81 = tpu.memref_slice %arg8[%dma_start3A_77, %dma_start3A_78, %dma_start3A_79, %dma_start3A_80] : memref<4x4x128x16xf32, #tpu.memory_space<vmem>> -> memref<1x1x128x16xf32, #tpu.memory_space<vmem>>
      %dma_start3A_82 = tpu.memref_squeeze %dma_start3A_81 : memref<1x1x128x16xf32, #tpu.memory_space<vmem>> -> memref<128x16xf32, #tpu.memory_space<vmem>>
      %dma_start3A_83 = arith.constant 0 : i32
      %dma_start3A_84 = tpu.memref_slice %arg6[%dma_start3A_76, %dma_start3A_83] : memref<4x128xi32, #tpu.memory_space<vmem>> -> memref<1x128xi32, #tpu.memory_space<vmem>>
      %dma_start3A_85 = tpu.memref_squeeze %dma_start3A_84 : memref<1x128xi32, #tpu.memory_space<vmem>> -> memref<128xi32, #tpu.memory_space<vmem>>
      %dma_start3A_86 = arith.constant 0 : i32
      %dma_start3A_87 = arith.constant 0 : i32
      %dma_start3A_88 = tpu.memref_slice %arg2[%add3A, %dma_start3A_75, %dma_start3A_86, %dma_start3A_87] : memref<32x4x3721x16xf32, #tpu.memory_space<hbm>> -> memref<1x1x3721x16xf32, #tpu.memory_space<hbm>>
      %dma_start3A_89 = tpu.memref_squeeze %dma_start3A_88 : memref<1x1x3721x16xf32, #tpu.memory_space<hbm>> -> memref<3721x16xf32, #tpu.memory_space<hbm>>
      %dma_start3A_90 = arith.constant 0 : i32
      %dma_start3A_91 = arith.constant 0 : i32
      %dma_start3A_92 = tpu.memref_slice %dma_start3A_89[%dma_start3A_90, %dma_start3A_91] : memref<3721x16xf32, #tpu.memory_space<hbm>> -> memref<3721x16xf32, #tpu.memory_space<hbm>>
      tpu.enqueue_indirect_dma source(%dma_start3A_92 : memref<3721x16xf32, #tpu.memory_space<hbm>>) target(%dma_start3A_82 : memref<128x16xf32, #tpu.memory_space<vmem>>) offsets(%dma_start3A_85 : memref<128xi32, #tpu.memory_space<vmem>>) semaphore(%arg10 : memref<!tpu.dma_semaphore, #tpu.memory_space<semaphore_mem>>)
      %dma_start3A_93 = arith.constant 3 : i32
      %dma_start3A_94 = arith.constant 0 : i32
      %dma_start3A_95 = arith.constant 0 : i32
      %dma_start3A_96 = arith.constant 3 : i32
      %dma_start3A_97 = arith.constant 0 : i32
      %dma_start3A_98 = arith.constant 0 : i32
      %dma_start3A_99 = tpu.memref_slice %arg8[%dma_start3A_95, %dma_start3A_96, %dma_start3A_97, %dma_start3A_98] : memref<4x4x128x16xf32, #tpu.memory_space<vmem>> -> memref<1x1x128x16xf32, #tpu.memory_space<vmem>>
      %dma_start3A_100 = tpu.memref_squeeze %dma_start3A_99 : memref<1x1x128x16xf32, #tpu.memory_space<vmem>> -> memref<128x16xf32, #tpu.memory_space<vmem>>
      %dma_start3A_101 = arith.constant 0 : i32
      %dma_start3A_102 = tpu.memref_slice %arg6[%dma_start3A_94, %dma_start3A_101] : memref<4x128xi32, #tpu.memory_space<vmem>> -> memref<1x128xi32, #tpu.memory_space<vmem>>
      %dma_start3A_103 = tpu.memref_squeeze %dma_start3A_102 : memref<1x128xi32, #tpu.memory_space<vmem>> -> memref<128xi32, #tpu.memory_space<vmem>>
      %dma_start3A_104 = arith.constant 0 : i32
      %dma_start3A_105 = arith.constant 0 : i32
      %dma_start3A_106 = tpu.memref_slice %arg2[%add3A, %dma_start3A_93, %dma_start3A_104, %dma_start3A_105] : memref<32x4x3721x16xf32, #tpu.memory_space<hbm>> -> memref<1x1x3721x16xf32, #tpu.memory_space<hbm>>
      %dma_start3A_107 = tpu.memref_squeeze %dma_start3A_106 : memref<1x1x3721x16xf32, #tpu.memory_space<hbm>> -> memref<3721x16xf32, #tpu.memory_space<hbm>>
      %dma_start3A_108 = arith.constant 0 : i32
      %dma_start3A_109 = arith.constant 0 : i32
      %dma_start3A_110 = tpu.memref_slice %dma_start3A_107[%dma_start3A_108, %dma_start3A_109] : memref<3721x16xf32, #tpu.memory_space<hbm>> -> memref<3721x16xf32, #tpu.memory_space<hbm>>
      tpu.enqueue_indirect_dma source(%dma_start3A_110 : memref<3721x16xf32, #tpu.memory_space<hbm>>) target(%dma_start3A_100 : memref<128x16xf32, #tpu.memory_space<vmem>>) offsets(%dma_start3A_103 : memref<128xi32, #tpu.memory_space<vmem>>) semaphore(%arg10 : memref<!tpu.dma_semaphore, #tpu.memory_space<semaphore_mem>>)
      %dma_start3A_111 = arith.constant 0 : i32
      %dma_start3A_112 = arith.constant 1 : i32
      %dma_start3A_113 = arith.constant 1 : i32
      %dma_start3A_114 = arith.constant 0 : i32
      %dma_start3A_115 = arith.constant 0 : i32
      %dma_start3A_116 = arith.constant 0 : i32
      %dma_start3A_117 = tpu.memref_slice %arg8[%dma_start3A_113, %dma_start3A_114, %dma_start3A_115, %dma_start3A_116] : memref<4x4x128x16xf32, #tpu.memory_space<vmem>> -> memref<1x1x128x16xf32, #tpu.memory_space<vmem>>
      %dma_start3A_118 = tpu.memref_squeeze %dma_start3A_117 : memref<1x1x128x16xf32, #tpu.memory_space<vmem>> -> memref<128x16xf32, #tpu.memory_space<vmem>>
      %dma_start3A_119 = arith.constant 0 : i32
      %dma_start3A_120 = tpu.memref_slice %arg6[%dma_start3A_112, %dma_start3A_119] : memref<4x128xi32, #tpu.memory_space<vmem>> -> memref<1x128xi32, #tpu.memory_space<vmem>>
      %dma_start3A_121 = tpu.memref_squeeze %dma_start3A_120 : memref<1x128xi32, #tpu.memory_space<vmem>> -> memref<128xi32, #tpu.memory_space<vmem>>
      %dma_start3A_122 = arith.constant 0 : i32
      %dma_start3A_123 = arith.constant 0 : i32
      %dma_start3A_124 = tpu.memref_slice %arg2[%add3A, %dma_start3A_111, %dma_start3A_122, %dma_start3A_123] : memref<32x4x3721x16xf32, #tpu.memory_space<hbm>> -> memref<1x1x3721x16xf32, #tpu.memory_space<hbm>>
      %dma_start3A_125 = tpu.memref_squeeze %dma_start3A_124 : memref<1x1x3721x16xf32, #tpu.memory_space<hbm>> -> memref<3721x16xf32, #tpu.memory_space<hbm>>
      %dma_start3A_126 = arith.constant 0 : i32
      %dma_start3A_127 = arith.constant 0 : i32
      %dma_start3A_128 = tpu.memref_slice %dma_start3A_125[%dma_start3A_126, %dma_start3A_127] : memref<3721x16xf32, #tpu.memory_space<hbm>> -> memref<3721x16xf32, #tpu.memory_space<hbm>>
      tpu.enqueue_indirect_dma source(%dma_start3A_128 : memref<3721x16xf32, #tpu.memory_space<hbm>>) target(%dma_start3A_118 : memref<128x16xf32, #tpu.memory_space<vmem>>) offsets(%dma_start3A_121 : memref<128xi32, #tpu.memory_space<vmem>>) semaphore(%arg10 : memref<!tpu.dma_semaphore, #tpu.memory_space<semaphore_mem>>)
      %dma_start3A_129 = arith.constant 1 : i32
      %dma_start3A_130 = arith.constant 1 : i32
      %dma_start3A_131 = arith.constant 1 : i32
      %dma_start3A_132 = arith.constant 1 : i32
      %dma_start3A_133 = arith.constant 0 : i32
      %dma_start3A_134 = arith.constant 0 : i32
      %dma_start3A_135 = tpu.memref_slice %arg8[%dma_start3A_131, %dma_start3A_132, %dma_start3A_133, %dma_start3A_134] : memref<4x4x128x16xf32, #tpu.memory_space<vmem>> -> memref<1x1x128x16xf32, #tpu.memory_space<vmem>>
      %dma_start3A_136 = tpu.memref_squeeze %dma_start3A_135 : memref<1x1x128x16xf32, #tpu.memory_space<vmem>> -> memref<128x16xf32, #tpu.memory_space<vmem>>
      %dma_start3A_137 = arith.constant 0 : i32
      %dma_start3A_138 = tpu.memref_slice %arg6[%dma_start3A_130, %dma_start3A_137] : memref<4x128xi32, #tpu.memory_space<vmem>> -> memref<1x128xi32, #tpu.memory_space<vmem>>
      %dma_start3A_139 = tpu.memref_squeeze %dma_start3A_138 : memref<1x128xi32, #tpu.memory_space<vmem>> -> memref<128xi32, #tpu.memory_space<vmem>>
      %dma_start3A_140 = arith.constant 0 : i32
      %dma_start3A_141 = arith.constant 0 : i32
      %dma_start3A_142 = tpu.memref_slice %arg2[%add3A, %dma_start3A_129, %dma_start3A_140, %dma_start3A_141] : memref<32x4x3721x16xf32, #tpu.memory_space<hbm>> -> memref<1x1x3721x16xf32, #tpu.memory_space<hbm>>
      %dma_start3A_143 = tpu.memref_squeeze %dma_start3A_142 : memref<1x1x3721x16xf32, #tpu.memory_space<hbm>> -> memref<3721x16xf32, #tpu.memory_space<hbm>>
      %dma_start3A_144 = arith.constant 0 : i32
      %dma_start3A_145 = arith.constant 0 : i32
      %dma_start3A_146 = tpu.memref_slice %dma_start3A_143[%dma_start3A_144, %dma_start3A_145] : memref<3721x16xf32, #tpu.memory_space<hbm>> -> memref<3721x16xf32, #tpu.memory_space<hbm>>
      tpu.enqueue_indirect_dma source(%dma_start3A_146 : memref<3721x16xf32, #tpu.memory_space<hbm>>) target(%dma_start3A_136 : memref<128x16xf32, #tpu.memory_space<vmem>>) offsets(%dma_start3A_139 : memref<128xi32, #tpu.memory_space<vmem>>) semaphore(%arg10 : memref<!tpu.dma_semaphore, #tpu.memory_space<semaphore_mem>>)
      %dma_start3A_147 = arith.constant 2 : i32
      %dma_start3A_148 = arith.constant 1 : i32
      %dma_start3A_149 = arith.constant 1 : i32
      %dma_start3A_150 = arith.constant 2 : i32
      %dma_start3A_151 = arith.constant 0 : i32
      %dma_start3A_152 = arith.constant 0 : i32
      %dma_start3A_153 = tpu.memref_slice %arg8[%dma_start3A_149, %dma_start3A_150, %dma_start3A_151, %dma_start3A_152] : memref<4x4x128x16xf32, #tpu.memory_space<vmem>> -> memref<1x1x128x16xf32, #tpu.memory_space<vmem>>
      %dma_start3A_154 = tpu.memref_squeeze %dma_start3A_153 : memref<1x1x128x16xf32, #tpu.memory_space<vmem>> -> memref<128x16xf32, #tpu.memory_space<vmem>>
      %dma_start3A_155 = arith.constant 0 : i32
      %dma_start3A_156 = tpu.memref_slice %arg6[%dma_start3A_148, %dma_start3A_155] : memref<4x128xi32, #tpu.memory_space<vmem>> -> memref<1x128xi32, #tpu.memory_space<vmem>>
      %dma_start3A_157 = tpu.memref_squeeze %dma_start3A_156 : memref<1x128xi32, #tpu.memory_space<vmem>> -> memref<128xi32, #tpu.memory_space<vmem>>
      %dma_start3A_158 = arith.constant 0 : i32
      %dma_start3A_159 = arith.constant 0 : i32
      %dma_start3A_160 = tpu.memref_slice %arg2[%add3A, %dma_start3A_147, %dma_start3A_158, %dma_start3A_159] : memref<32x4x3721x16xf32, #tpu.memory_space<hbm>> -> memref<1x1x3721x16xf32, #tpu.memory_space<hbm>>
      %dma_start3A_161 = tpu.memref_squeeze %dma_start3A_160 : memref<1x1x3721x16xf32, #tpu.memory_space<hbm>> -> memref<3721x16xf32, #tpu.memory_space<hbm>>
      %dma_start3A_162 = arith.constant 0 : i32
      %dma_start3A_163 = arith.constant 0 : i32
      %dma_start3A_164 = tpu.memref_slice %dma_start3A_161[%dma_start3A_162, %dma_start3A_163] : memref<3721x16xf32, #tpu.memory_space<hbm>> -> memref<3721x16xf32, #tpu.memory_space<hbm>>
      tpu.enqueue_indirect_dma source(%dma_start3A_164 : memref<3721x16xf32, #tpu.memory_space<hbm>>) target(%dma_start3A_154 : memref<128x16xf32, #tpu.memory_space<vmem>>) offsets(%dma_start3A_157 : memref<128xi32, #tpu.memory_space<vmem>>) semaphore(%arg10 : memref<!tpu.dma_semaphore, #tpu.memory_space<semaphore_mem>>)
      %dma_start3A_165 = arith.constant 3 : i32
      %dma_start3A_166 = arith.constant 1 : i32
      %dma_start3A_167 = arith.constant 1 : i32
      %dma_start3A_168 = arith.constant 3 : i32
      %dma_start3A_169 = arith.constant 0 : i32
      %dma_start3A_170 = arith.constant 0 : i32
      %dma_start3A_171 = tpu.memref_slice %arg8[%dma_start3A_167, %dma_start3A_168, %dma_start3A_169, %dma_start3A_170] : memref<4x4x128x16xf32, #tpu.memory_space<vmem>> -> memref<1x1x128x16xf32, #tpu.memory_space<vmem>>
      %dma_start3A_172 = tpu.memref_squeeze %dma_start3A_171 : memref<1x1x128x16xf32, #tpu.memory_space<vmem>> -> memref<128x16xf32, #tpu.memory_space<vmem>>
      %dma_start3A_173 = arith.constant 0 : i32
      %dma_start3A_174 = tpu.memref_slice %arg6[%dma_start3A_166, %dma_start3A_173] : memref<4x128xi32, #tpu.memory_space<vmem>> -> memref<1x128xi32, #tpu.memory_space<vmem>>
      %dma_start3A_175 = tpu.memref_squeeze %dma_start3A_174 : memref<1x128xi32, #tpu.memory_space<vmem>> -> memref<128xi32, #tpu.memory_space<vmem>>
      %dma_start3A_176 = arith.constant 0 : i32
      %dma_start3A_177 = arith.constant 0 : i32
      %dma_start3A_178 = tpu.memref_slice %arg2[%add3A, %dma_start3A_165, %dma_start3A_176, %dma_start3A_177] : memref<32x4x3721x16xf32, #tpu.memory_space<hbm>> -> memref<1x1x3721x16xf32, #tpu.memory_space<hbm>>
      %dma_start3A_179 = tpu.memref_squeeze %dma_start3A_178 : memref<1x1x3721x16xf32, #tpu.memory_space<hbm>> -> memref<3721x16xf32, #tpu.memory_space<hbm>>
      %dma_start3A_180 = arith.constant 0 : i32
      %dma_start3A_181 = arith.constant 0 : i32
      %dma_start3A_182 = tpu.memref_slice %dma_start3A_179[%dma_start3A_180, %dma_start3A_181] : memref<3721x16xf32, #tpu.memory_space<hbm>> -> memref<3721x16xf32, #tpu.memory_space<hbm>>
      tpu.enqueue_indirect_dma source(%dma_start3A_182 : memref<3721x16xf32, #tpu.memory_space<hbm>>) target(%dma_start3A_172 : memref<128x16xf32, #tpu.memory_space<vmem>>) offsets(%dma_start3A_175 : memref<128xi32, #tpu.memory_space<vmem>>) semaphore(%arg10 : memref<!tpu.dma_semaphore, #tpu.memory_space<semaphore_mem>>)
      %dma_start3A_183 = arith.constant 0 : i32
      %dma_start3A_184 = arith.constant 2 : i32
      %dma_start3A_185 = arith.constant 2 : i32
      %dma_start3A_186 = arith.constant 0 : i32
      %dma_start3A_187 = arith.constant 0 : i32
      %dma_start3A_188 = arith.constant 0 : i32
      %dma_start3A_189 = tpu.memref_slice %arg8[%dma_start3A_185, %dma_start3A_186, %dma_start3A_187, %dma_start3A_188] : memref<4x4x128x16xf32, #tpu.memory_space<vmem>> -> memref<1x1x128x16xf32, #tpu.memory_space<vmem>>
      %dma_start3A_190 = tpu.memref_squeeze %dma_start3A_189 : memref<1x1x128x16xf32, #tpu.memory_space<vmem>> -> memref<128x16xf32, #tpu.memory_space<vmem>>
      %dma_start3A_191 = arith.constant 0 : i32
      %dma_start3A_192 = tpu.memref_slice %arg6[%dma_start3A_184, %dma_start3A_191] : memref<4x128xi32, #tpu.memory_space<vmem>> -> memref<1x128xi32, #tpu.memory_space<vmem>>
      %dma_start3A_193 = tpu.memref_squeeze %dma_start3A_192 : memref<1x128xi32, #tpu.memory_space<vmem>> -> memref<128xi32, #tpu.memory_space<vmem>>
      %dma_start3A_194 = arith.constant 0 : i32
      %dma_start3A_195 = arith.constant 0 : i32
      %dma_start3A_196 = tpu.memref_slice %arg2[%add3A, %dma_start3A_183, %dma_start3A_194, %dma_start3A_195] : memref<32x4x3721x16xf32, #tpu.memory_space<hbm>> -> memref<1x1x3721x16xf32, #tpu.memory_space<hbm>>
      %dma_start3A_197 = tpu.memref_squeeze %dma_start3A_196 : memref<1x1x3721x16xf32, #tpu.memory_space<hbm>> -> memref<3721x16xf32, #tpu.memory_space<hbm>>
      %dma_start3A_198 = arith.constant 0 : i32
      %dma_start3A_199 = arith.constant 0 : i32
      %dma_start3A_200 = tpu.memref_slice %dma_start3A_197[%dma_start3A_198, %dma_start3A_199] : memref<3721x16xf32, #tpu.memory_space<hbm>> -> memref<3721x16xf32, #tpu.memory_space<hbm>>
      tpu.enqueue_indirect_dma source(%dma_start3A_200 : memref<3721x16xf32, #tpu.memory_space<hbm>>) target(%dma_start3A_190 : memref<128x16xf32, #tpu.memory_space<vmem>>) offsets(%dma_start3A_193 : memref<128xi32, #tpu.memory_space<vmem>>) semaphore(%arg10 : memref<!tpu.dma_semaphore, #tpu.memory_space<semaphore_mem>>)
      %dma_start3A_201 = arith.constant 1 : i32
      %dma_start3A_202 = arith.constant 2 : i32
      %dma_start3A_203 = arith.constant 2 : i32
      %dma_start3A_204 = arith.constant 1 : i32
      %dma_start3A_205 = arith.constant 0 : i32
      %dma_start3A_206 = arith.constant 0 : i32
      %dma_start3A_207 = tpu.memref_slice %arg8[%dma_start3A_203, %dma_start3A_204, %dma_start3A_205, %dma_start3A_206] : memref<4x4x128x16xf32, #tpu.memory_space<vmem>> -> memref<1x1x128x16xf32, #tpu.memory_space<vmem>>
      %dma_start3A_208 = tpu.memref_squeeze %dma_start3A_207 : memref<1x1x128x16xf32, #tpu.memory_space<vmem>> -> memref<128x16xf32, #tpu.memory_space<vmem>>
      %dma_start3A_209 = arith.constant 0 : i32
      %dma_start3A_210 = tpu.memref_slice %arg6[%dma_start3A_202, %dma_start3A_209] : memref<4x128xi32, #tpu.memory_space<vmem>> -> memref<1x128xi32, #tpu.memory_space<vmem>>
      %dma_start3A_211 = tpu.memref_squeeze %dma_start3A_210 : memref<1x128xi32, #tpu.memory_space<vmem>> -> memref<128xi32, #tpu.memory_space<vmem>>
      %dma_start3A_212 = arith.constant 0 : i32
      %dma_start3A_213 = arith.constant 0 : i32
      %dma_start3A_214 = tpu.memref_slice %arg2[%add3A, %dma_start3A_201, %dma_start3A_212, %dma_start3A_213] : memref<32x4x3721x16xf32, #tpu.memory_space<hbm>> -> memref<1x1x3721x16xf32, #tpu.memory_space<hbm>>
      %dma_start3A_215 = tpu.memref_squeeze %dma_start3A_214 : memref<1x1x3721x16xf32, #tpu.memory_space<hbm>> -> memref<3721x16xf32, #tpu.memory_space<hbm>>
      %dma_start3A_216 = arith.constant 0 : i32
      %dma_start3A_217 = arith.constant 0 : i32
      %dma_start3A_218 = tpu.memref_slice %dma_start3A_215[%dma_start3A_216, %dma_start3A_217] : memref<3721x16xf32, #tpu.memory_space<hbm>> -> memref<3721x16xf32, #tpu.memory_space<hbm>>
      tpu.enqueue_indirect_dma source(%dma_start3A_218 : memref<3721x16xf32, #tpu.memory_space<hbm>>) target(%dma_start3A_208 : memref<128x16xf32, #tpu.memory_space<vmem>>) offsets(%dma_start3A_211 : memref<128xi32, #tpu.memory_space<vmem>>) semaphore(%arg10 : memref<!tpu.dma_semaphore, #tpu.memory_space<semaphore_mem>>)
      %dma_start3A_219 = arith.constant 2 : i32
      %dma_start3A_220 = arith.constant 2 : i32
      %dma_start3A_221 = arith.constant 2 : i32
      %dma_start3A_222 = arith.constant 2 : i32
      %dma_start3A_223 = arith.constant 0 : i32
      %dma_start3A_224 = arith.constant 0 : i32
      %dma_start3A_225 = tpu.memref_slice %arg8[%dma_start3A_221, %dma_start3A_222, %dma_start3A_223, %dma_start3A_224] : memref<4x4x128x16xf32, #tpu.memory_space<vmem>> -> memref<1x1x128x16xf32, #tpu.memory_space<vmem>>
      %dma_start3A_226 = tpu.memref_squeeze %dma_start3A_225 : memref<1x1x128x16xf32, #tpu.memory_space<vmem>> -> memref<128x16xf32, #tpu.memory_space<vmem>>
      %dma_start3A_227 = arith.constant 0 : i32
      %dma_start3A_228 = tpu.memref_slice %arg6[%dma_start3A_220, %dma_start3A_227] : memref<4x128xi32, #tpu.memory_space<vmem>> -> memref<1x128xi32, #tpu.memory_space<vmem>>
      %dma_start3A_229 = tpu.memref_squeeze %dma_start3A_228 : memref<1x128xi32, #tpu.memory_space<vmem>> -> memref<128xi32, #tpu.memory_space<vmem>>
      %dma_start3A_230 = arith.constant 0 : i32
      %dma_start3A_231 = arith.constant 0 : i32
      %dma_start3A_232 = tpu.memref_slice %arg2[%add3A, %dma_start3A_219, %dma_start3A_230, %dma_start3A_231] : memref<32x4x3721x16xf32, #tpu.memory_space<hbm>> -> memref<1x1x3721x16xf32, #tpu.memory_space<hbm>>
      %dma_start3A_233 = tpu.memref_squeeze %dma_start3A_232 : memref<1x1x3721x16xf32, #tpu.memory_space<hbm>> -> memref<3721x16xf32, #tpu.memory_space<hbm>>
      %dma_start3A_234 = arith.constant 0 : i32
      %dma_start3A_235 = arith.constant 0 : i32
      %dma_start3A_236 = tpu.memref_slice %dma_start3A_233[%dma_start3A_234, %dma_start3A_235] : memref<3721x16xf32, #tpu.memory_space<hbm>> -> memref<3721x16xf32, #tpu.memory_space<hbm>>
      tpu.enqueue_indirect_dma source(%dma_start3A_236 : memref<3721x16xf32, #tpu.memory_space<hbm>>) target(%dma_start3A_226 : memref<128x16xf32, #tpu.memory_space<vmem>>) offsets(%dma_start3A_229 : memref<128xi32, #tpu.memory_space<vmem>>) semaphore(%arg10 : memref<!tpu.dma_semaphore, #tpu.memory_space<semaphore_mem>>)
      %dma_start3A_237 = arith.constant 3 : i32
      %dma_start3A_238 = arith.constant 2 : i32
      %dma_start3A_239 = arith.constant 2 : i32
      %dma_start3A_240 = arith.constant 3 : i32
      %dma_start3A_241 = arith.constant 0 : i32
      %dma_start3A_242 = arith.constant 0 : i32
      %dma_start3A_243 = tpu.memref_slice %arg8[%dma_start3A_239, %dma_start3A_240, %dma_start3A_241, %dma_start3A_242] : memref<4x4x128x16xf32, #tpu.memory_space<vmem>> -> memref<1x1x128x16xf32, #tpu.memory_space<vmem>>
      %dma_start3A_244 = tpu.memref_squeeze %dma_start3A_243 : memref<1x1x128x16xf32, #tpu.memory_space<vmem>> -> memref<128x16xf32, #tpu.memory_space<vmem>>
      %dma_start3A_245 = arith.constant 0 : i32
      %dma_start3A_246 = tpu.memref_slice %arg6[%dma_start3A_238, %dma_start3A_245] : memref<4x128xi32, #tpu.memory_space<vmem>> -> memref<1x128xi32, #tpu.memory_space<vmem>>
      %dma_start3A_247 = tpu.memref_squeeze %dma_start3A_246 : memref<1x128xi32, #tpu.memory_space<vmem>> -> memref<128xi32, #tpu.memory_space<vmem>>
      %dma_start3A_248 = arith.constant 0 : i32
      %dma_start3A_249 = arith.constant 0 : i32
      %dma_start3A_250 = tpu.memref_slice %arg2[%add3A, %dma_start3A_237, %dma_start3A_248, %dma_start3A_249] : memref<32x4x3721x16xf32, #tpu.memory_space<hbm>> -> memref<1x1x3721x16xf32, #tpu.memory_space<hbm>>
      %dma_start3A_251 = tpu.memref_squeeze %dma_start3A_250 : memref<1x1x3721x16xf32, #tpu.memory_space<hbm>> -> memref<3721x16xf32, #tpu.memory_space<hbm>>
      %dma_start3A_252 = arith.constant 0 : i32
      %dma_start3A_253 = arith.constant 0 : i32
      %dma_start3A_254 = tpu.memref_slice %dma_start3A_251[%dma_start3A_252, %dma_start3A_253] : memref<3721x16xf32, #tpu.memory_space<hbm>> -> memref<3721x16xf32, #tpu.memory_space<hbm>>
      tpu.enqueue_indirect_dma source(%dma_start3A_254 : memref<3721x16xf32, #tpu.memory_space<hbm>>) target(%dma_start3A_244 : memref<128x16xf32, #tpu.memory_space<vmem>>) offsets(%dma_start3A_247 : memref<128xi32, #tpu.memory_space<vmem>>) semaphore(%arg10 : memref<!tpu.dma_semaphore, #tpu.memory_space<semaphore_mem>>)
      %dma_start3A_255 = arith.constant 0 : i32
      %dma_start3A_256 = arith.constant 3 : i32
      %dma_start3A_257 = arith.constant 3 : i32
      %dma_start3A_258 = arith.constant 0 : i32
      %dma_start3A_259 = arith.constant 0 : i32
      %dma_start3A_260 = arith.constant 0 : i32
      %dma_start3A_261 = tpu.memref_slice %arg8[%dma_start3A_257, %dma_start3A_258, %dma_start3A_259, %dma_start3A_260] : memref<4x4x128x16xf32, #tpu.memory_space<vmem>> -> memref<1x1x128x16xf32, #tpu.memory_space<vmem>>
      %dma_start3A_262 = tpu.memref_squeeze %dma_start3A_261 : memref<1x1x128x16xf32, #tpu.memory_space<vmem>> -> memref<128x16xf32, #tpu.memory_space<vmem>>
      %dma_start3A_263 = arith.constant 0 : i32
      %dma_start3A_264 = tpu.memref_slice %arg6[%dma_start3A_256, %dma_start3A_263] : memref<4x128xi32, #tpu.memory_space<vmem>> -> memref<1x128xi32, #tpu.memory_space<vmem>>
      %dma_start3A_265 = tpu.memref_squeeze %dma_start3A_264 : memref<1x128xi32, #tpu.memory_space<vmem>> -> memref<128xi32, #tpu.memory_space<vmem>>
      %dma_start3A_266 = arith.constant 0 : i32
      %dma_start3A_267 = arith.constant 0 : i32
      %dma_start3A_268 = tpu.memref_slice %arg2[%add3A, %dma_start3A_255, %dma_start3A_266, %dma_start3A_267] : memref<32x4x3721x16xf32, #tpu.memory_space<hbm>> -> memref<1x1x3721x16xf32, #tpu.memory_space<hbm>>
      %dma_start3A_269 = tpu.memref_squeeze %dma_start3A_268 : memref<1x1x3721x16xf32, #tpu.memory_space<hbm>> -> memref<3721x16xf32, #tpu.memory_space<hbm>>
      %dma_start3A_270 = arith.constant 0 : i32
      %dma_start3A_271 = arith.constant 0 : i32
      %dma_start3A_272 = tpu.memref_slice %dma_start3A_269[%dma_start3A_270, %dma_start3A_271] : memref<3721x16xf32, #tpu.memory_space<hbm>> -> memref<3721x16xf32, #tpu.memory_space<hbm>>
      tpu.enqueue_indirect_dma source(%dma_start3A_272 : memref<3721x16xf32, #tpu.memory_space<hbm>>) target(%dma_start3A_262 : memref<128x16xf32, #tpu.memory_space<vmem>>) offsets(%dma_start3A_265 : memref<128xi32, #tpu.memory_space<vmem>>) semaphore(%arg10 : memref<!tpu.dma_semaphore, #tpu.memory_space<semaphore_mem>>)
      %dma_start3A_273 = arith.constant 1 : i32
      %dma_start3A_274 = arith.constant 3 : i32
      %dma_start3A_275 = arith.constant 3 : i32
      %dma_start3A_276 = arith.constant 1 : i32
      %dma_start3A_277 = arith.constant 0 : i32
      %dma_start3A_278 = arith.constant 0 : i32
      %dma_start3A_279 = tpu.memref_slice %arg8[%dma_start3A_275, %dma_start3A_276, %dma_start3A_277, %dma_start3A_278] : memref<4x4x128x16xf32, #tpu.memory_space<vmem>> -> memref<1x1x128x16xf32, #tpu.memory_space<vmem>>
      %dma_start3A_280 = tpu.memref_squeeze %dma_start3A_279 : memref<1x1x128x16xf32, #tpu.memory_space<vmem>> -> memref<128x16xf32, #tpu.memory_space<vmem>>
      %dma_start3A_281 = arith.constant 0 : i32
      %dma_start3A_282 = tpu.memref_slice %arg6[%dma_start3A_274, %dma_start3A_281] : memref<4x128xi32, #tpu.memory_space<vmem>> -> memref<1x128xi32, #tpu.memory_space<vmem>>
      %dma_start3A_283 = tpu.memref_squeeze %dma_start3A_282 : memref<1x128xi32, #tpu.memory_space<vmem>> -> memref<128xi32, #tpu.memory_space<vmem>>
      %dma_start3A_284 = arith.constant 0 : i32
      %dma_start3A_285 = arith.constant 0 : i32
      %dma_start3A_286 = tpu.memref_slice %arg2[%add3A, %dma_start3A_273, %dma_start3A_284, %dma_start3A_285] : memref<32x4x3721x16xf32, #tpu.memory_space<hbm>> -> memref<1x1x3721x16xf32, #tpu.memory_space<hbm>>
      %dma_start3A_287 = tpu.memref_squeeze %dma_start3A_286 : memref<1x1x3721x16xf32, #tpu.memory_space<hbm>> -> memref<3721x16xf32, #tpu.memory_space<hbm>>
      %dma_start3A_288 = arith.constant 0 : i32
      %dma_start3A_289 = arith.constant 0 : i32
      %dma_start3A_290 = tpu.memref_slice %dma_start3A_287[%dma_start3A_288, %dma_start3A_289] : memref<3721x16xf32, #tpu.memory_space<hbm>> -> memref<3721x16xf32, #tpu.memory_space<hbm>>
      tpu.enqueue_indirect_dma source(%dma_start3A_290 : memref<3721x16xf32, #tpu.memory_space<hbm>>) target(%dma_start3A_280 : memref<128x16xf32, #tpu.memory_space<vmem>>) offsets(%dma_start3A_283 : memref<128xi32, #tpu.memory_space<vmem>>) semaphore(%arg10 : memref<!tpu.dma_semaphore, #tpu.memory_space<semaphore_mem>>)
      %dma_start3A_291 = arith.constant 2 : i32
      %dma_start3A_292 = arith.constant 3 : i32
      %dma_start3A_293 = arith.constant 3 : i32
      %dma_start3A_294 = arith.constant 2 : i32
      %dma_start3A_295 = arith.constant 0 : i32
      %dma_start3A_296 = arith.constant 0 : i32
      %dma_start3A_297 = tpu.memref_slice %arg8[%dma_start3A_293, %dma_start3A_294, %dma_start3A_295, %dma_start3A_296] : memref<4x4x128x16xf32, #tpu.memory_space<vmem>> -> memref<1x1x128x16xf32, #tpu.memory_space<vmem>>
      %dma_start3A_298 = tpu.memref_squeeze %dma_start3A_297 : memref<1x1x128x16xf32, #tpu.memory_space<vmem>> -> memref<128x16xf32, #tpu.memory_space<vmem>>
      %dma_start3A_299 = arith.constant 0 : i32
      %dma_start3A_300 = tpu.memref_slice %arg6[%dma_start3A_292, %dma_start3A_299] : memref<4x128xi32, #tpu.memory_space<vmem>> -> memref<1x128xi32, #tpu.memory_space<vmem>>
      %dma_start3A_301 = tpu.memref_squeeze %dma_start3A_300 : memref<1x128xi32, #tpu.memory_space<vmem>> -> memref<128xi32, #tpu.memory_space<vmem>>
      %dma_start3A_302 = arith.constant 0 : i32
      %dma_start3A_303 = arith.constant 0 : i32
      %dma_start3A_304 = tpu.memref_slice %arg2[%add3A, %dma_start3A_291, %dma_start3A_302, %dma_start3A_303] : memref<32x4x3721x16xf32, #tpu.memory_space<hbm>> -> memref<1x1x3721x16xf32, #tpu.memory_space<hbm>>
      %dma_start3A_305 = tpu.memref_squeeze %dma_start3A_304 : memref<1x1x3721x16xf32, #tpu.memory_space<hbm>> -> memref<3721x16xf32, #tpu.memory_space<hbm>>
      %dma_start3A_306 = arith.constant 0 : i32
      %dma_start3A_307 = arith.constant 0 : i32
      %dma_start3A_308 = tpu.memref_slice %dma_start3A_305[%dma_start3A_306, %dma_start3A_307] : memref<3721x16xf32, #tpu.memory_space<hbm>> -> memref<3721x16xf32, #tpu.memory_space<hbm>>
      tpu.enqueue_indirect_dma source(%dma_start3A_308 : memref<3721x16xf32, #tpu.memory_space<hbm>>) target(%dma_start3A_298 : memref<128x16xf32, #tpu.memory_space<vmem>>) offsets(%dma_start3A_301 : memref<128xi32, #tpu.memory_space<vmem>>) semaphore(%arg10 : memref<!tpu.dma_semaphore, #tpu.memory_space<semaphore_mem>>)
      %dma_start3A_309 = arith.constant 3 : i32
      %dma_start3A_310 = arith.constant 3 : i32
      %dma_start3A_311 = arith.constant 3 : i32
      %dma_start3A_312 = arith.constant 3 : i32
      %dma_start3A_313 = arith.constant 0 : i32
      %dma_start3A_314 = arith.constant 0 : i32
      %dma_start3A_315 = tpu.memref_slice %arg8[%dma_start3A_311, %dma_start3A_312, %dma_start3A_313, %dma_start3A_314] : memref<4x4x128x16xf32, #tpu.memory_space<vmem>> -> memref<1x1x128x16xf32, #tpu.memory_space<vmem>>
      %dma_start3A_316 = tpu.memref_squeeze %dma_start3A_315 : memref<1x1x128x16xf32, #tpu.memory_space<vmem>> -> memref<128x16xf32, #tpu.memory_space<vmem>>
      %dma_start3A_317 = arith.constant 0 : i32
      %dma_start3A_318 = tpu.memref_slice %arg6[%dma_start3A_310, %dma_start3A_317] : memref<4x128xi32, #tpu.memory_space<vmem>> -> memref<1x128xi32, #tpu.memory_space<vmem>>
      %dma_start3A_319 = tpu.memref_squeeze %dma_start3A_318 : memref<1x128xi32, #tpu.memory_space<vmem>> -> memref<128xi32, #tpu.memory_space<vmem>>
      %dma_start3A_320 = arith.constant 0 : i32
      %dma_start3A_321 = arith.constant 0 : i32
      %dma_start3A_322 = tpu.memref_slice %arg2[%add3A, %dma_start3A_309, %dma_start3A_320, %dma_start3A_321] : memref<32x4x3721x16xf32, #tpu.memory_space<hbm>> -> memref<1x1x3721x16xf32, #tpu.memory_space<hbm>>
      %dma_start3A_323 = tpu.memref_squeeze %dma_start3A_322 : memref<1x1x3721x16xf32, #tpu.memory_space<hbm>> -> memref<3721x16xf32, #tpu.memory_space<hbm>>
      %dma_start3A_324 = arith.constant 0 : i32
      %dma_start3A_325 = arith.constant 0 : i32
      %dma_start3A_326 = tpu.memref_slice %dma_start3A_323[%dma_start3A_324, %dma_start3A_325] : memref<3721x16xf32, #tpu.memory_space<hbm>> -> memref<3721x16xf32, #tpu.memory_space<hbm>>
      tpu.enqueue_indirect_dma source(%dma_start3A_326 : memref<3721x16xf32, #tpu.memory_space<hbm>>) target(%dma_start3A_316 : memref<128x16xf32, #tpu.memory_space<vmem>>) offsets(%dma_start3A_319 : memref<128xi32, #tpu.memory_space<vmem>>) semaphore(%arg10 : memref<!tpu.dma_semaphore, #tpu.memory_space<semaphore_mem>>)
      %dma_wait3A = arith.constant 0 : i32
      %dma_wait3A_327 = arith.constant 0 : i32
      %dma_wait3A_328 = arith.constant 0 : i32
      %dma_wait3A_329 = arith.constant 0 : i32
      %dma_wait3A_330 = arith.constant 0 : i32
      %dma_wait3A_331 = arith.constant 0 : i32
      %dma_wait3A_332 = tpu.memref_slice %arg8[%dma_wait3A_328, %dma_wait3A_329, %dma_wait3A_330, %dma_wait3A_331] : memref<4x4x128x16xf32, #tpu.memory_space<vmem>> -> memref<1x1x128x16xf32, #tpu.memory_space<vmem>>
      %dma_wait3A_333 = tpu.memref_squeeze %dma_wait3A_332 : memref<1x1x128x16xf32, #tpu.memory_space<vmem>> -> memref<128x16xf32, #tpu.memory_space<vmem>>
      %dma_wait3A_334 = arith.constant 0 : i32
      %dma_wait3A_335 = tpu.memref_slice %arg6[%dma_wait3A_327, %dma_wait3A_334] : memref<4x128xi32, #tpu.memory_space<vmem>> -> memref<1x128xi32, #tpu.memory_space<vmem>>
      %dma_wait3A_336 = tpu.memref_squeeze %dma_wait3A_335 : memref<1x128xi32, #tpu.memory_space<vmem>> -> memref<128xi32, #tpu.memory_space<vmem>>
      %dma_wait3A_337 = arith.constant 0 : i32
      %dma_wait3A_338 = arith.constant 0 : i32
      %dma_wait3A_339 = tpu.memref_slice %arg2[%add3A, %dma_wait3A, %dma_wait3A_337, %dma_wait3A_338] : memref<32x4x3721x16xf32, #tpu.memory_space<hbm>> -> memref<1x1x3721x16xf32, #tpu.memory_space<hbm>>
      %dma_wait3A_340 = tpu.memref_squeeze %dma_wait3A_339 : memref<1x1x3721x16xf32, #tpu.memory_space<hbm>> -> memref<3721x16xf32, #tpu.memory_space<hbm>>
      %dma_wait3A_341 = arith.constant 0 : i32
      %dma_wait3A_342 = arith.constant 0 : i32
      %dma_wait3A_343 = tpu.memref_slice %dma_wait3A_340[%dma_wait3A_341, %dma_wait3A_342] : memref<3721x16xf32, #tpu.memory_space<hbm>> -> memref<3721x16xf32, #tpu.memory_space<hbm>>
      tpu.wait_indirect_dma semaphore(%arg10 : memref<!tpu.dma_semaphore, #tpu.memory_space<semaphore_mem>>) src(%dma_wait3A_343 : memref<3721x16xf32, #tpu.memory_space<hbm>>) dst(%dma_wait3A_333 : memref<128x16xf32, #tpu.memory_space<vmem>>)
      %dma_wait3A_344 = arith.constant 1 : i32
      %dma_wait3A_345 = arith.constant 0 : i32
      %dma_wait3A_346 = arith.constant 0 : i32
      %dma_wait3A_347 = arith.constant 1 : i32
      %dma_wait3A_348 = arith.constant 0 : i32
      %dma_wait3A_349 = arith.constant 0 : i32
      %dma_wait3A_350 = tpu.memref_slice %arg8[%dma_wait3A_346, %dma_wait3A_347, %dma_wait3A_348, %dma_wait3A_349] : memref<4x4x128x16xf32, #tpu.memory_space<vmem>> -> memref<1x1x128x16xf32, #tpu.memory_space<vmem>>
      %dma_wait3A_351 = tpu.memref_squeeze %dma_wait3A_350 : memref<1x1x128x16xf32, #tpu.memory_space<vmem>> -> memref<128x16xf32, #tpu.memory_space<vmem>>
      %dma_wait3A_352 = arith.constant 0 : i32
      %dma_wait3A_353 = tpu.memref_slice %arg6[%dma_wait3A_345, %dma_wait3A_352] : memref<4x128xi32, #tpu.memory_space<vmem>> -> memref<1x128xi32, #tpu.memory_space<vmem>>
      %dma_wait3A_354 = tpu.memref_squeeze %dma_wait3A_353 : memref<1x128xi32, #tpu.memory_space<vmem>> -> memref<128xi32, #tpu.memory_space<vmem>>
      %dma_wait3A_355 = arith.constant 0 : i32
      %dma_wait3A_356 = arith.constant 0 : i32
      %dma_wait3A_357 = tpu.memref_slice %arg2[%add3A, %dma_wait3A_344, %dma_wait3A_355, %dma_wait3A_356] : memref<32x4x3721x16xf32, #tpu.memory_space<hbm>> -> memref<1x1x3721x16xf32, #tpu.memory_space<hbm>>
      %dma_wait3A_358 = tpu.memref_squeeze %dma_wait3A_357 : memref<1x1x3721x16xf32, #tpu.memory_space<hbm>> -> memref<3721x16xf32, #tpu.memory_space<hbm>>
      %dma_wait3A_359 = arith.constant 0 : i32
      %dma_wait3A_360 = arith.constant 0 : i32
      %dma_wait3A_361 = tpu.memref_slice %dma_wait3A_358[%dma_wait3A_359, %dma_wait3A_360] : memref<3721x16xf32, #tpu.memory_space<hbm>> -> memref<3721x16xf32, #tpu.memory_space<hbm>>
      tpu.wait_indirect_dma semaphore(%arg10 : memref<!tpu.dma_semaphore, #tpu.memory_space<semaphore_mem>>) src(%dma_wait3A_361 : memref<3721x16xf32, #tpu.memory_space<hbm>>) dst(%dma_wait3A_351 : memref<128x16xf32, #tpu.memory_space<vmem>>)
      %dma_wait3A_362 = arith.constant 2 : i32
      %dma_wait3A_363 = arith.constant 0 : i32
      %dma_wait3A_364 = arith.constant 0 : i32
      %dma_wait3A_365 = arith.constant 2 : i32
      %dma_wait3A_366 = arith.constant 0 : i32
      %dma_wait3A_367 = arith.constant 0 : i32
      %dma_wait3A_368 = tpu.memref_slice %arg8[%dma_wait3A_364, %dma_wait3A_365, %dma_wait3A_366, %dma_wait3A_367] : memref<4x4x128x16xf32, #tpu.memory_space<vmem>> -> memref<1x1x128x16xf32, #tpu.memory_space<vmem>>
      %dma_wait3A_369 = tpu.memref_squeeze %dma_wait3A_368 : memref<1x1x128x16xf32, #tpu.memory_space<vmem>> -> memref<128x16xf32, #tpu.memory_space<vmem>>
      %dma_wait3A_370 = arith.constant 0 : i32
      %dma_wait3A_371 = tpu.memref_slice %arg6[%dma_wait3A_363, %dma_wait3A_370] : memref<4x128xi32, #tpu.memory_space<vmem>> -> memref<1x128xi32, #tpu.memory_space<vmem>>
      %dma_wait3A_372 = tpu.memref_squeeze %dma_wait3A_371 : memref<1x128xi32, #tpu.memory_space<vmem>> -> memref<128xi32, #tpu.memory_space<vmem>>
      %dma_wait3A_373 = arith.constant 0 : i32
      %dma_wait3A_374 = arith.constant 0 : i32
      %dma_wait3A_375 = tpu.memref_slice %arg2[%add3A, %dma_wait3A_362, %dma_wait3A_373, %dma_wait3A_374] : memref<32x4x3721x16xf32, #tpu.memory_space<hbm>> -> memref<1x1x3721x16xf32, #tpu.memory_space<hbm>>
      %dma_wait3A_376 = tpu.memref_squeeze %dma_wait3A_375 : memref<1x1x3721x16xf32, #tpu.memory_space<hbm>> -> memref<3721x16xf32, #tpu.memory_space<hbm>>
      %dma_wait3A_377 = arith.constant 0 : i32
      %dma_wait3A_378 = arith.constant 0 : i32
      %dma_wait3A_379 = tpu.memref_slice %dma_wait3A_376[%dma_wait3A_377, %dma_wait3A_378] : memref<3721x16xf32, #tpu.memory_space<hbm>> -> memref<3721x16xf32, #tpu.memory_space<hbm>>
      tpu.wait_indirect_dma semaphore(%arg10 : memref<!tpu.dma_semaphore, #tpu.memory_space<semaphore_mem>>) src(%dma_wait3A_379 : memref<3721x16xf32, #tpu.memory_space<hbm>>) dst(%dma_wait3A_369 : memref<128x16xf32, #tpu.memory_space<vmem>>)
      %dma_wait3A_380 = arith.constant 3 : i32
      %dma_wait3A_381 = arith.constant 0 : i32
      %dma_wait3A_382 = arith.constant 0 : i32
      %dma_wait3A_383 = arith.constant 3 : i32
      %dma_wait3A_384 = arith.constant 0 : i32
      %dma_wait3A_385 = arith.constant 0 : i32
      %dma_wait3A_386 = tpu.memref_slice %arg8[%dma_wait3A_382, %dma_wait3A_383, %dma_wait3A_384, %dma_wait3A_385] : memref<4x4x128x16xf32, #tpu.memory_space<vmem>> -> memref<1x1x128x16xf32, #tpu.memory_space<vmem>>
      %dma_wait3A_387 = tpu.memref_squeeze %dma_wait3A_386 : memref<1x1x128x16xf32, #tpu.memory_space<vmem>> -> memref<128x16xf32, #tpu.memory_space<vmem>>
      %dma_wait3A_388 = arith.constant 0 : i32
      %dma_wait3A_389 = tpu.memref_slice %arg6[%dma_wait3A_381, %dma_wait3A_388] : memref<4x128xi32, #tpu.memory_space<vmem>> -> memref<1x128xi32, #tpu.memory_space<vmem>>
      %dma_wait3A_390 = tpu.memref_squeeze %dma_wait3A_389 : memref<1x128xi32, #tpu.memory_space<vmem>> -> memref<128xi32, #tpu.memory_space<vmem>>
      %dma_wait3A_391 = arith.constant 0 : i32
      %dma_wait3A_392 = arith.constant 0 : i32
      %dma_wait3A_393 = tpu.memref_slice %arg2[%add3A, %dma_wait3A_380, %dma_wait3A_391, %dma_wait3A_392] : memref<32x4x3721x16xf32, #tpu.memory_space<hbm>> -> memref<1x1x3721x16xf32, #tpu.memory_space<hbm>>
      %dma_wait3A_394 = tpu.memref_squeeze %dma_wait3A_393 : memref<1x1x3721x16xf32, #tpu.memory_space<hbm>> -> memref<3721x16xf32, #tpu.memory_space<hbm>>
      %dma_wait3A_395 = arith.constant 0 : i32
      %dma_wait3A_396 = arith.constant 0 : i32
      %dma_wait3A_397 = tpu.memref_slice %dma_wait3A_394[%dma_wait3A_395, %dma_wait3A_396] : memref<3721x16xf32, #tpu.memory_space<hbm>> -> memref<3721x16xf32, #tpu.memory_space<hbm>>
      tpu.wait_indirect_dma semaphore(%arg10 : memref<!tpu.dma_semaphore, #tpu.memory_space<semaphore_mem>>) src(%dma_wait3A_397 : memref<3721x16xf32, #tpu.memory_space<hbm>>) dst(%dma_wait3A_387 : memref<128x16xf32, #tpu.memory_space<vmem>>)
      %dma_wait3A_398 = arith.constant 0 : i32
      %dma_wait3A_399 = arith.constant 1 : i32
      %dma_wait3A_400 = arith.constant 1 : i32
      %dma_wait3A_401 = arith.constant 0 : i32
      %dma_wait3A_402 = arith.constant 0 : i32
      %dma_wait3A_403 = arith.constant 0 : i32
      %dma_wait3A_404 = tpu.memref_slice %arg8[%dma_wait3A_400, %dma_wait3A_401, %dma_wait3A_402, %dma_wait3A_403] : memref<4x4x128x16xf32, #tpu.memory_space<vmem>> -> memref<1x1x128x16xf32, #tpu.memory_space<vmem>>
      %dma_wait3A_405 = tpu.memref_squeeze %dma_wait3A_404 : memref<1x1x128x16xf32, #tpu.memory_space<vmem>> -> memref<128x16xf32, #tpu.memory_space<vmem>>
      %dma_wait3A_406 = arith.constant 0 : i32
      %dma_wait3A_407 = tpu.memref_slice %arg6[%dma_wait3A_399, %dma_wait3A_406] : memref<4x128xi32, #tpu.memory_space<vmem>> -> memref<1x128xi32, #tpu.memory_space<vmem>>
      %dma_wait3A_408 = tpu.memref_squeeze %dma_wait3A_407 : memref<1x128xi32, #tpu.memory_space<vmem>> -> memref<128xi32, #tpu.memory_space<vmem>>
      %dma_wait3A_409 = arith.constant 0 : i32
      %dma_wait3A_410 = arith.constant 0 : i32
      %dma_wait3A_411 = tpu.memref_slice %arg2[%add3A, %dma_wait3A_398, %dma_wait3A_409, %dma_wait3A_410] : memref<32x4x3721x16xf32, #tpu.memory_space<hbm>> -> memref<1x1x3721x16xf32, #tpu.memory_space<hbm>>
      %dma_wait3A_412 = tpu.memref_squeeze %dma_wait3A_411 : memref<1x1x3721x16xf32, #tpu.memory_space<hbm>> -> memref<3721x16xf32, #tpu.memory_space<hbm>>
      %dma_wait3A_413 = arith.constant 0 : i32
      %dma_wait3A_414 = arith.constant 0 : i32
      %dma_wait3A_415 = tpu.memref_slice %dma_wait3A_412[%dma_wait3A_413, %dma_wait3A_414] : memref<3721x16xf32, #tpu.memory_space<hbm>> -> memref<3721x16xf32, #tpu.memory_space<hbm>>
      tpu.wait_indirect_dma semaphore(%arg10 : memref<!tpu.dma_semaphore, #tpu.memory_space<semaphore_mem>>) src(%dma_wait3A_415 : memref<3721x16xf32, #tpu.memory_space<hbm>>) dst(%dma_wait3A_405 : memref<128x16xf32, #tpu.memory_space<vmem>>)
      %dma_wait3A_416 = arith.constant 1 : i32
      %dma_wait3A_417 = arith.constant 1 : i32
      %dma_wait3A_418 = arith.constant 1 : i32
      %dma_wait3A_419 = arith.constant 1 : i32
      %dma_wait3A_420 = arith.constant 0 : i32
      %dma_wait3A_421 = arith.constant 0 : i32
      %dma_wait3A_422 = tpu.memref_slice %arg8[%dma_wait3A_418, %dma_wait3A_419, %dma_wait3A_420, %dma_wait3A_421] : memref<4x4x128x16xf32, #tpu.memory_space<vmem>> -> memref<1x1x128x16xf32, #tpu.memory_space<vmem>>
      %dma_wait3A_423 = tpu.memref_squeeze %dma_wait3A_422 : memref<1x1x128x16xf32, #tpu.memory_space<vmem>> -> memref<128x16xf32, #tpu.memory_space<vmem>>
      %dma_wait3A_424 = arith.constant 0 : i32
      %dma_wait3A_425 = tpu.memref_slice %arg6[%dma_wait3A_417, %dma_wait3A_424] : memref<4x128xi32, #tpu.memory_space<vmem>> -> memref<1x128xi32, #tpu.memory_space<vmem>>
      %dma_wait3A_426 = tpu.memref_squeeze %dma_wait3A_425 : memref<1x128xi32, #tpu.memory_space<vmem>> -> memref<128xi32, #tpu.memory_space<vmem>>
      %dma_wait3A_427 = arith.constant 0 : i32
      %dma_wait3A_428 = arith.constant 0 : i32
      %dma_wait3A_429 = tpu.memref_slice %arg2[%add3A, %dma_wait3A_416, %dma_wait3A_427, %dma_wait3A_428] : memref<32x4x3721x16xf32, #tpu.memory_space<hbm>> -> memref<1x1x3721x16xf32, #tpu.memory_space<hbm>>
      %dma_wait3A_430 = tpu.memref_squeeze %dma_wait3A_429 : memref<1x1x3721x16xf32, #tpu.memory_space<hbm>> -> memref<3721x16xf32, #tpu.memory_space<hbm>>
      %dma_wait3A_431 = arith.constant 0 : i32
      %dma_wait3A_432 = arith.constant 0 : i32
      %dma_wait3A_433 = tpu.memref_slice %dma_wait3A_430[%dma_wait3A_431, %dma_wait3A_432] : memref<3721x16xf32, #tpu.memory_space<hbm>> -> memref<3721x16xf32, #tpu.memory_space<hbm>>
      tpu.wait_indirect_dma semaphore(%arg10 : memref<!tpu.dma_semaphore, #tpu.memory_space<semaphore_mem>>) src(%dma_wait3A_433 : memref<3721x16xf32, #tpu.memory_space<hbm>>) dst(%dma_wait3A_423 : memref<128x16xf32, #tpu.memory_space<vmem>>)
      %dma_wait3A_434 = arith.constant 2 : i32
      %dma_wait3A_435 = arith.constant 1 : i32
      %dma_wait3A_436 = arith.constant 1 : i32
      %dma_wait3A_437 = arith.constant 2 : i32
      %dma_wait3A_438 = arith.constant 0 : i32
      %dma_wait3A_439 = arith.constant 0 : i32
      %dma_wait3A_440 = tpu.memref_slice %arg8[%dma_wait3A_436, %dma_wait3A_437, %dma_wait3A_438, %dma_wait3A_439] : memref<4x4x128x16xf32, #tpu.memory_space<vmem>> -> memref<1x1x128x16xf32, #tpu.memory_space<vmem>>
      %dma_wait3A_441 = tpu.memref_squeeze %dma_wait3A_440 : memref<1x1x128x16xf32, #tpu.memory_space<vmem>> -> memref<128x16xf32, #tpu.memory_space<vmem>>
      %dma_wait3A_442 = arith.constant 0 : i32
      %dma_wait3A_443 = tpu.memref_slice %arg6[%dma_wait3A_435, %dma_wait3A_442] : memref<4x128xi32, #tpu.memory_space<vmem>> -> memref<1x128xi32, #tpu.memory_space<vmem>>
      %dma_wait3A_444 = tpu.memref_squeeze %dma_wait3A_443 : memref<1x128xi32, #tpu.memory_space<vmem>> -> memref<128xi32, #tpu.memory_space<vmem>>
      %dma_wait3A_445 = arith.constant 0 : i32
      %dma_wait3A_446 = arith.constant 0 : i32
      %dma_wait3A_447 = tpu.memref_slice %arg2[%add3A, %dma_wait3A_434, %dma_wait3A_445, %dma_wait3A_446] : memref<32x4x3721x16xf32, #tpu.memory_space<hbm>> -> memref<1x1x3721x16xf32, #tpu.memory_space<hbm>>
      %dma_wait3A_448 = tpu.memref_squeeze %dma_wait3A_447 : memref<1x1x3721x16xf32, #tpu.memory_space<hbm>> -> memref<3721x16xf32, #tpu.memory_space<hbm>>
      %dma_wait3A_449 = arith.constant 0 : i32
      %dma_wait3A_450 = arith.constant 0 : i32
      %dma_wait3A_451 = tpu.memref_slice %dma_wait3A_448[%dma_wait3A_449, %dma_wait3A_450] : memref<3721x16xf32, #tpu.memory_space<hbm>> -> memref<3721x16xf32, #tpu.memory_space<hbm>>
      tpu.wait_indirect_dma semaphore(%arg10 : memref<!tpu.dma_semaphore, #tpu.memory_space<semaphore_mem>>) src(%dma_wait3A_451 : memref<3721x16xf32, #tpu.memory_space<hbm>>) dst(%dma_wait3A_441 : memref<128x16xf32, #tpu.memory_space<vmem>>)
      %dma_wait3A_452 = arith.constant 3 : i32
      %dma_wait3A_453 = arith.constant 1 : i32
      %dma_wait3A_454 = arith.constant 1 : i32
      %dma_wait3A_455 = arith.constant 3 : i32
      %dma_wait3A_456 = arith.constant 0 : i32
      %dma_wait3A_457 = arith.constant 0 : i32
      %dma_wait3A_458 = tpu.memref_slice %arg8[%dma_wait3A_454, %dma_wait3A_455, %dma_wait3A_456, %dma_wait3A_457] : memref<4x4x128x16xf32, #tpu.memory_space<vmem>> -> memref<1x1x128x16xf32, #tpu.memory_space<vmem>>
      %dma_wait3A_459 = tpu.memref_squeeze %dma_wait3A_458 : memref<1x1x128x16xf32, #tpu.memory_space<vmem>> -> memref<128x16xf32, #tpu.memory_space<vmem>>
      %dma_wait3A_460 = arith.constant 0 : i32
      %dma_wait3A_461 = tpu.memref_slice %arg6[%dma_wait3A_453, %dma_wait3A_460] : memref<4x128xi32, #tpu.memory_space<vmem>> -> memref<1x128xi32, #tpu.memory_space<vmem>>
      %dma_wait3A_462 = tpu.memref_squeeze %dma_wait3A_461 : memref<1x128xi32, #tpu.memory_space<vmem>> -> memref<128xi32, #tpu.memory_space<vmem>>
      %dma_wait3A_463 = arith.constant 0 : i32
      %dma_wait3A_464 = arith.constant 0 : i32
      %dma_wait3A_465 = tpu.memref_slice %arg2[%add3A, %dma_wait3A_452, %dma_wait3A_463, %dma_wait3A_464] : memref<32x4x3721x16xf32, #tpu.memory_space<hbm>> -> memref<1x1x3721x16xf32, #tpu.memory_space<hbm>>
      %dma_wait3A_466 = tpu.memref_squeeze %dma_wait3A_465 : memref<1x1x3721x16xf32, #tpu.memory_space<hbm>> -> memref<3721x16xf32, #tpu.memory_space<hbm>>
      %dma_wait3A_467 = arith.constant 0 : i32
      %dma_wait3A_468 = arith.constant 0 : i32
      %dma_wait3A_469 = tpu.memref_slice %dma_wait3A_466[%dma_wait3A_467, %dma_wait3A_468] : memref<3721x16xf32, #tpu.memory_space<hbm>> -> memref<3721x16xf32, #tpu.memory_space<hbm>>
      tpu.wait_indirect_dma semaphore(%arg10 : memref<!tpu.dma_semaphore, #tpu.memory_space<semaphore_mem>>) src(%dma_wait3A_469 : memref<3721x16xf32, #tpu.memory_space<hbm>>) dst(%dma_wait3A_459 : memref<128x16xf32, #tpu.memory_space<vmem>>)
      %dma_wait3A_470 = arith.constant 0 : i32
      %dma_wait3A_471 = arith.constant 2 : i32
      %dma_wait3A_472 = arith.constant 2 : i32
      %dma_wait3A_473 = arith.constant 0 : i32
      %dma_wait3A_474 = arith.constant 0 : i32
      %dma_wait3A_475 = arith.constant 0 : i32
      %dma_wait3A_476 = tpu.memref_slice %arg8[%dma_wait3A_472, %dma_wait3A_473, %dma_wait3A_474, %dma_wait3A_475] : memref<4x4x128x16xf32, #tpu.memory_space<vmem>> -> memref<1x1x128x16xf32, #tpu.memory_space<vmem>>
      %dma_wait3A_477 = tpu.memref_squeeze %dma_wait3A_476 : memref<1x1x128x16xf32, #tpu.memory_space<vmem>> -> memref<128x16xf32, #tpu.memory_space<vmem>>
      %dma_wait3A_478 = arith.constant 0 : i32
      %dma_wait3A_479 = tpu.memref_slice %arg6[%dma_wait3A_471, %dma_wait3A_478] : memref<4x128xi32, #tpu.memory_space<vmem>> -> memref<1x128xi32, #tpu.memory_space<vmem>>
      %dma_wait3A_480 = tpu.memref_squeeze %dma_wait3A_479 : memref<1x128xi32, #tpu.memory_space<vmem>> -> memref<128xi32, #tpu.memory_space<vmem>>
      %dma_wait3A_481 = arith.constant 0 : i32
      %dma_wait3A_482 = arith.constant 0 : i32
      %dma_wait3A_483 = tpu.memref_slice %arg2[%add3A, %dma_wait3A_470, %dma_wait3A_481, %dma_wait3A_482] : memref<32x4x3721x16xf32, #tpu.memory_space<hbm>> -> memref<1x1x3721x16xf32, #tpu.memory_space<hbm>>
      %dma_wait3A_484 = tpu.memref_squeeze %dma_wait3A_483 : memref<1x1x3721x16xf32, #tpu.memory_space<hbm>> -> memref<3721x16xf32, #tpu.memory_space<hbm>>
      %dma_wait3A_485 = arith.constant 0 : i32
      %dma_wait3A_486 = arith.constant 0 : i32
      %dma_wait3A_487 = tpu.memref_slice %dma_wait3A_484[%dma_wait3A_485, %dma_wait3A_486] : memref<3721x16xf32, #tpu.memory_space<hbm>> -> memref<3721x16xf32, #tpu.memory_space<hbm>>
      tpu.wait_indirect_dma semaphore(%arg10 : memref<!tpu.dma_semaphore, #tpu.memory_space<semaphore_mem>>) src(%dma_wait3A_487 : memref<3721x16xf32, #tpu.memory_space<hbm>>) dst(%dma_wait3A_477 : memref<128x16xf32, #tpu.memory_space<vmem>>)
      %dma_wait3A_488 = arith.constant 1 : i32
      %dma_wait3A_489 = arith.constant 2 : i32
      %dma_wait3A_490 = arith.constant 2 : i32
      %dma_wait3A_491 = arith.constant 1 : i32
      %dma_wait3A_492 = arith.constant 0 : i32
      %dma_wait3A_493 = arith.constant 0 : i32
      %dma_wait3A_494 = tpu.memref_slice %arg8[%dma_wait3A_490, %dma_wait3A_491, %dma_wait3A_492, %dma_wait3A_493] : memref<4x4x128x16xf32, #tpu.memory_space<vmem>> -> memref<1x1x128x16xf32, #tpu.memory_space<vmem>>
      %dma_wait3A_495 = tpu.memref_squeeze %dma_wait3A_494 : memref<1x1x128x16xf32, #tpu.memory_space<vmem>> -> memref<128x16xf32, #tpu.memory_space<vmem>>
      %dma_wait3A_496 = arith.constant 0 : i32
      %dma_wait3A_497 = tpu.memref_slice %arg6[%dma_wait3A_489, %dma_wait3A_496] : memref<4x128xi32, #tpu.memory_space<vmem>> -> memref<1x128xi32, #tpu.memory_space<vmem>>
      %dma_wait3A_498 = tpu.memref_squeeze %dma_wait3A_497 : memref<1x128xi32, #tpu.memory_space<vmem>> -> memref<128xi32, #tpu.memory_space<vmem>>
      %dma_wait3A_499 = arith.constant 0 : i32
      %dma_wait3A_500 = arith.constant 0 : i32
      %dma_wait3A_501 = tpu.memref_slice %arg2[%add3A, %dma_wait3A_488, %dma_wait3A_499, %dma_wait3A_500] : memref<32x4x3721x16xf32, #tpu.memory_space<hbm>> -> memref<1x1x3721x16xf32, #tpu.memory_space<hbm>>
      %dma_wait3A_502 = tpu.memref_squeeze %dma_wait3A_501 : memref<1x1x3721x16xf32, #tpu.memory_space<hbm>> -> memref<3721x16xf32, #tpu.memory_space<hbm>>
      %dma_wait3A_503 = arith.constant 0 : i32
      %dma_wait3A_504 = arith.constant 0 : i32
      %dma_wait3A_505 = tpu.memref_slice %dma_wait3A_502[%dma_wait3A_503, %dma_wait3A_504] : memref<3721x16xf32, #tpu.memory_space<hbm>> -> memref<3721x16xf32, #tpu.memory_space<hbm>>
      tpu.wait_indirect_dma semaphore(%arg10 : memref<!tpu.dma_semaphore, #tpu.memory_space<semaphore_mem>>) src(%dma_wait3A_505 : memref<3721x16xf32, #tpu.memory_space<hbm>>) dst(%dma_wait3A_495 : memref<128x16xf32, #tpu.memory_space<vmem>>)
      %dma_wait3A_506 = arith.constant 2 : i32
      %dma_wait3A_507 = arith.constant 2 : i32
      %dma_wait3A_508 = arith.constant 2 : i32
      %dma_wait3A_509 = arith.constant 2 : i32
      %dma_wait3A_510 = arith.constant 0 : i32
      %dma_wait3A_511 = arith.constant 0 : i32
      %dma_wait3A_512 = tpu.memref_slice %arg8[%dma_wait3A_508, %dma_wait3A_509, %dma_wait3A_510, %dma_wait3A_511] : memref<4x4x128x16xf32, #tpu.memory_space<vmem>> -> memref<1x1x128x16xf32, #tpu.memory_space<vmem>>
      %dma_wait3A_513 = tpu.memref_squeeze %dma_wait3A_512 : memref<1x1x128x16xf32, #tpu.memory_space<vmem>> -> memref<128x16xf32, #tpu.memory_space<vmem>>
      %dma_wait3A_514 = arith.constant 0 : i32
      %dma_wait3A_515 = tpu.memref_slice %arg6[%dma_wait3A_507, %dma_wait3A_514] : memref<4x128xi32, #tpu.memory_space<vmem>> -> memref<1x128xi32, #tpu.memory_space<vmem>>
      %dma_wait3A_516 = tpu.memref_squeeze %dma_wait3A_515 : memref<1x128xi32, #tpu.memory_space<vmem>> -> memref<128xi32, #tpu.memory_space<vmem>>
      %dma_wait3A_517 = arith.constant 0 : i32
      %dma_wait3A_518 = arith.constant 0 : i32
      %dma_wait3A_519 = tpu.memref_slice %arg2[%add3A, %dma_wait3A_506, %dma_wait3A_517, %dma_wait3A_518] : memref<32x4x3721x16xf32, #tpu.memory_space<hbm>> -> memref<1x1x3721x16xf32, #tpu.memory_space<hbm>>
      %dma_wait3A_520 = tpu.memref_squeeze %dma_wait3A_519 : memref<1x1x3721x16xf32, #tpu.memory_space<hbm>> -> memref<3721x16xf32, #tpu.memory_space<hbm>>
      %dma_wait3A_521 = arith.constant 0 : i32
      %dma_wait3A_522 = arith.constant 0 : i32
      %dma_wait3A_523 = tpu.memref_slice %dma_wait3A_520[%dma_wait3A_521, %dma_wait3A_522] : memref<3721x16xf32, #tpu.memory_space<hbm>> -> memref<3721x16xf32, #tpu.memory_space<hbm>>
      tpu.wait_indirect_dma semaphore(%arg10 : memref<!tpu.dma_semaphore, #tpu.memory_space<semaphore_mem>>) src(%dma_wait3A_523 : memref<3721x16xf32, #tpu.memory_space<hbm>>) dst(%dma_wait3A_513 : memref<128x16xf32, #tpu.memory_space<vmem>>)
      %dma_wait3A_524 = arith.constant 3 : i32
      %dma_wait3A_525 = arith.constant 2 : i32
      %dma_wait3A_526 = arith.constant 2 : i32
      %dma_wait3A_527 = arith.constant 3 : i32
      %dma_wait3A_528 = arith.constant 0 : i32
      %dma_wait3A_529 = arith.constant 0 : i32
      %dma_wait3A_530 = tpu.memref_slice %arg8[%dma_wait3A_526, %dma_wait3A_527, %dma_wait3A_528, %dma_wait3A_529] : memref<4x4x128x16xf32, #tpu.memory_space<vmem>> -> memref<1x1x128x16xf32, #tpu.memory_space<vmem>>
      %dma_wait3A_531 = tpu.memref_squeeze %dma_wait3A_530 : memref<1x1x128x16xf32, #tpu.memory_space<vmem>> -> memref<128x16xf32, #tpu.memory_space<vmem>>
      %dma_wait3A_532 = arith.constant 0 : i32
      %dma_wait3A_533 = tpu.memref_slice %arg6[%dma_wait3A_525, %dma_wait3A_532] : memref<4x128xi32, #tpu.memory_space<vmem>> -> memref<1x128xi32, #tpu.memory_space<vmem>>
      %dma_wait3A_534 = tpu.memref_squeeze %dma_wait3A_533 : memref<1x128xi32, #tpu.memory_space<vmem>> -> memref<128xi32, #tpu.memory_space<vmem>>
      %dma_wait3A_535 = arith.constant 0 : i32
      %dma_wait3A_536 = arith.constant 0 : i32
      %dma_wait3A_537 = tpu.memref_slice %arg2[%add3A, %dma_wait3A_524, %dma_wait3A_535, %dma_wait3A_536] : memref<32x4x3721x16xf32, #tpu.memory_space<hbm>> -> memref<1x1x3721x16xf32, #tpu.memory_space<hbm>>
      %dma_wait3A_538 = tpu.memref_squeeze %dma_wait3A_537 : memref<1x1x3721x16xf32, #tpu.memory_space<hbm>> -> memref<3721x16xf32, #tpu.memory_space<hbm>>
      %dma_wait3A_539 = arith.constant 0 : i32
      %dma_wait3A_540 = arith.constant 0 : i32
      %dma_wait3A_541 = tpu.memref_slice %dma_wait3A_538[%dma_wait3A_539, %dma_wait3A_540] : memref<3721x16xf32, #tpu.memory_space<hbm>> -> memref<3721x16xf32, #tpu.memory_space<hbm>>
      tpu.wait_indirect_dma semaphore(%arg10 : memref<!tpu.dma_semaphore, #tpu.memory_space<semaphore_mem>>) src(%dma_wait3A_541 : memref<3721x16xf32, #tpu.memory_space<hbm>>) dst(%dma_wait3A_531 : memref<128x16xf32, #tpu.memory_space<vmem>>)
      %dma_wait3A_542 = arith.constant 0 : i32
      %dma_wait3A_543 = arith.constant 3 : i32
      %dma_wait3A_544 = arith.constant 3 : i32
      %dma_wait3A_545 = arith.constant 0 : i32
      %dma_wait3A_546 = arith.constant 0 : i32
      %dma_wait3A_547 = arith.constant 0 : i32
      %dma_wait3A_548 = tpu.memref_slice %arg8[%dma_wait3A_544, %dma_wait3A_545, %dma_wait3A_546, %dma_wait3A_547] : memref<4x4x128x16xf32, #tpu.memory_space<vmem>> -> memref<1x1x128x16xf32, #tpu.memory_space<vmem>>
      %dma_wait3A_549 = tpu.memref_squeeze %dma_wait3A_548 : memref<1x1x128x16xf32, #tpu.memory_space<vmem>> -> memref<128x16xf32, #tpu.memory_space<vmem>>
      %dma_wait3A_550 = arith.constant 0 : i32
      %dma_wait3A_551 = tpu.memref_slice %arg6[%dma_wait3A_543, %dma_wait3A_550] : memref<4x128xi32, #tpu.memory_space<vmem>> -> memref<1x128xi32, #tpu.memory_space<vmem>>
      %dma_wait3A_552 = tpu.memref_squeeze %dma_wait3A_551 : memref<1x128xi32, #tpu.memory_space<vmem>> -> memref<128xi32, #tpu.memory_space<vmem>>
      %dma_wait3A_553 = arith.constant 0 : i32
      %dma_wait3A_554 = arith.constant 0 : i32
      %dma_wait3A_555 = tpu.memref_slice %arg2[%add3A, %dma_wait3A_542, %dma_wait3A_553, %dma_wait3A_554] : memref<32x4x3721x16xf32, #tpu.memory_space<hbm>> -> memref<1x1x3721x16xf32, #tpu.memory_space<hbm>>
      %dma_wait3A_556 = tpu.memref_squeeze %dma_wait3A_555 : memref<1x1x3721x16xf32, #tpu.memory_space<hbm>> -> memref<3721x16xf32, #tpu.memory_space<hbm>>
      %dma_wait3A_557 = arith.constant 0 : i32
      %dma_wait3A_558 = arith.constant 0 : i32
      %dma_wait3A_559 = tpu.memref_slice %dma_wait3A_556[%dma_wait3A_557, %dma_wait3A_558] : memref<3721x16xf32, #tpu.memory_space<hbm>> -> memref<3721x16xf32, #tpu.memory_space<hbm>>
      tpu.wait_indirect_dma semaphore(%arg10 : memref<!tpu.dma_semaphore, #tpu.memory_space<semaphore_mem>>) src(%dma_wait3A_559 : memref<3721x16xf32, #tpu.memory_space<hbm>>) dst(%dma_wait3A_549 : memref<128x16xf32, #tpu.memory_space<vmem>>)
      %dma_wait3A_560 = arith.constant 1 : i32
      %dma_wait3A_561 = arith.constant 3 : i32
      %dma_wait3A_562 = arith.constant 3 : i32
      %dma_wait3A_563 = arith.constant 1 : i32
      %dma_wait3A_564 = arith.constant 0 : i32
      %dma_wait3A_565 = arith.constant 0 : i32
      %dma_wait3A_566 = tpu.memref_slice %arg8[%dma_wait3A_562, %dma_wait3A_563, %dma_wait3A_564, %dma_wait3A_565] : memref<4x4x128x16xf32, #tpu.memory_space<vmem>> -> memref<1x1x128x16xf32, #tpu.memory_space<vmem>>
      %dma_wait3A_567 = tpu.memref_squeeze %dma_wait3A_566 : memref<1x1x128x16xf32, #tpu.memory_space<vmem>> -> memref<128x16xf32, #tpu.memory_space<vmem>>
      %dma_wait3A_568 = arith.constant 0 : i32
      %dma_wait3A_569 = tpu.memref_slice %arg6[%dma_wait3A_561, %dma_wait3A_568] : memref<4x128xi32, #tpu.memory_space<vmem>> -> memref<1x128xi32, #tpu.memory_space<vmem>>
      %dma_wait3A_570 = tpu.memref_squeeze %dma_wait3A_569 : memref<1x128xi32, #tpu.memory_space<vmem>> -> memref<128xi32, #tpu.memory_space<vmem>>
      %dma_wait3A_571 = arith.constant 0 : i32
      %dma_wait3A_572 = arith.constant 0 : i32
      %dma_wait3A_573 = tpu.memref_slice %arg2[%add3A, %dma_wait3A_560, %dma_wait3A_571, %dma_wait3A_572] : memref<32x4x3721x16xf32, #tpu.memory_space<hbm>> -> memref<1x1x3721x16xf32, #tpu.memory_space<hbm>>
      %dma_wait3A_574 = tpu.memref_squeeze %dma_wait3A_573 : memref<1x1x3721x16xf32, #tpu.memory_space<hbm>> -> memref<3721x16xf32, #tpu.memory_space<hbm>>
      %dma_wait3A_575 = arith.constant 0 : i32
      %dma_wait3A_576 = arith.constant 0 : i32
      %dma_wait3A_577 = tpu.memref_slice %dma_wait3A_574[%dma_wait3A_575, %dma_wait3A_576] : memref<3721x16xf32, #tpu.memory_space<hbm>> -> memref<3721x16xf32, #tpu.memory_space<hbm>>
      tpu.wait_indirect_dma semaphore(%arg10 : memref<!tpu.dma_semaphore, #tpu.memory_space<semaphore_mem>>) src(%dma_wait3A_577 : memref<3721x16xf32, #tpu.memory_space<hbm>>) dst(%dma_wait3A_567 : memref<128x16xf32, #tpu.memory_space<vmem>>)
      %dma_wait3A_578 = arith.constant 2 : i32
      %dma_wait3A_579 = arith.constant 3 : i32
      %dma_wait3A_580 = arith.constant 3 : i32
      %dma_wait3A_581 = arith.constant 2 : i32
      %dma_wait3A_582 = arith.constant 0 : i32
      %dma_wait3A_583 = arith.constant 0 : i32
      %dma_wait3A_584 = tpu.memref_slice %arg8[%dma_wait3A_580, %dma_wait3A_581, %dma_wait3A_582, %dma_wait3A_583] : memref<4x4x128x16xf32, #tpu.memory_space<vmem>> -> memref<1x1x128x16xf32, #tpu.memory_space<vmem>>
      %dma_wait3A_585 = tpu.memref_squeeze %dma_wait3A_584 : memref<1x1x128x16xf32, #tpu.memory_space<vmem>> -> memref<128x16xf32, #tpu.memory_space<vmem>>
      %dma_wait3A_586 = arith.constant 0 : i32
      %dma_wait3A_587 = tpu.memref_slice %arg6[%dma_wait3A_579, %dma_wait3A_586] : memref<4x128xi32, #tpu.memory_space<vmem>> -> memref<1x128xi32, #tpu.memory_space<vmem>>
      %dma_wait3A_588 = tpu.memref_squeeze %dma_wait3A_587 : memref<1x128xi32, #tpu.memory_space<vmem>> -> memref<128xi32, #tpu.memory_space<vmem>>
      %dma_wait3A_589 = arith.constant 0 : i32
      %dma_wait3A_590 = arith.constant 0 : i32
      %dma_wait3A_591 = tpu.memref_slice %arg2[%add3A, %dma_wait3A_578, %dma_wait3A_589, %dma_wait3A_590] : memref<32x4x3721x16xf32, #tpu.memory_space<hbm>> -> memref<1x1x3721x16xf32, #tpu.memory_space<hbm>>
      %dma_wait3A_592 = tpu.memref_squeeze %dma_wait3A_591 : memref<1x1x3721x16xf32, #tpu.memory_space<hbm>> -> memref<3721x16xf32, #tpu.memory_space<hbm>>
      %dma_wait3A_593 = arith.constant 0 : i32
      %dma_wait3A_594 = arith.constant 0 : i32
      %dma_wait3A_595 = tpu.memref_slice %dma_wait3A_592[%dma_wait3A_593, %dma_wait3A_594] : memref<3721x16xf32, #tpu.memory_space<hbm>> -> memref<3721x16xf32, #tpu.memory_space<hbm>>
      tpu.wait_indirect_dma semaphore(%arg10 : memref<!tpu.dma_semaphore, #tpu.memory_space<semaphore_mem>>) src(%dma_wait3A_595 : memref<3721x16xf32, #tpu.memory_space<hbm>>) dst(%dma_wait3A_585 : memref<128x16xf32, #tpu.memory_space<vmem>>)
      %dma_wait3A_596 = arith.constant 3 : i32
      %dma_wait3A_597 = arith.constant 3 : i32
      %dma_wait3A_598 = arith.constant 3 : i32
      %dma_wait3A_599 = arith.constant 3 : i32
      %dma_wait3A_600 = arith.constant 0 : i32
      %dma_wait3A_601 = arith.constant 0 : i32
      %dma_wait3A_602 = tpu.memref_slice %arg8[%dma_wait3A_598, %dma_wait3A_599, %dma_wait3A_600, %dma_wait3A_601] : memref<4x4x128x16xf32, #tpu.memory_space<vmem>> -> memref<1x1x128x16xf32, #tpu.memory_space<vmem>>
      %dma_wait3A_603 = tpu.memref_squeeze %dma_wait3A_602 : memref<1x1x128x16xf32, #tpu.memory_space<vmem>> -> memref<128x16xf32, #tpu.memory_space<vmem>>
      %dma_wait3A_604 = arith.constant 0 : i32
      %dma_wait3A_605 = tpu.memref_slice %arg6[%dma_wait3A_597, %dma_wait3A_604] : memref<4x128xi32, #tpu.memory_space<vmem>> -> memref<1x128xi32, #tpu.memory_space<vmem>>
      %dma_wait3A_606 = tpu.memref_squeeze %dma_wait3A_605 : memref<1x128xi32, #tpu.memory_space<vmem>> -> memref<128xi32, #tpu.memory_space<vmem>>
      %dma_wait3A_607 = arith.constant 0 : i32
      %dma_wait3A_608 = arith.constant 0 : i32
      %dma_wait3A_609 = tpu.memref_slice %arg2[%add3A, %dma_wait3A_596, %dma_wait3A_607, %dma_wait3A_608] : memref<32x4x3721x16xf32, #tpu.memory_space<hbm>> -> memref<1x1x3721x16xf32, #tpu.memory_space<hbm>>
      %dma_wait3A_610 = tpu.memref_squeeze %dma_wait3A_609 : memref<1x1x3721x16xf32, #tpu.memory_space<hbm>> -> memref<3721x16xf32, #tpu.memory_space<hbm>>
      %dma_wait3A_611 = arith.constant 0 : i32
      %dma_wait3A_612 = arith.constant 0 : i32
      %dma_wait3A_613 = tpu.memref_slice %dma_wait3A_610[%dma_wait3A_611, %dma_wait3A_612] : memref<3721x16xf32, #tpu.memory_space<hbm>> -> memref<3721x16xf32, #tpu.memory_space<hbm>>
      tpu.wait_indirect_dma semaphore(%arg10 : memref<!tpu.dma_semaphore, #tpu.memory_space<semaphore_mem>>) src(%dma_wait3A_613 : memref<3721x16xf32, #tpu.memory_space<hbm>>) dst(%dma_wait3A_603 : memref<128x16xf32, #tpu.memory_space<vmem>>)
      %scan3A_614 = arith.constant 0 : i32
      %scan3A_615 = arith.constant 0 : i32
      %scan3A_616 = arith.constant 128 : i32
      %scan3A_617 = arith.addi %scan3A_615, %scan3A_616 : i32
      %scan3A_618 = arith.constant 1 : i32
      %scan3A_619 = scf.for %scan3A_624 = %scan3A_615 to %scan3A_617 step %scan3A_618 iter_args(%scan3A_625 = %scan3A_614) -> (i32)  : i32 {
        %broadcast_in_dim3A = vector.broadcast %scan3A_624 : i32 to vector<16xi32>
        %broadcast_in_dim3A_626 = arith.constant 0 : i32
        %broadcast_in_dim3A_627 = vector.broadcast %broadcast_in_dim3A_626 : i32 to vector<16xi32>
        %gather3A = tpu.vector_load_idx %arg7[%broadcast_in_dim3A_627, %broadcast_in_dim3A] : memref<4x128xf32, #tpu.memory_space<vmem>>[vector<16xi32>, vector<16xi32>], vector<16xf32>,
        %broadcast_in_dim3A_628 = arith.constant 1 : i32
        %broadcast_in_dim3A_629 = vector.broadcast %broadcast_in_dim3A_628 : i32 to vector<16xi32>
        %gather3A_630 = tpu.vector_load_idx %arg7[%broadcast_in_dim3A_629, %broadcast_in_dim3A] : memref<4x128xf32, #tpu.memory_space<vmem>>[vector<16xi32>, vector<16xi32>], vector<16xf32>,
        %broadcast_in_dim3A_631 = arith.constant 2 : i32
        %broadcast_in_dim3A_632 = vector.broadcast %broadcast_in_dim3A_631 : i32 to vector<16xi32>
        %gather3A_633 = tpu.vector_load_idx %arg7[%broadcast_in_dim3A_632, %broadcast_in_dim3A] : memref<4x128xf32, #tpu.memory_space<vmem>>[vector<16xi32>, vector<16xi32>], vector<16xf32>,
        %broadcast_in_dim3A_634 = arith.constant 3 : i32
        %broadcast_in_dim3A_635 = vector.broadcast %broadcast_in_dim3A_634 : i32 to vector<16xi32>
        %gather3A_636 = tpu.vector_load_idx %arg7[%broadcast_in_dim3A_635, %broadcast_in_dim3A] : memref<4x128xf32, #tpu.memory_space<vmem>>[vector<16xi32>, vector<16xi32>], vector<16xf32>,
        %broadcast_in_dim3A_637 = arith.constant 0.000000e+00 : f32
        %broadcast_in_dim3A_638 = vector.broadcast %broadcast_in_dim3A_637 : f32 to vector<16xf32>
        %broadcast_in_dim3A_639 = arith.constant 0 : i32
        %broadcast_in_dim3A_640 = vector.broadcast %broadcast_in_dim3A_639 : i32 to vector<16xi32>
        %broadcast_in_dim3A_641 = arith.constant 0 : i32
        %broadcast_in_dim3A_642 = vector.broadcast %broadcast_in_dim3A_641 : i32 to vector<16xi32>
        %gather3A_643 = tpu.vector_load_idx %arg8[%broadcast_in_dim3A_640, %broadcast_in_dim3A_642, %broadcast_in_dim3A, %iota3A] : memref<4x4x128x16xf32, #tpu.memory_space<vmem>>[vector<16xi32>, vector<16xi32>, vector<16xi32>, vector<16xi32>], vector<16xf32>,
        %mul3A_644 = arith.mulf %gather3A, %gather3A_643 : vector<16xf32>
        %add3A_645 = arith.addf %broadcast_in_dim3A_638, %mul3A_644 : vector<16xf32>
        %broadcast_in_dim3A_646 = arith.constant 1 : i32
        %broadcast_in_dim3A_647 = vector.broadcast %broadcast_in_dim3A_646 : i32 to vector<16xi32>
        %broadcast_in_dim3A_648 = arith.constant 0 : i32
        %broadcast_in_dim3A_649 = vector.broadcast %broadcast_in_dim3A_648 : i32 to vector<16xi32>
        %gather3A_650 = tpu.vector_load_idx %arg8[%broadcast_in_dim3A_647, %broadcast_in_dim3A_649, %broadcast_in_dim3A, %iota3A] : memref<4x4x128x16xf32, #tpu.memory_space<vmem>>[vector<16xi32>, vector<16xi32>, vector<16xi32>, vector<16xi32>], vector<16xf32>,
        %mul3A_651 = arith.mulf %gather3A_630, %gather3A_650 : vector<16xf32>
        %add3A_652 = arith.addf %add3A_645, %mul3A_651 : vector<16xf32>
        %broadcast_in_dim3A_653 = arith.constant 2 : i32
        %broadcast_in_dim3A_654 = vector.broadcast %broadcast_in_dim3A_653 : i32 to vector<16xi32>
        %broadcast_in_dim3A_655 = arith.constant 0 : i32
        %broadcast_in_dim3A_656 = vector.broadcast %broadcast_in_dim3A_655 : i32 to vector<16xi32>
        %gather3A_657 = tpu.vector_load_idx %arg8[%broadcast_in_dim3A_654, %broadcast_in_dim3A_656, %broadcast_in_dim3A, %iota3A] : memref<4x4x128x16xf32, #tpu.memory_space<vmem>>[vector<16xi32>, vector<16xi32>, vector<16xi32>, vector<16xi32>], vector<16xf32>,
        %mul3A_658 = arith.mulf %gather3A_633, %gather3A_657 : vector<16xf32>
        %add3A_659 = arith.addf %add3A_652, %mul3A_658 : vector<16xf32>
        %broadcast_in_dim3A_660 = arith.constant 3 : i32
        %broadcast_in_dim3A_661 = vector.broadcast %broadcast_in_dim3A_660 : i32 to vector<16xi32>
        %broadcast_in_dim3A_662 = arith.constant 0 : i32
        %broadcast_in_dim3A_663 = vector.broadcast %broadcast_in_dim3A_662 : i32 to vector<16xi32>
        %gather3A_664 = tpu.vector_load_idx %arg8[%broadcast_in_dim3A_661, %broadcast_in_dim3A_663, %broadcast_in_dim3A, %iota3A] : memref<4x4x128x16xf32, #tpu.memory_space<vmem>>[vector<16xi32>, vector<16xi32>, vector<16xi32>, vector<16xi32>], vector<16xf32>,
        %mul3A_665 = arith.mulf %gather3A_636, %gather3A_664 : vector<16xf32>
        %add3A_666 = arith.addf %add3A_659, %mul3A_665 : vector<16xf32>
        %add3A_667 = arith.constant 0 : i32
        %add3A_668 = vector.broadcast %add3A_667 : i32 to vector<16xi32>
        %add3A_669 = arith.addi %add3A_668, %iota3A : vector<16xi32>
        tpu.vector_store_idx %arg9[%add3A_669, %broadcast_in_dim3A], %add3A_666 : memref<64x128xf32, #tpu.memory_space<vmem>>[vector<16xi32>, vector<16xi32>], vector<16xf32>,
        %broadcast_in_dim3A_670 = arith.constant 0.000000e+00 : f32
        %broadcast_in_dim3A_671 = vector.broadcast %broadcast_in_dim3A_670 : f32 to vector<16xf32>
        %broadcast_in_dim3A_672 = arith.constant 0 : i32
        %broadcast_in_dim3A_673 = vector.broadcast %broadcast_in_dim3A_672 : i32 to vector<16xi32>
        %broadcast_in_dim3A_674 = arith.constant 1 : i32
        %broadcast_in_dim3A_675 = vector.broadcast %broadcast_in_dim3A_674 : i32 to vector<16xi32>
        %gather3A_676 = tpu.vector_load_idx %arg8[%broadcast_in_dim3A_673, %broadcast_in_dim3A_675, %broadcast_in_dim3A, %iota3A] : memref<4x4x128x16xf32, #tpu.memory_space<vmem>>[vector<16xi32>, vector<16xi32>, vector<16xi32>, vector<16xi32>], vector<16xf32>,
        %mul3A_677 = arith.mulf %gather3A, %gather3A_676 : vector<16xf32>
        %add3A_678 = arith.addf %broadcast_in_dim3A_671, %mul3A_677 : vector<16xf32>
        %broadcast_in_dim3A_679 = arith.constant 1 : i32
        %broadcast_in_dim3A_680 = vector.broadcast %broadcast_in_dim3A_679 : i32 to vector<16xi32>
        %broadcast_in_dim3A_681 = arith.constant 1 : i32
        %broadcast_in_dim3A_682 = vector.broadcast %broadcast_in_dim3A_681 : i32 to vector<16xi32>
        %gather3A_683 = tpu.vector_load_idx %arg8[%broadcast_in_dim3A_680, %broadcast_in_dim3A_682, %broadcast_in_dim3A, %iota3A] : memref<4x4x128x16xf32, #tpu.memory_space<vmem>>[vector<16xi32>, vector<16xi32>, vector<16xi32>, vector<16xi32>], vector<16xf32>,
        %mul3A_684 = arith.mulf %gather3A_630, %gather3A_683 : vector<16xf32>
        %add3A_685 = arith.addf %add3A_678, %mul3A_684 : vector<16xf32>
        %broadcast_in_dim3A_686 = arith.constant 2 : i32
        %broadcast_in_dim3A_687 = vector.broadcast %broadcast_in_dim3A_686 : i32 to vector<16xi32>
        %broadcast_in_dim3A_688 = arith.constant 1 : i32
        %broadcast_in_dim3A_689 = vector.broadcast %broadcast_in_dim3A_688 : i32 to vector<16xi32>
        %gather3A_690 = tpu.vector_load_idx %arg8[%broadcast_in_dim3A_687, %broadcast_in_dim3A_689, %broadcast_in_dim3A, %iota3A] : memref<4x4x128x16xf32, #tpu.memory_space<vmem>>[vector<16xi32>, vector<16xi32>, vector<16xi32>, vector<16xi32>], vector<16xf32>,
        %mul3A_691 = arith.mulf %gather3A_633, %gather3A_690 : vector<16xf32>
        %add3A_692 = arith.addf %add3A_685, %mul3A_691 : vector<16xf32>
        %broadcast_in_dim3A_693 = arith.constant 3 : i32
        %broadcast_in_dim3A_694 = vector.broadcast %broadcast_in_dim3A_693 : i32 to vector<16xi32>
        %broadcast_in_dim3A_695 = arith.constant 1 : i32
        %broadcast_in_dim3A_696 = vector.broadcast %broadcast_in_dim3A_695 : i32 to vector<16xi32>
        %gather3A_697 = tpu.vector_load_idx %arg8[%broadcast_in_dim3A_694, %broadcast_in_dim3A_696, %broadcast_in_dim3A, %iota3A] : memref<4x4x128x16xf32, #tpu.memory_space<vmem>>[vector<16xi32>, vector<16xi32>, vector<16xi32>, vector<16xi32>], vector<16xf32>,
        %mul3A_698 = arith.mulf %gather3A_636, %gather3A_697 : vector<16xf32>
        %add3A_699 = arith.addf %add3A_692, %mul3A_698 : vector<16xf32>
        %add3A_700 = arith.constant 16 : i32
        %add3A_701 = vector.broadcast %add3A_700 : i32 to vector<16xi32>
        %add3A_702 = arith.addi %add3A_701, %iota3A : vector<16xi32>
        tpu.vector_store_idx %arg9[%add3A_702, %broadcast_in_dim3A], %add3A_699 : memref<64x128xf32, #tpu.memory_space<vmem>>[vector<16xi32>, vector<16xi32>], vector<16xf32>,
        %broadcast_in_dim3A_703 = arith.constant 0.000000e+00 : f32
        %broadcast_in_dim3A_704 = vector.broadcast %broadcast_in_dim3A_703 : f32 to vector<16xf32>
        %broadcast_in_dim3A_705 = arith.constant 0 : i32
        %broadcast_in_dim3A_706 = vector.broadcast %broadcast_in_dim3A_705 : i32 to vector<16xi32>
        %broadcast_in_dim3A_707 = arith.constant 2 : i32
        %broadcast_in_dim3A_708 = vector.broadcast %broadcast_in_dim3A_707 : i32 to vector<16xi32>
        %gather3A_709 = tpu.vector_load_idx %arg8[%broadcast_in_dim3A_706, %broadcast_in_dim3A_708, %broadcast_in_dim3A, %iota3A] : memref<4x4x128x16xf32, #tpu.memory_space<vmem>>[vector<16xi32>, vector<16xi32>, vector<16xi32>, vector<16xi32>], vector<16xf32>,
        %mul3A_710 = arith.mulf %gather3A, %gather3A_709 : vector<16xf32>
        %add3A_711 = arith.addf %broadcast_in_dim3A_704, %mul3A_710 : vector<16xf32>
        %broadcast_in_dim3A_712 = arith.constant 1 : i32
        %broadcast_in_dim3A_713 = vector.broadcast %broadcast_in_dim3A_712 : i32 to vector<16xi32>
        %broadcast_in_dim3A_714 = arith.constant 2 : i32
        %broadcast_in_dim3A_715 = vector.broadcast %broadcast_in_dim3A_714 : i32 to vector<16xi32>
        %gather3A_716 = tpu.vector_load_idx %arg8[%broadcast_in_dim3A_713, %broadcast_in_dim3A_715, %broadcast_in_dim3A, %iota3A] : memref<4x4x128x16xf32, #tpu.memory_space<vmem>>[vector<16xi32>, vector<16xi32>, vector<16xi32>, vector<16xi32>], vector<16xf32>,
        %mul3A_717 = arith.mulf %gather3A_630, %gather3A_716 : vector<16xf32>
        %add3A_718 = arith.addf %add3A_711, %mul3A_717 : vector<16xf32>
        %broadcast_in_dim3A_719 = arith.constant 2 : i32
        %broadcast_in_dim3A_720 = vector.broadcast %broadcast_in_dim3A_719 : i32 to vector<16xi32>
        %broadcast_in_dim3A_721 = arith.constant 2 : i32
        %broadcast_in_dim3A_722 = vector.broadcast %broadcast_in_dim3A_721 : i32 to vector<16xi32>
        %gather3A_723 = tpu.vector_load_idx %arg8[%broadcast_in_dim3A_720, %broadcast_in_dim3A_722, %broadcast_in_dim3A, %iota3A] : memref<4x4x128x16xf32, #tpu.memory_space<vmem>>[vector<16xi32>, vector<16xi32>, vector<16xi32>, vector<16xi32>], vector<16xf32>,
        %mul3A_724 = arith.mulf %gather3A_633, %gather3A_723 : vector<16xf32>
        %add3A_725 = arith.addf %add3A_718, %mul3A_724 : vector<16xf32>
        %broadcast_in_dim3A_726 = arith.constant 3 : i32
        %broadcast_in_dim3A_727 = vector.broadcast %broadcast_in_dim3A_726 : i32 to vector<16xi32>
        %broadcast_in_dim3A_728 = arith.constant 2 : i32
        %broadcast_in_dim3A_729 = vector.broadcast %broadcast_in_dim3A_728 : i32 to vector<16xi32>
        %gather3A_730 = tpu.vector_load_idx %arg8[%broadcast_in_dim3A_727, %broadcast_in_dim3A_729, %broadcast_in_dim3A, %iota3A] : memref<4x4x128x16xf32, #tpu.memory_space<vmem>>[vector<16xi32>, vector<16xi32>, vector<16xi32>, vector<16xi32>], vector<16xf32>,
        %mul3A_731 = arith.mulf %gather3A_636, %gather3A_730 : vector<16xf32>
        %add3A_732 = arith.addf %add3A_725, %mul3A_731 : vector<16xf32>
        %add3A_733 = arith.constant 32 : i32
        %add3A_734 = vector.broadcast %add3A_733 : i32 to vector<16xi32>
        %add3A_735 = arith.addi %add3A_734, %iota3A : vector<16xi32>
        tpu.vector_store_idx %arg9[%add3A_735, %broadcast_in_dim3A], %add3A_732 : memref<64x128xf32, #tpu.memory_space<vmem>>[vector<16xi32>, vector<16xi32>], vector<16xf32>,
        %broadcast_in_dim3A_736 = arith.constant 0.000000e+00 : f32
        %broadcast_in_dim3A_737 = vector.broadcast %broadcast_in_dim3A_736 : f32 to vector<16xf32>
        %broadcast_in_dim3A_738 = arith.constant 0 : i32
        %broadcast_in_dim3A_739 = vector.broadcast %broadcast_in_dim3A_738 : i32 to vector<16xi32>
        %broadcast_in_dim3A_740 = arith.constant 3 : i32
        %broadcast_in_dim3A_741 = vector.broadcast %broadcast_in_dim3A_740 : i32 to vector<16xi32>
        %gather3A_742 = tpu.vector_load_idx %arg8[%broadcast_in_dim3A_739, %broadcast_in_dim3A_741, %broadcast_in_dim3A, %iota3A] : memref<4x4x128x16xf32, #tpu.memory_space<vmem>>[vector<16xi32>, vector<16xi32>, vector<16xi32>, vector<16xi32>], vector<16xf32>,
        %mul3A_743 = arith.mulf %gather3A, %gather3A_742 : vector<16xf32>
        %add3A_744 = arith.addf %broadcast_in_dim3A_737, %mul3A_743 : vector<16xf32>
        %broadcast_in_dim3A_745 = arith.constant 1 : i32
        %broadcast_in_dim3A_746 = vector.broadcast %broadcast_in_dim3A_745 : i32 to vector<16xi32>
        %broadcast_in_dim3A_747 = arith.constant 3 : i32
        %broadcast_in_dim3A_748 = vector.broadcast %broadcast_in_dim3A_747 : i32 to vector<16xi32>
        %gather3A_749 = tpu.vector_load_idx %arg8[%broadcast_in_dim3A_746, %broadcast_in_dim3A_748, %broadcast_in_dim3A, %iota3A] : memref<4x4x128x16xf32, #tpu.memory_space<vmem>>[vector<16xi32>, vector<16xi32>, vector<16xi32>, vector<16xi32>], vector<16xf32>,
        %mul3A_750 = arith.mulf %gather3A_630, %gather3A_749 : vector<16xf32>
        %add3A_751 = arith.addf %add3A_744, %mul3A_750 : vector<16xf32>
        %broadcast_in_dim3A_752 = arith.constant 2 : i32
        %broadcast_in_dim3A_753 = vector.broadcast %broadcast_in_dim3A_752 : i32 to vector<16xi32>
        %broadcast_in_dim3A_754 = arith.constant 3 : i32
        %broadcast_in_dim3A_755 = vector.broadcast %broadcast_in_dim3A_754 : i32 to vector<16xi32>
        %gather3A_756 = tpu.vector_load_idx %arg8[%broadcast_in_dim3A_753, %broadcast_in_dim3A_755, %broadcast_in_dim3A, %iota3A] : memref<4x4x128x16xf32, #tpu.memory_space<vmem>>[vector<16xi32>, vector<16xi32>, vector<16xi32>, vector<16xi32>], vector<16xf32>,
        %mul3A_757 = arith.mulf %gather3A_633, %gather3A_756 : vector<16xf32>
        %add3A_758 = arith.addf %add3A_751, %mul3A_757 : vector<16xf32>
        %broadcast_in_dim3A_759 = arith.constant 3 : i32
        %broadcast_in_dim3A_760 = vector.broadcast %broadcast_in_dim3A_759 : i32 to vector<16xi32>
        %broadcast_in_dim3A_761 = arith.constant 3 : i32
        %broadcast_in_dim3A_762 = vector.broadcast %broadcast_in_dim3A_761 : i32 to vector<16xi32>
        %gather3A_763 = tpu.vector_load_idx %arg8[%broadcast_in_dim3A_760, %broadcast_in_dim3A_762, %broadcast_in_dim3A, %iota3A] : memref<4x4x128x16xf32, #tpu.memory_space<vmem>>[vector<16xi32>, vector<16xi32>, vector<16xi32>, vector<16xi32>], vector<16xf32>,
        %mul3A_764 = arith.mulf %gather3A_636, %gather3A_763 : vector<16xf32>
        %add3A_765 = arith.addf %add3A_758, %mul3A_764 : vector<16xf32>
        %add3A_766 = arith.constant 48 : i32
        %add3A_767 = vector.broadcast %add3A_766 : i32 to vector<16xi32>
        %add3A_768 = arith.addi %add3A_767, %iota3A : vector<16xi32>
        tpu.vector_store_idx %arg9[%add3A_768, %broadcast_in_dim3A], %add3A_765 : memref<64x128xf32, #tpu.memory_space<vmem>>[vector<16xi32>, vector<16xi32>], vector<16xf32>,
        %scan3A_769 = arith.constant 0 : i32
        scf.yield %scan3A_769 : i32
      }
      %scan3A_620 = arith.constant 128 : i32
      %mul3A_621 = arith.constant 128 : i32
      %mul3A_622 = arith.muli %scan3A_7, %mul3A_621 : i32
      "tpu.region"() ({
        %run_scoped3A_624 = tpu.sem_alloc : memref<!tpu.dma_semaphore, #tpu.memory_space<semaphore_mem>>
        %dma_start3A_625 = arith.constant 0 : i32
        %dma_start3A_626 = tpu.memref_slice %arg5[%add3A, %dma_start3A_625, %mul3A_622] : memref<32x64x3840xf32, #tpu.memory_space<hbm>> -> memref<1x64x128xf32, #tpu.memory_space<hbm>>
        %dma_start3A_627 = tpu.memref_squeeze %dma_start3A_626 : memref<1x64x128xf32, #tpu.memory_space<hbm>> -> memref<64x128xf32, #tpu.memory_space<hbm>>
        %dma_start3A_628 = arith.constant 0 : i32
        %dma_start3A_629 = tpu.memref_slice %arg5[%add3A, %dma_start3A_628, %mul3A_622] : memref<32x64x3840xf32, #tpu.memory_space<hbm>> -> memref<1x64x128xf32, #tpu.memory_space<hbm>>
        %dma_start3A_630 = tpu.memref_squeeze %dma_start3A_629 : memref<1x64x128xf32, #tpu.memory_space<hbm>> -> memref<64x128xf32, #tpu.memory_space<hbm>>
        tpu.enqueue_dma source(%arg9 : memref<64x128xf32, #tpu.memory_space<vmem>>) target(%dma_start3A_630 : memref<64x128xf32, #tpu.memory_space<hbm>>) target_semaphore(%run_scoped3A_624 : memref<!tpu.dma_semaphore, #tpu.memory_space<semaphore_mem>>)
        %dma_wait3A_631 = arith.constant 0 : i32
        %dma_wait3A_632 = tpu.memref_slice %arg5[%add3A, %dma_wait3A_631, %mul3A_622] : memref<32x64x3840xf32, #tpu.memory_space<hbm>> -> memref<1x64x128xf32, #tpu.memory_space<hbm>>
        %dma_wait3A_633 = tpu.memref_squeeze %dma_wait3A_632 : memref<1x64x128xf32, #tpu.memory_space<hbm>> -> memref<64x128xf32, #tpu.memory_space<hbm>>
        %dma_wait3A_634 = arith.constant 0 : i32
        %dma_wait3A_635 = tpu.memref_slice %arg5[%add3A, %dma_wait3A_634, %mul3A_622] : memref<32x64x3840xf32, #tpu.memory_space<hbm>> -> memref<1x64x128xf32, #tpu.memory_space<hbm>>
        %dma_wait3A_636 = tpu.memref_squeeze %dma_wait3A_635 : memref<1x64x128xf32, #tpu.memory_space<hbm>> -> memref<64x128xf32, #tpu.memory_space<hbm>>
        tpu.wait_dma2 semaphore(%run_scoped3A_624 : memref<!tpu.dma_semaphore, #tpu.memory_space<semaphore_mem>>) src(%arg9 : memref<64x128xf32, #tpu.memory_space<vmem>>) dst(%dma_wait3A_636 : memref<64x128xf32, #tpu.memory_space<hbm>>)
        tpu.yield
      }) : () -> ()
      %scan3A_623 = arith.constant 0 : i32
      scf.yield %scan3A_623 : i32
    }
    %scan3A_6 = arith.constant 30 : i32
    return
  }
}

module attributes {stable_mosaic.version = 14 : i64} {
  func.func @_prep_body(%arg0: i32, %arg1: memref<32x1xf32, #tpu.memory_space<smem>>, %arg2: memref<1x256x256xf32, #tpu.memory_space<vmem>>, %arg3: memref<1x256x256xi32, #tpu.memory_space<vmem>>, %arg4: memref<1x4x30x128xf32, #tpu.memory_space<vmem>>, %arg5: memref<1x4x30x128xi32, #tpu.memory_space<vmem>>) attributes {dimension_semantics = [#tpu.dimension_semantics<arbitrary>], iteration_bounds = array<i64: 32>, scalar_prefetch = 0 : i64, scratch_operands = 0 : i64, tpu.core_type = #tpu.core_type<tc>, window_params = [{transform_indices = @transform_0, window_bounds = array<i64: 32, 1>}, {transform_indices = @transform_1, window_bounds = array<i64: 1, 256, 256>}, {transform_indices = @transform_2, window_bounds = array<i64: 1, 256, 256>}, {transform_indices = @transform_3, window_bounds = array<i64: 1, 4, 30, 128>}, {transform_indices = @transform_4, window_bounds = array<i64: 1, 4, 30, 128>}]} {
    %get3A = arith.constant 0 : index
    %get3A_0 = arith.constant 0 : index
    %get3A_1 = arith.constant 0 : index
    %get3A_2 = vector.load %arg2[%get3A, %get3A_0, %get3A_1] : memref<1x256x256xf32, #tpu.memory_space<vmem>>, vector<1x256x256xf32>
    %get3A_3 = vector.shape_cast %get3A_2 : vector<1x256x256xf32> to vector<256x256xf32>
    %mul3A = arith.constant 1.000000e+01 : f32
    %mul3A_4 = vector.broadcast %mul3A : f32 to vector<256x256xf32>
    %mul3A_5 = arith.mulf %get3A_3, %mul3A_4 : vector<256x256xf32>
    %iota3A = tpu.iota {dimensions = array<i32: 1>} : vector<256x256xi32>
    %iota3A_6 = tpu.iota {dimensions = array<i32: 0>} : vector<256x256xi32>
    %convert_element_type3A = arith.sitofp %iota3A : vector<256x256xi32> to vector<256x256xf32>
    %convert_element_type3A_7 = arith.sitofp %iota3A_6 : vector<256x256xi32> to vector<256x256xf32>
    %sub3A = arith.constant 1.280000e+02 : f32
    %sub3A_8 = vector.broadcast %sub3A : f32 to vector<256x256xf32>
    %sub3A_9 = arith.subf %convert_element_type3A, %sub3A_8 : vector<256x256xf32>
    %div3A = arith.constant 1.280000e+02 : f32
    %div3A_10 = vector.broadcast %div3A : f32 to vector<256x256xf32>
    %div3A_11 = arith.divf %sub3A_9, %div3A_10 : vector<256x256xf32>
    %sub3A_12 = arith.constant 1.280000e+02 : f32
    %sub3A_13 = vector.broadcast %sub3A_12 : f32 to vector<256x256xf32>
    %sub3A_14 = arith.subf %sub3A_13, %convert_element_type3A_7 : vector<256x256xf32>
    %div3A_15 = arith.constant 1.280000e+02 : f32
    %div3A_16 = vector.broadcast %div3A_15 : f32 to vector<256x256xf32>
    %div3A_17 = arith.divf %sub3A_14, %div3A_16 : vector<256x256xf32>
    %mul3A_18 = arith.mulf %div3A_11, %mul3A_5 : vector<256x256xf32>
    %mul3A_19 = arith.mulf %div3A_17, %mul3A_5 : vector<256x256xf32>
    %and3A = arith.constant 1 : i32
    %and3A_20 = vector.broadcast %and3A : i32 to vector<256x256xi32>
    %and3A_21 = arith.andi %iota3A_6, %and3A_20 : vector<256x256xi32>
    %eq3A = arith.constant 0 : i32
    %eq3A_22 = vector.broadcast %eq3A : i32 to vector<256x256xi32>
    %eq3A_23 = arith.cmpi eq, %and3A_21, %eq3A_22 : vector<256x256xi32>
    %and3A_24 = arith.constant 1 : i32
    %and3A_25 = vector.broadcast %and3A_24 : i32 to vector<256x256xi32>
    %and3A_26 = arith.andi %iota3A, %and3A_25 : vector<256x256xi32>
    %eq3A_27 = arith.constant 0 : i32
    %eq3A_28 = vector.broadcast %eq3A_27 : i32 to vector<256x256xi32>
    %eq3A_29 = arith.cmpi eq, %and3A_26, %eq3A_28 : vector<256x256xi32>
    %and3A_30 = arith.andi %eq3A_23, %eq3A_29 : vector<256x256xi1>
    %ne3A = arith.constant 0.000000e+00 : f32
    %ne3A_31 = vector.broadcast %ne3A : f32 to vector<256x256xf32>
    %ne3A_32 = arith.cmpf one, %mul3A_5, %ne3A_31 : vector<256x256xf32>
    %gt3A = arith.constant -1.500000e+00 : f32
    %gt3A_33 = vector.broadcast %gt3A : f32 to vector<256x256xf32>
    %gt3A_34 = arith.cmpf ogt, %mul3A_19, %gt3A_33 : vector<256x256xf32>
    %and3A_35 = arith.andi %ne3A_32, %gt3A_34 : vector<256x256xi1>
    %lt3A = arith.constant 1.000000e-01 : f32
    %lt3A_36 = vector.broadcast %lt3A : f32 to vector<256x256xf32>
    %lt3A_37 = arith.cmpf olt, %mul3A_19, %lt3A_36 : vector<256x256xf32>
    %and3A_38 = arith.andi %and3A_35, %lt3A_37 : vector<256x256xi1>
    %and3A_39 = arith.andi %and3A_38, %and3A_30 : vector<256x256xi1>
    %div3A_40 = arith.constant 1.000000e-01 : f32
    %div3A_41 = vector.broadcast %div3A_40 : f32 to vector<256x256xf32>
    %div3A_42 = arith.divf %mul3A_18, %div3A_41 : vector<256x256xf32>
    %add3A = arith.constant 3.000000e+01 : f32
    %add3A_43 = vector.broadcast %add3A : f32 to vector<256x256xf32>
    %add3A_44 = arith.addf %div3A_42, %add3A_43 : vector<256x256xf32>
    %round3A = math.roundeven %add3A_44 : vector<256x256xf32>
    %convert_element_type3A_45 = arith.fptosi %round3A : vector<256x256xf32> to vector<256x256xi32>
    %div3A_46 = arith.constant 1.000000e-01 : f32
    %div3A_47 = vector.broadcast %div3A_46 : f32 to vector<256x256xf32>
    %div3A_48 = arith.divf %mul3A_5, %div3A_47 : vector<256x256xf32>
    %neg3A = arith.constant 0.000000e+00 : f32
    %neg3A_49 = vector.broadcast %neg3A : f32 to vector<256x256xf32>
    %neg3A_50 = arith.subf %neg3A_49, %div3A_48 : vector<256x256xf32>
    %add3A_51 = arith.constant 3.000000e+01 : f32
    %add3A_52 = vector.broadcast %add3A_51 : f32 to vector<256x256xf32>
    %add3A_53 = arith.addf %neg3A_50, %add3A_52 : vector<256x256xf32>
    %round3A_54 = math.roundeven %add3A_53 : vector<256x256xf32>
    %convert_element_type3A_55 = arith.fptosi %round3A_54 : vector<256x256xf32> to vector<256x256xi32>
    %ge3A = arith.constant 0 : i32
    %ge3A_56 = vector.broadcast %ge3A : i32 to vector<256x256xi32>
    %ge3A_57 = arith.cmpi sge, %convert_element_type3A_55, %ge3A_56 : vector<256x256xi32>
    %and3A_58 = arith.andi %and3A_39, %ge3A_57 : vector<256x256xi1>
    %lt3A_59 = arith.constant 61 : i32
    %lt3A_60 = vector.broadcast %lt3A_59 : i32 to vector<256x256xi32>
    %lt3A_61 = arith.cmpi slt, %convert_element_type3A_55, %lt3A_60 : vector<256x256xi32>
    %and3A_62 = arith.andi %and3A_58, %lt3A_61 : vector<256x256xi1>
    %ge3A_63 = arith.constant 0 : i32
    %ge3A_64 = vector.broadcast %ge3A_63 : i32 to vector<256x256xi32>
    %ge3A_65 = arith.cmpi sge, %convert_element_type3A_45, %ge3A_64 : vector<256x256xi32>
    %and3A_66 = arith.andi %and3A_62, %ge3A_65 : vector<256x256xi1>
    %lt3A_67 = arith.constant 61 : i32
    %lt3A_68 = vector.broadcast %lt3A_67 : i32 to vector<256x256xi32>
    %lt3A_69 = arith.cmpi slt, %convert_element_type3A_45, %lt3A_68 : vector<256x256xi32>
    %and3A_70 = arith.andi %and3A_66, %lt3A_69 : vector<256x256xi1>
    %mul3A_71 = arith.constant 61 : i32
    %mul3A_72 = vector.broadcast %mul3A_71 : i32 to vector<256x256xi32>
    %mul3A_73 = arith.muli %convert_element_type3A_55, %mul3A_72 : vector<256x256xi32>
    %add3A_74 = arith.addi %mul3A_73, %convert_element_type3A_45 : vector<256x256xi32>
    %jit3A = arith.constant -1 : i32
    %broadcast_in_dim3A = vector.broadcast %jit3A : i32 to vector<256x256xi32>
    %select_n3A = arith.select %and3A_70, %add3A_74, %broadcast_in_dim3A : vector<256x256xi1>, vector<256x256xi32>
    %swap3A = arith.constant 0 : index
    %swap3A_75 = arith.constant 0 : index
    %swap3A_76 = arith.constant 0 : index
    %swap3A_77 = vector.load %arg3[%swap3A, %swap3A_75, %swap3A_76] : memref<1x256x256xi32, #tpu.memory_space<vmem>>, vector<1x256x256xi32>
    %swap3A_78 = vector.shape_cast %swap3A_77 : vector<1x256x256xi32> to vector<256x256xi32>
    %swap3A_79 = vector.shape_cast %select_n3A : vector<256x256xi32> to vector<1x256x256xi32>
    tpu.vector_store %arg3[%swap3A, %swap3A_75, %swap3A_76], %swap3A_79 {strides = array<i32>} : memref<1x256x256xi32, #tpu.memory_space<vmem>>, vector<1x256x256xi32>,
    %get3A_80 = arith.index_cast %arg0 : i32 to index
    %get3A_81 = arith.constant 0 : index
    %get3A_82 = memref.load %arg1[%get3A_80, %get3A_81] : memref<32x1xf32, #tpu.memory_space<smem>>
    %neg3A_83 = arith.constant 0.000000e+00 : f32
    %neg3A_84 = arith.subf %neg3A_83, %get3A_82 : f32
    %broadcast_in_dim3A_85 = vector.broadcast %neg3A_84 : f32 to vector<30x128xf32>
    %sin3A = math.sin %broadcast_in_dim3A_85 : vector<30x128xf32>
    %cos3A = math.cos %broadcast_in_dim3A_85 : vector<30x128xf32>
    %iota3A_86 = tpu.iota {dimensions = array<i32: 0>} : vector<30x128xi32>
    %mul3A_87 = arith.constant 128 : i32
    %mul3A_88 = vector.broadcast %mul3A_87 : i32 to vector<30x128xi32>
    %mul3A_89 = arith.muli %iota3A_86, %mul3A_88 : vector<30x128xi32>
    %iota3A_90 = tpu.iota {dimensions = array<i32: 1>} : vector<30x128xi32>
    %add3A_91 = arith.addi %mul3A_89, %iota3A_90 : vector<30x128xi32>
    %convert_element_type3A_92 = arith.sitofp %add3A_91 : vector<30x128xi32> to vector<30x128xf32>
    %add3A_93 = arith.constant 5.000000e-01 : f32
    %add3A_94 = vector.broadcast %add3A_93 : f32 to vector<30x128xf32>
    %add3A_95 = arith.addf %convert_element_type3A_92, %add3A_94 : vector<30x128xf32>
    %div3A_96 = arith.constant 6.100000e+01 : f32
    %div3A_97 = vector.broadcast %div3A_96 : f32 to vector<30x128xf32>
    %div3A_98 = arith.divf %add3A_95, %div3A_97 : vector<30x128xf32>
    %floor3A = math.floor %div3A_98 : vector<30x128xf32>
    %mul3A_99 = arith.constant 6.100000e+01 : f32
    %mul3A_100 = vector.broadcast %mul3A_99 : f32 to vector<30x128xf32>
    %mul3A_101 = arith.mulf %floor3A, %mul3A_100 : vector<30x128xf32>
    %sub3A_102 = arith.subf %convert_element_type3A_92, %mul3A_101 : vector<30x128xf32>
    %lt3A_103 = arith.constant 3721 : i32
    %lt3A_104 = vector.broadcast %lt3A_103 : i32 to vector<30x128xi32>
    %lt3A_105 = arith.cmpi slt, %add3A_91, %lt3A_104 : vector<30x128xi32>
    %mul3A_106 = arith.constant 2.000000e+00 : f32
    %mul3A_107 = vector.broadcast %mul3A_106 : f32 to vector<30x128xf32>
    %mul3A_108 = arith.mulf %sub3A_102, %mul3A_107 : vector<30x128xf32>
    %add3A_109 = arith.constant 1.000000e+00 : f32
    %add3A_110 = vector.broadcast %add3A_109 : f32 to vector<30x128xf32>
    %add3A_111 = arith.addf %mul3A_108, %add3A_110 : vector<30x128xf32>
    %div3A_112 = arith.constant 6.100000e+01 : f32
    %div3A_113 = vector.broadcast %div3A_112 : f32 to vector<30x128xf32>
    %div3A_114 = arith.divf %add3A_111, %div3A_113 : vector<30x128xf32>
    %sub3A_115 = arith.constant 1.000000e+00 : f32
    %sub3A_116 = vector.broadcast %sub3A_115 : f32 to vector<30x128xf32>
    %sub3A_117 = arith.subf %div3A_114, %sub3A_116 : vector<30x128xf32>
    %mul3A_118 = arith.constant 2.000000e+00 : f32
    %mul3A_119 = vector.broadcast %mul3A_118 : f32 to vector<30x128xf32>
    %mul3A_120 = arith.mulf %floor3A, %mul3A_119 : vector<30x128xf32>
    %add3A_121 = arith.constant 1.000000e+00 : f32
    %add3A_122 = vector.broadcast %add3A_121 : f32 to vector<30x128xf32>
    %add3A_123 = arith.addf %mul3A_120, %add3A_122 : vector<30x128xf32>
    %div3A_124 = arith.constant 6.100000e+01 : f32
    %div3A_125 = vector.broadcast %div3A_124 : f32 to vector<30x128xf32>
    %div3A_126 = arith.divf %add3A_123, %div3A_125 : vector<30x128xf32>
    %sub3A_127 = arith.constant 1.000000e+00 : f32
    %sub3A_128 = vector.broadcast %sub3A_127 : f32 to vector<30x128xf32>
    %sub3A_129 = arith.subf %div3A_126, %sub3A_128 : vector<30x128xf32>
    %convert_element_type3A_130 = arith.truncf %sub3A_117 : vector<30x128xf32> to vector<30x128xbf16>
    %convert_element_type3A_131 = arith.extf %convert_element_type3A_130 : vector<30x128xbf16> to vector<30x128xf32>
    %convert_element_type3A_132 = arith.truncf %sub3A_129 : vector<30x128xf32> to vector<30x128xbf16>
    %convert_element_type3A_133 = arith.extf %convert_element_type3A_132 : vector<30x128xbf16> to vector<30x128xf32>
    %convert_element_type3A_134 = arith.truncf %sin3A : vector<30x128xf32> to vector<30x128xbf16>
    %convert_element_type3A_135 = arith.extf %convert_element_type3A_134 : vector<30x128xbf16> to vector<30x128xf32>
    %convert_element_type3A_136 = arith.truncf %cos3A : vector<30x128xf32> to vector<30x128xbf16>
    %convert_element_type3A_137 = arith.extf %convert_element_type3A_136 : vector<30x128xbf16> to vector<30x128xf32>
    %mul3A_138 = arith.mulf %convert_element_type3A_137, %convert_element_type3A_131 : vector<30x128xf32>
    %mul3A_139 = arith.mulf %convert_element_type3A_135, %convert_element_type3A_133 : vector<30x128xf32>
    %add3A_140 = arith.addf %mul3A_138, %mul3A_139 : vector<30x128xf32>
    %neg3A_141 = arith.constant 0.000000e+00 : f32
    %neg3A_142 = vector.broadcast %neg3A_141 : f32 to vector<30x128xf32>
    %neg3A_143 = arith.subf %neg3A_142, %convert_element_type3A_135 : vector<30x128xf32>
    %mul3A_144 = arith.mulf %neg3A_143, %convert_element_type3A_131 : vector<30x128xf32>
    %mul3A_145 = arith.mulf %convert_element_type3A_137, %convert_element_type3A_133 : vector<30x128xf32>
    %add3A_146 = arith.addf %mul3A_144, %mul3A_145 : vector<30x128xf32>
    %add3A_147 = arith.constant 1.000000e+00 : f32
    %add3A_148 = vector.broadcast %add3A_147 : f32 to vector<30x128xf32>
    %add3A_149 = arith.addf %add3A_140, %add3A_148 : vector<30x128xf32>
    %mul3A_150 = arith.constant 6.100000e+01 : f32
    %mul3A_151 = vector.broadcast %mul3A_150 : f32 to vector<30x128xf32>
    %mul3A_152 = arith.mulf %add3A_149, %mul3A_151 : vector<30x128xf32>
    %sub3A_153 = arith.constant 1.000000e+00 : f32
    %sub3A_154 = vector.broadcast %sub3A_153 : f32 to vector<30x128xf32>
    %sub3A_155 = arith.subf %mul3A_152, %sub3A_154 : vector<30x128xf32>
    %div3A_156 = arith.constant 2.000000e+00 : f32
    %div3A_157 = vector.broadcast %div3A_156 : f32 to vector<30x128xf32>
    %div3A_158 = arith.divf %sub3A_155, %div3A_157 : vector<30x128xf32>
    %add3A_159 = arith.constant 1.000000e+00 : f32
    %add3A_160 = vector.broadcast %add3A_159 : f32 to vector<30x128xf32>
    %add3A_161 = arith.addf %add3A_146, %add3A_160 : vector<30x128xf32>
    %mul3A_162 = arith.constant 6.100000e+01 : f32
    %mul3A_163 = vector.broadcast %mul3A_162 : f32 to vector<30x128xf32>
    %mul3A_164 = arith.mulf %add3A_161, %mul3A_163 : vector<30x128xf32>
    %sub3A_165 = arith.constant 1.000000e+00 : f32
    %sub3A_166 = vector.broadcast %sub3A_165 : f32 to vector<30x128xf32>
    %sub3A_167 = arith.subf %mul3A_164, %sub3A_166 : vector<30x128xf32>
    %div3A_168 = arith.constant 2.000000e+00 : f32
    %div3A_169 = vector.broadcast %div3A_168 : f32 to vector<30x128xf32>
    %div3A_170 = arith.divf %sub3A_167, %div3A_169 : vector<30x128xf32>
    %floor3A_171 = math.floor %div3A_158 : vector<30x128xf32>
    %floor3A_172 = math.floor %div3A_170 : vector<30x128xf32>
    %add3A_173 = arith.constant 1.000000e+00 : f32
    %add3A_174 = vector.broadcast %add3A_173 : f32 to vector<30x128xf32>
    %add3A_175 = arith.addf %floor3A_171, %add3A_174 : vector<30x128xf32>
    %add3A_176 = arith.constant 1.000000e+00 : f32
    %add3A_177 = vector.broadcast %add3A_176 : f32 to vector<30x128xf32>
    %add3A_178 = arith.addf %floor3A_172, %add3A_177 : vector<30x128xf32>
    %sub3A_179 = arith.subf %add3A_175, %div3A_158 : vector<30x128xf32>
    %sub3A_180 = arith.subf %add3A_178, %div3A_170 : vector<30x128xf32>
    %mul3A_181 = arith.mulf %sub3A_179, %sub3A_180 : vector<30x128xf32>
    %sub3A_182 = arith.subf %add3A_175, %div3A_158 : vector<30x128xf32>
    %sub3A_183 = arith.subf %div3A_170, %floor3A_172 : vector<30x128xf32>
    %mul3A_184 = arith.mulf %sub3A_182, %sub3A_183 : vector<30x128xf32>
    %sub3A_185 = arith.subf %div3A_158, %floor3A_171 : vector<30x128xf32>
    %sub3A_186 = arith.subf %add3A_178, %div3A_170 : vector<30x128xf32>
    %mul3A_187 = arith.mulf %sub3A_185, %sub3A_186 : vector<30x128xf32>
    %sub3A_188 = arith.subf %div3A_158, %floor3A_171 : vector<30x128xf32>
    %sub3A_189 = arith.subf %div3A_170, %floor3A_172 : vector<30x128xf32>
    %mul3A_190 = arith.mulf %sub3A_188, %sub3A_189 : vector<30x128xf32>
    %ge3A_191 = arith.constant 0.000000e+00 : f32
    %ge3A_192 = vector.broadcast %ge3A_191 : f32 to vector<30x128xf32>
    %ge3A_193 = arith.cmpf oge, %floor3A_171, %ge3A_192 : vector<30x128xf32>
    %le3A = arith.constant 6.000000e+01 : f32
    %le3A_194 = vector.broadcast %le3A : f32 to vector<30x128xf32>
    %le3A_195 = arith.cmpf ole, %floor3A_171, %le3A_194 : vector<30x128xf32>
    %and3A_196 = arith.andi %ge3A_193, %le3A_195 : vector<30x128xi1>
    %ge3A_197 = arith.constant 0.000000e+00 : f32
    %ge3A_198 = vector.broadcast %ge3A_197 : f32 to vector<30x128xf32>
    %ge3A_199 = arith.cmpf oge, %floor3A_172, %ge3A_198 : vector<30x128xf32>
    %and3A_200 = arith.andi %and3A_196, %ge3A_199 : vector<30x128xi1>
    %le3A_201 = arith.constant 6.000000e+01 : f32
    %le3A_202 = vector.broadcast %le3A_201 : f32 to vector<30x128xf32>
    %le3A_203 = arith.cmpf ole, %floor3A_172, %le3A_202 : vector<30x128xf32>
    %and3A_204 = arith.andi %and3A_200, %le3A_203 : vector<30x128xi1>
    %and3A_205 = arith.andi %and3A_204, %lt3A_105 : vector<30x128xi1>
    %jit3A_206 = arith.constant 0 : i32
    %jit3A_207 = arith.constant 60 : i32
    %convert_element_type3A_208 = arith.sitofp %jit3A_206 : i32 to f32
    %max3A = vector.broadcast %convert_element_type3A_208 : f32 to vector<30x128xf32>
    %max3A_209 = arith.maximumf %max3A, %floor3A_171 : vector<30x128xf32>
    %convert_element_type3A_210 = arith.sitofp %jit3A_207 : i32 to f32
    %min3A = vector.broadcast %convert_element_type3A_210 : f32 to vector<30x128xf32>
    %min3A_211 = arith.minimumf %min3A, %max3A_209 : vector<30x128xf32>
    %convert_element_type3A_212 = arith.fptosi %min3A_211 : vector<30x128xf32> to vector<30x128xi32>
    %jit3A_213 = arith.constant 0 : i32
    %jit3A_214 = arith.constant 60 : i32
    %convert_element_type3A_215 = arith.sitofp %jit3A_213 : i32 to f32
    %max3A_216 = vector.broadcast %convert_element_type3A_215 : f32 to vector<30x128xf32>
    %max3A_217 = arith.maximumf %max3A_216, %floor3A_172 : vector<30x128xf32>
    %convert_element_type3A_218 = arith.sitofp %jit3A_214 : i32 to f32
    %min3A_219 = vector.broadcast %convert_element_type3A_218 : f32 to vector<30x128xf32>
    %min3A_220 = arith.minimumf %min3A_219, %max3A_217 : vector<30x128xf32>
    %convert_element_type3A_221 = arith.fptosi %min3A_220 : vector<30x128xf32> to vector<30x128xi32>
    %convert_element_type3A_222 = arith.extui %and3A_205 : vector<30x128xi1> to vector<30x128xi32>
    %convert_element_type3A_223 = arith.sitofp %convert_element_type3A_222 : vector<30x128xi32> to vector<30x128xf32>
    %mul3A_224 = arith.mulf %mul3A_181, %convert_element_type3A_223 : vector<30x128xf32>
    %swap3A_225 = arith.constant 0 : index
    %swap3A_226 = arith.constant 0 : index
    %swap3A_227 = arith.constant 0 : index
    %swap3A_228 = arith.constant 0 : index
    %swap3A_229 = vector.load %arg4[%swap3A_225, %swap3A_226, %swap3A_227, %swap3A_228] : memref<1x4x30x128xf32, #tpu.memory_space<vmem>>, vector<1x1x30x128xf32>
    %swap3A_230 = vector.shape_cast %swap3A_229 : vector<1x1x30x128xf32> to vector<30x128xf32>
    %swap3A_231 = vector.shape_cast %mul3A_224 : vector<30x128xf32> to vector<1x1x30x128xf32>
    tpu.vector_store %arg4[%swap3A_225, %swap3A_226, %swap3A_227, %swap3A_228], %swap3A_231 {strides = array<i32>} : memref<1x4x30x128xf32, #tpu.memory_space<vmem>>, vector<1x1x30x128xf32>,
    %mul3A_232 = arith.constant 61 : i32
    %mul3A_233 = vector.broadcast %mul3A_232 : i32 to vector<30x128xi32>
    %mul3A_234 = arith.muli %convert_element_type3A_221, %mul3A_233 : vector<30x128xi32>
    %add3A_235 = arith.addi %mul3A_234, %convert_element_type3A_212 : vector<30x128xi32>
    %swap3A_236 = arith.constant 0 : index
    %swap3A_237 = arith.constant 0 : index
    %swap3A_238 = arith.constant 0 : index
    %swap3A_239 = arith.constant 0 : index
    %swap3A_240 = vector.load %arg5[%swap3A_236, %swap3A_237, %swap3A_238, %swap3A_239] : memref<1x4x30x128xi32, #tpu.memory_space<vmem>>, vector<1x1x30x128xi32>
    %swap3A_241 = vector.shape_cast %swap3A_240 : vector<1x1x30x128xi32> to vector<30x128xi32>
    %swap3A_242 = vector.shape_cast %add3A_235 : vector<30x128xi32> to vector<1x1x30x128xi32>
    tpu.vector_store %arg5[%swap3A_236, %swap3A_237, %swap3A_238, %swap3A_239], %swap3A_242 {strides = array<i32>} : memref<1x4x30x128xi32, #tpu.memory_space<vmem>>, vector<1x1x30x128xi32>,
    %ge3A_243 = arith.constant 0.000000e+00 : f32
    %ge3A_244 = vector.broadcast %ge3A_243 : f32 to vector<30x128xf32>
    %ge3A_245 = arith.cmpf oge, %floor3A_171, %ge3A_244 : vector<30x128xf32>
    %le3A_246 = arith.constant 6.000000e+01 : f32
    %le3A_247 = vector.broadcast %le3A_246 : f32 to vector<30x128xf32>
    %le3A_248 = arith.cmpf ole, %floor3A_171, %le3A_247 : vector<30x128xf32>
    %and3A_249 = arith.andi %ge3A_245, %le3A_248 : vector<30x128xi1>
    %ge3A_250 = arith.constant 0.000000e+00 : f32
    %ge3A_251 = vector.broadcast %ge3A_250 : f32 to vector<30x128xf32>
    %ge3A_252 = arith.cmpf oge, %add3A_178, %ge3A_251 : vector<30x128xf32>
    %and3A_253 = arith.andi %and3A_249, %ge3A_252 : vector<30x128xi1>
    %le3A_254 = arith.constant 6.000000e+01 : f32
    %le3A_255 = vector.broadcast %le3A_254 : f32 to vector<30x128xf32>
    %le3A_256 = arith.cmpf ole, %add3A_178, %le3A_255 : vector<30x128xf32>
    %and3A_257 = arith.andi %and3A_253, %le3A_256 : vector<30x128xi1>
    %and3A_258 = arith.andi %and3A_257, %lt3A_105 : vector<30x128xi1>
    %jit3A_259 = arith.constant 0 : i32
    %jit3A_260 = arith.constant 60 : i32
    %convert_element_type3A_261 = arith.sitofp %jit3A_259 : i32 to f32
    %max3A_262 = vector.broadcast %convert_element_type3A_261 : f32 to vector<30x128xf32>
    %max3A_263 = arith.maximumf %max3A_262, %floor3A_171 : vector<30x128xf32>
    %convert_element_type3A_264 = arith.sitofp %jit3A_260 : i32 to f32
    %min3A_265 = vector.broadcast %convert_element_type3A_264 : f32 to vector<30x128xf32>
    %min3A_266 = arith.minimumf %min3A_265, %max3A_263 : vector<30x128xf32>
    %convert_element_type3A_267 = arith.fptosi %min3A_266 : vector<30x128xf32> to vector<30x128xi32>
    %jit3A_268 = arith.constant 0 : i32
    %jit3A_269 = arith.constant 60 : i32
    %convert_element_type3A_270 = arith.sitofp %jit3A_268 : i32 to f32
    %max3A_271 = vector.broadcast %convert_element_type3A_270 : f32 to vector<30x128xf32>
    %max3A_272 = arith.maximumf %max3A_271, %add3A_178 : vector<30x128xf32>
    %convert_element_type3A_273 = arith.sitofp %jit3A_269 : i32 to f32
    %min3A_274 = vector.broadcast %convert_element_type3A_273 : f32 to vector<30x128xf32>
    %min3A_275 = arith.minimumf %min3A_274, %max3A_272 : vector<30x128xf32>
    %convert_element_type3A_276 = arith.fptosi %min3A_275 : vector<30x128xf32> to vector<30x128xi32>
    %convert_element_type3A_277 = arith.extui %and3A_258 : vector<30x128xi1> to vector<30x128xi32>
    %convert_element_type3A_278 = arith.sitofp %convert_element_type3A_277 : vector<30x128xi32> to vector<30x128xf32>
    %mul3A_279 = arith.mulf %mul3A_184, %convert_element_type3A_278 : vector<30x128xf32>
    %swap3A_280 = arith.constant 0 : index
    %swap3A_281 = arith.constant 1 : index
    %swap3A_282 = arith.constant 0 : index
    %swap3A_283 = arith.constant 0 : index
    %swap3A_284 = vector.load %arg4[%swap3A_280, %swap3A_281, %swap3A_282, %swap3A_283] : memref<1x4x30x128xf32, #tpu.memory_space<vmem>>, vector<1x1x30x128xf32>
    %swap3A_285 = vector.shape_cast %swap3A_284 : vector<1x1x30x128xf32> to vector<30x128xf32>
    %swap3A_286 = vector.shape_cast %mul3A_279 : vector<30x128xf32> to vector<1x1x30x128xf32>
    tpu.vector_store %arg4[%swap3A_280, %swap3A_281, %swap3A_282, %swap3A_283], %swap3A_286 {strides = array<i32>} : memref<1x4x30x128xf32, #tpu.memory_space<vmem>>, vector<1x1x30x128xf32>,
    %mul3A_287 = arith.constant 61 : i32
    %mul3A_288 = vector.broadcast %mul3A_287 : i32 to vector<30x128xi32>
    %mul3A_289 = arith.muli %convert_element_type3A_276, %mul3A_288 : vector<30x128xi32>
    %add3A_290 = arith.addi %mul3A_289, %convert_element_type3A_267 : vector<30x128xi32>
    %swap3A_291 = arith.constant 0 : index
    %swap3A_292 = arith.constant 1 : index
    %swap3A_293 = arith.constant 0 : index
    %swap3A_294 = arith.constant 0 : index
    %swap3A_295 = vector.load %arg5[%swap3A_291, %swap3A_292, %swap3A_293, %swap3A_294] : memref<1x4x30x128xi32, #tpu.memory_space<vmem>>, vector<1x1x30x128xi32>
    %swap3A_296 = vector.shape_cast %swap3A_295 : vector<1x1x30x128xi32> to vector<30x128xi32>
    %swap3A_297 = vector.shape_cast %add3A_290 : vector<30x128xi32> to vector<1x1x30x128xi32>
    tpu.vector_store %arg5[%swap3A_291, %swap3A_292, %swap3A_293, %swap3A_294], %swap3A_297 {strides = array<i32>} : memref<1x4x30x128xi32, #tpu.memory_space<vmem>>, vector<1x1x30x128xi32>,
    %ge3A_298 = arith.constant 0.000000e+00 : f32
    %ge3A_299 = vector.broadcast %ge3A_298 : f32 to vector<30x128xf32>
    %ge3A_300 = arith.cmpf oge, %add3A_175, %ge3A_299 : vector<30x128xf32>
    %le3A_301 = arith.constant 6.000000e+01 : f32
    %le3A_302 = vector.broadcast %le3A_301 : f32 to vector<30x128xf32>
    %le3A_303 = arith.cmpf ole, %add3A_175, %le3A_302 : vector<30x128xf32>
    %and3A_304 = arith.andi %ge3A_300, %le3A_303 : vector<30x128xi1>
    %ge3A_305 = arith.constant 0.000000e+00 : f32
    %ge3A_306 = vector.broadcast %ge3A_305 : f32 to vector<30x128xf32>
    %ge3A_307 = arith.cmpf oge, %floor3A_172, %ge3A_306 : vector<30x128xf32>
    %and3A_308 = arith.andi %and3A_304, %ge3A_307 : vector<30x128xi1>
    %le3A_309 = arith.constant 6.000000e+01 : f32
    %le3A_310 = vector.broadcast %le3A_309 : f32 to vector<30x128xf32>
    %le3A_311 = arith.cmpf ole, %floor3A_172, %le3A_310 : vector<30x128xf32>
    %and3A_312 = arith.andi %and3A_308, %le3A_311 : vector<30x128xi1>
    %and3A_313 = arith.andi %and3A_312, %lt3A_105 : vector<30x128xi1>
    %jit3A_314 = arith.constant 0 : i32
    %jit3A_315 = arith.constant 60 : i32
    %convert_element_type3A_316 = arith.sitofp %jit3A_314 : i32 to f32
    %max3A_317 = vector.broadcast %convert_element_type3A_316 : f32 to vector<30x128xf32>
    %max3A_318 = arith.maximumf %max3A_317, %add3A_175 : vector<30x128xf32>
    %convert_element_type3A_319 = arith.sitofp %jit3A_315 : i32 to f32
    %min3A_320 = vector.broadcast %convert_element_type3A_319 : f32 to vector<30x128xf32>
    %min3A_321 = arith.minimumf %min3A_320, %max3A_318 : vector<30x128xf32>
    %convert_element_type3A_322 = arith.fptosi %min3A_321 : vector<30x128xf32> to vector<30x128xi32>
    %jit3A_323 = arith.constant 0 : i32
    %jit3A_324 = arith.constant 60 : i32
    %convert_element_type3A_325 = arith.sitofp %jit3A_323 : i32 to f32
    %max3A_326 = vector.broadcast %convert_element_type3A_325 : f32 to vector<30x128xf32>
    %max3A_327 = arith.maximumf %max3A_326, %floor3A_172 : vector<30x128xf32>
    %convert_element_type3A_328 = arith.sitofp %jit3A_324 : i32 to f32
    %min3A_329 = vector.broadcast %convert_element_type3A_328 : f32 to vector<30x128xf32>
    %min3A_330 = arith.minimumf %min3A_329, %max3A_327 : vector<30x128xf32>
    %convert_element_type3A_331 = arith.fptosi %min3A_330 : vector<30x128xf32> to vector<30x128xi32>
    %convert_element_type3A_332 = arith.extui %and3A_313 : vector<30x128xi1> to vector<30x128xi32>
    %convert_element_type3A_333 = arith.sitofp %convert_element_type3A_332 : vector<30x128xi32> to vector<30x128xf32>
    %mul3A_334 = arith.mulf %mul3A_187, %convert_element_type3A_333 : vector<30x128xf32>
    %swap3A_335 = arith.constant 0 : index
    %swap3A_336 = arith.constant 2 : index
    %swap3A_337 = arith.constant 0 : index
    %swap3A_338 = arith.constant 0 : index
    %swap3A_339 = vector.load %arg4[%swap3A_335, %swap3A_336, %swap3A_337, %swap3A_338] : memref<1x4x30x128xf32, #tpu.memory_space<vmem>>, vector<1x1x30x128xf32>
    %swap3A_340 = vector.shape_cast %swap3A_339 : vector<1x1x30x128xf32> to vector<30x128xf32>
    %swap3A_341 = vector.shape_cast %mul3A_334 : vector<30x128xf32> to vector<1x1x30x128xf32>
    tpu.vector_store %arg4[%swap3A_335, %swap3A_336, %swap3A_337, %swap3A_338], %swap3A_341 {strides = array<i32>} : memref<1x4x30x128xf32, #tpu.memory_space<vmem>>, vector<1x1x30x128xf32>,
    %mul3A_342 = arith.constant 61 : i32
    %mul3A_343 = vector.broadcast %mul3A_342 : i32 to vector<30x128xi32>
    %mul3A_344 = arith.muli %convert_element_type3A_331, %mul3A_343 : vector<30x128xi32>
    %add3A_345 = arith.addi %mul3A_344, %convert_element_type3A_322 : vector<30x128xi32>
    %swap3A_346 = arith.constant 0 : index
    %swap3A_347 = arith.constant 2 : index
    %swap3A_348 = arith.constant 0 : index
    %swap3A_349 = arith.constant 0 : index
    %swap3A_350 = vector.load %arg5[%swap3A_346, %swap3A_347, %swap3A_348, %swap3A_349] : memref<1x4x30x128xi32, #tpu.memory_space<vmem>>, vector<1x1x30x128xi32>
    %swap3A_351 = vector.shape_cast %swap3A_350 : vector<1x1x30x128xi32> to vector<30x128xi32>
    %swap3A_352 = vector.shape_cast %add3A_345 : vector<30x128xi32> to vector<1x1x30x128xi32>
    tpu.vector_store %arg5[%swap3A_346, %swap3A_347, %swap3A_348, %swap3A_349], %swap3A_352 {strides = array<i32>} : memref<1x4x30x128xi32, #tpu.memory_space<vmem>>, vector<1x1x30x128xi32>,
    %ge3A_353 = arith.constant 0.000000e+00 : f32
    %ge3A_354 = vector.broadcast %ge3A_353 : f32 to vector<30x128xf32>
    %ge3A_355 = arith.cmpf oge, %add3A_175, %ge3A_354 : vector<30x128xf32>
    %le3A_356 = arith.constant 6.000000e+01 : f32
    %le3A_357 = vector.broadcast %le3A_356 : f32 to vector<30x128xf32>
    %le3A_358 = arith.cmpf ole, %add3A_175, %le3A_357 : vector<30x128xf32>
    %and3A_359 = arith.andi %ge3A_355, %le3A_358 : vector<30x128xi1>
    %ge3A_360 = arith.constant 0.000000e+00 : f32
    %ge3A_361 = vector.broadcast %ge3A_360 : f32 to vector<30x128xf32>
    %ge3A_362 = arith.cmpf oge, %add3A_178, %ge3A_361 : vector<30x128xf32>
    %and3A_363 = arith.andi %and3A_359, %ge3A_362 : vector<30x128xi1>
    %le3A_364 = arith.constant 6.000000e+01 : f32
    %le3A_365 = vector.broadcast %le3A_364 : f32 to vector<30x128xf32>
    %le3A_366 = arith.cmpf ole, %add3A_178, %le3A_365 : vector<30x128xf32>
    %and3A_367 = arith.andi %and3A_363, %le3A_366 : vector<30x128xi1>
    %and3A_368 = arith.andi %and3A_367, %lt3A_105 : vector<30x128xi1>
    %jit3A_369 = arith.constant 0 : i32
    %jit3A_370 = arith.constant 60 : i32
    %convert_element_type3A_371 = arith.sitofp %jit3A_369 : i32 to f32
    %max3A_372 = vector.broadcast %convert_element_type3A_371 : f32 to vector<30x128xf32>
    %max3A_373 = arith.maximumf %max3A_372, %add3A_175 : vector<30x128xf32>
    %convert_element_type3A_374 = arith.sitofp %jit3A_370 : i32 to f32
    %min3A_375 = vector.broadcast %convert_element_type3A_374 : f32 to vector<30x128xf32>
    %min3A_376 = arith.minimumf %min3A_375, %max3A_373 : vector<30x128xf32>
    %convert_element_type3A_377 = arith.fptosi %min3A_376 : vector<30x128xf32> to vector<30x128xi32>
    %jit3A_378 = arith.constant 0 : i32
    %jit3A_379 = arith.constant 60 : i32
    %convert_element_type3A_380 = arith.sitofp %jit3A_378 : i32 to f32
    %max3A_381 = vector.broadcast %convert_element_type3A_380 : f32 to vector<30x128xf32>
    %max3A_382 = arith.maximumf %max3A_381, %add3A_178 : vector<30x128xf32>
    %convert_element_type3A_383 = arith.sitofp %jit3A_379 : i32 to f32
    %min3A_384 = vector.broadcast %convert_element_type3A_383 : f32 to vector<30x128xf32>
    %min3A_385 = arith.minimumf %min3A_384, %max3A_382 : vector<30x128xf32>
    %convert_element_type3A_386 = arith.fptosi %min3A_385 : vector<30x128xf32> to vector<30x128xi32>
    %convert_element_type3A_387 = arith.extui %and3A_368 : vector<30x128xi1> to vector<30x128xi32>
    %convert_element_type3A_388 = arith.sitofp %convert_element_type3A_387 : vector<30x128xi32> to vector<30x128xf32>
    %mul3A_389 = arith.mulf %mul3A_190, %convert_element_type3A_388 : vector<30x128xf32>
    %swap3A_390 = arith.constant 0 : index
    %swap3A_391 = arith.constant 3 : index
    %swap3A_392 = arith.constant 0 : index
    %swap3A_393 = arith.constant 0 : index
    %swap3A_394 = vector.load %arg4[%swap3A_390, %swap3A_391, %swap3A_392, %swap3A_393] : memref<1x4x30x128xf32, #tpu.memory_space<vmem>>, vector<1x1x30x128xf32>
    %swap3A_395 = vector.shape_cast %swap3A_394 : vector<1x1x30x128xf32> to vector<30x128xf32>
    %swap3A_396 = vector.shape_cast %mul3A_389 : vector<30x128xf32> to vector<1x1x30x128xf32>
    tpu.vector_store %arg4[%swap3A_390, %swap3A_391, %swap3A_392, %swap3A_393], %swap3A_396 {strides = array<i32>} : memref<1x4x30x128xf32, #tpu.memory_space<vmem>>, vector<1x1x30x128xf32>,
    %mul3A_397 = arith.constant 61 : i32
    %mul3A_398 = vector.broadcast %mul3A_397 : i32 to vector<30x128xi32>
    %mul3A_399 = arith.muli %convert_element_type3A_386, %mul3A_398 : vector<30x128xi32>
    %add3A_400 = arith.addi %mul3A_399, %convert_element_type3A_377 : vector<30x128xi32>
    %swap3A_401 = arith.constant 0 : index
    %swap3A_402 = arith.constant 3 : index
    %swap3A_403 = arith.constant 0 : index
    %swap3A_404 = arith.constant 0 : index
    %swap3A_405 = vector.load %arg5[%swap3A_401, %swap3A_402, %swap3A_403, %swap3A_404] : memref<1x4x30x128xi32, #tpu.memory_space<vmem>>, vector<1x1x30x128xi32>
    %swap3A_406 = vector.shape_cast %swap3A_405 : vector<1x1x30x128xi32> to vector<30x128xi32>
    %swap3A_407 = vector.shape_cast %add3A_400 : vector<30x128xi32> to vector<1x1x30x128xi32>
    tpu.vector_store %arg5[%swap3A_401, %swap3A_402, %swap3A_403, %swap3A_404], %swap3A_407 {strides = array<i32>} : memref<1x4x30x128xi32, #tpu.memory_space<vmem>>, vector<1x1x30x128xi32>,
    return
  }
  func.func @transform_0(%arg0: i32) -> (i32, i32) {
    %c0_i32 = arith.constant 0 : i32
    %c0_i32_0 = arith.constant 0 : i32
    %c0_i32_1 = arith.constant 0 : i32
    return %c0_i32, %c0_i32_0 : i32, i32
  }
  func.func @transform_1(%arg0: i32) -> (i32, i32, i32) {
    %c0_i32 = arith.constant 0 : i32
    %c0_i32_0 = arith.constant 0 : i32
    %c0_i32_1 = arith.constant 0 : i32
    return %arg0, %c0_i32, %c0_i32_0 : i32, i32, i32
  }
  func.func @transform_2(%arg0: i32) -> (i32, i32, i32) {
    %c0_i32 = arith.constant 0 : i32
    %c0_i32_0 = arith.constant 0 : i32
    %c0_i32_1 = arith.constant 0 : i32
    return %arg0, %c0_i32, %c0_i32_0 : i32, i32, i32
  }
  func.func @transform_3(%arg0: i32) -> (i32, i32, i32, i32) {
    %c0_i32 = arith.constant 0 : i32
    %c0_i32_0 = arith.constant 0 : i32
    %c0_i32_1 = arith.constant 0 : i32
    %c0_i32_2 = arith.constant 0 : i32
    return %arg0, %c0_i32, %c0_i32_0, %c0_i32_1 : i32, i32, i32, i32
  }
  func.func @transform_4(%arg0: i32) -> (i32, i32, i32, i32) {
    %c0_i32 = arith.constant 0 : i32
    %c0_i32_0 = arith.constant 0 : i32
    %c0_i32_1 = arith.constant 0 : i32
    %c0_i32_2 = arith.constant 0 : i32
    return %arg0, %c0_i32, %c0_i32_0, %c0_i32_1 : i32, i32, i32, i32
  }
}

</mosaic_0001>

<sc_bundles>
// kernel: kernel.5.cloned.1.call-start
scs
__scs_entry_jumppad:
0x0: {  	(pc) =	sbr.rel $0x88, $3  }
0x1: {  	(tag) =	ssettag $0x0;
	lr =	simm.s32 $0x1  }
0x2: {  	[smem:$0x3F9E] =	sst lr;
	_ =	strace $0xD0000000  }
0x3: {  	_ = 	snop  }
0x4: {  	_ = 	snop  }
0x5: {  	_ = 	snop  }
0x6: {  	_ = 	snop  }
0x7: {  	_ = 	snop  }
__scs_overlays_trampoline_lowered:
0x8: {  	[smem:$0x3FAD] =	sst s0  }
0x9: {  	[smem:$0x3FAE] =	sst s1  }
0xa: {  	[smem:$0x3FAF] =	sst s2  }
0xb: {  	[smem:$0x3FB0] =	sst s3  }
0xc: {  	[smem:$0x3FB1] =	sst s4  }
0xd: {  	[smem:$0x3FB2] =	sst s5  }
0xe: {  	[smem:$0x3FB3] =	sst s6  }
0xf: {  	[smem:$0x3FB4] =	sst s7  }
0x10: {  	[smem:$0x3FB5] =	sst s8  }
0x11: {  	[smem:$0x3FB6] =	sst s9;
	s0 =	simm.s32 @!p0 $0x0  }
0x12: {  	s1 =	sld [smem:$0x3F9C];
	s0 =	simm.s32 @p0 $0x1  }
0x13: {  	[smem:$0x3FB7] =	sst s0;
	s0 =	simm.s32 @!p1 $0x0  }
0x14: {  	s2 =	sld [smem:$0x3F9B];
	s0 =	simm.s32 @p1 $0x1  }
0x15: {  	[smem:$0x3FB8] =	sst s0;
	s0 =	simm.s32 @!p2 $0x0  }
0x16: {  	s3 =	sld [smem:$0x3FDB];
	s0 =	simm.s32 @p2 $0x1  }
0x17: {  	s4 =	simm.s32 $0x1BF5;
	[smem:$0x3FBA] =	sst s0  }
0x18: {  	s0 =	sld [smem:$0x3F9D];
	_ =	swait.ge [sflag:s4], $0x0  }
0x19: {  	s7 =	sld [smem:$0x3F9E]  }
0x1a: {  	s8 =	sadd.s32 $0xFFFFE003, lr  }
0x1b: {  	s9 =	sadd.s32 $0xFFFFFEF7, lr;
	s5 =	simm.s32 $0xFFFFFFFF;
	p2 =	slt.u32 s8, $0xFFFFF086  }
0x1c: {  	p1 =	slt.u32 s9, $0xF7A;
	s5 =	simm.s32 @!p2 $0x0  }
0x1d: {  	s5 =	simm.s32 @p1 $0x1;
	p0 =	seq.s32 s7, s2  }
0x1e: {  	s7 =	smul.u32 @!p0 $0xF7A, s2;
	p2 =	seq.s32 @!p0 s5, $0x0  }
0x1f: {  	s9 =	smul.u32 $0xF7A, s1;
	s8 =	simm.s32 @!p0 $0x1BF5;
	p2 =	por !p2, p0  }
0x20: {  	[sflag:s8] =	ssyncset.s32 @!p0 $0xFFFFF086;
	s6 =	sadd.s32 @!p0 s3, s7;
	s7 =	simm.s32 @!p0 $0x108  }
0x21: {  	s3 =	sadd.s32 s3, s9;
	s6 =	sadd.s32 @!p0 $0x88, s6;
	s7 =	simm.s32 @p2 $0x1082  }
0x22: {  	[simem:s7], [sflag:s8] =	dma.local @!p0 [hbm:s6], $0xF7A  }
0x23: {  	s9 =	sor.u32 $0xD0000000, s2;
	s6 =	simm.s32 $0x108;
	_ =	swait.ge @!p0 [sflag:s8], $0x0  }
0x24: {  	s3 =	sadd.s32 $0x88, s3;
	s6 =	simm.s32 @!p1 $0x1082;
	[sflag:s4] =	ssyncset.s32 $0xFFFFF086  }
0x25: {  	[simem:s6], [sflag:s4] =	dma.local [hbm:s3], $0xF7A  }
0x26: {  	[smem:$0x3F9E] =	sst s1;
	(tag) =	ssettag s2;
	_ =	strace s9  }
0x27: {  	s1 =	sld [smem:$0x3FAE]  }
0x28: {  	s2 =	sld [smem:$0x3FAF]  }
0x29: {  	s4 =	sld [smem:$0x3FB1]  }
0x2a: {  	p0 =	seq.s32 s5, $0x0;
	s5 =	sld [smem:$0x3FB2]  }
0x2b: {  	s6 =	sld [smem:$0x3FB3]  }
0x2c: {  	s7 =	sld [smem:$0x3FB4]  }
0x2d: {  	s3 =	simm.s32 $0x108;
	s8 =	sld [smem:$0x3FB5]  }
0x2e: {  	s3 =	simm.s32 @!p0 $0x1082;
	s9 =	sld [smem:$0x3FB6]  }
0x2f: {  	lr =	sadd.s32 s0, s3;
	s0 =	sld [smem:$0x3FAD]  }
0x30: {  	s3 =	sld [smem:$0x3FB0]  }
0x31: {  	[smem:$0x3FB9] =	sst s10  }
0x32: {  	s10 =	sld [smem:$0x3FB7];
	_ =	sdelay $0x3  }
0x33: {  	p0 =	seq.s32 s10, $0x1;
	s10 =	sld [smem:$0x3FB9];
	_ =	sdelay $0x3  }
0x34: {  	[smem:$0x3FB9] =	sst s10  }
0x35: {  	s10 =	sld [smem:$0x3FB8];
	_ =	sdelay $0x3  }
0x36: {  	p1 =	seq.s32 s10, $0x1;
	s10 =	sld [smem:$0x3FB9];
	_ =	sdelay $0x3  }
0x37: {  	[smem:$0x3FB9] =	sst s10  }
0x38: {  	s10 =	sld [smem:$0x3FBA]  }
0x39: {  	_ = 	snop;
	(pc) =	sbr.ind lr, $3  }
0x3a: {  	_ = 	snop  }
0x3b: {  	_ = 	snop  }
0x3c: {  	p2 =	seq.s32 s10, $0x1;
	s10 =	sld [smem:$0x3FB9]  }
0x3d: {  	_ =	shalt  }
0x3e: {  	_ =	shalt  }
0x3f: {  	_ =	shalt  }
0x40: {  	_ =	shalt  }
0x41: {  	_ =	shalt  }
0x42: {  	_ =	shalt  }
0x43: {  	_ =	shalt  }
0x44: {  	_ =	shalt  }
0x45: {  	_ =	shalt  }
0x46: {  	_ =	shalt  }
0x47: {  	_ =	shalt  }
0x48: {  	_ =	shalt  }
0x49: {  	_ =	shalt  }
0x4a: {  	_ =	shalt  }
0x4b: {  	_ =	shalt  }
0x4c: {  	_ =	shalt  }
0x4d: {  	_ =	shalt  }
0x4e: {  	_ =	shalt  }
0x4f: {  	_ =	shalt  }
0x50: {  	_ =	shalt  }
0x51: {  	_ =	shalt  }
0x52: {  	_ =	shalt  }
0x53: {  	_ =	shalt  }
0x54: {  	_ =	shalt  }
0x55: {  	_ =	shalt  }
0x56: {  	_ =	shalt  }
0x57: {  	_ =	shalt  }
0x58: {  	_ =	shalt  }
0x59: {  	_ =	shalt  }
0x5a: {  	_ =	shalt  }
0x5b: {  	_ =	shalt  }
0x5c: {  	_ =	shalt  }
0x5d: {  	_ =	shalt  }
0x5e: {  	_ =	shalt  }
0x5f: {  	_ =	shalt  }
0x60: {  	_ =	shalt  }
0x61: {  	_ =	shalt  }
0x62: {  	_ =	shalt  }
0x63: {  	_ =	shalt  }
0x64: {  	_ =	shalt  }
0x65: {  	_ =	shalt  }
0x66: {  	_ =	shalt  }
0x67: {  	_ =	shalt  }
0x68: {  	_ =	shalt  }
0x69: {  	_ =	shalt  }
0x6a: {  	_ =	shalt  }
0x6b: {  	_ =	shalt  }
0x6c: {  	_ =	shalt  }
0x6d: {  	_ =	shalt  }
0x6e: {  	_ =	shalt  }
0x6f: {  	_ =	shalt  }
0x70: {  	_ =	shalt  }
0x71: {  	_ =	shalt  }
0x72: {  	_ =	shalt  }
0x73: {  	_ =	shalt  }
0x74: {  	_ =	shalt  }
0x75: {  	_ =	shalt  }
0x76: {  	_ =	shalt  }
0x77: {  	_ =	shalt  }
0x78: {  	_ =	shalt  }
0x79: {  	_ =	shalt  }
0x7a: {  	_ =	shalt  }
0x7b: {  	_ =	shalt  }
0x7c: {  	_ =	shalt  }
0x7d: {  	_ =	shalt  }
0x7e: {  	_ =	shalt  }
0x7f: {  	_ =	shalt  }
0x80: {  	_ =	shalt  }
0x81: {  	_ =	shalt  }
0x82: {  	_ =	shalt  }
0x83: {  	_ =	shalt  }
0x84: {  	_ =	shalt  }
0x85: {  	_ =	shalt  }
0x86: {  	_ =	shalt  }
0x87: {  	_ =	shalt  }
.Lfunc_end0:
.L_simem_size_0:
called_computation_lowered:
.L_overlay_start_0:
0x88: {  	s2 =	sld [smem:$0x3FD9]  }
0x89: {  	s3 =	sld [smem:$0x3FFE];
	_ =	sdelay $0x1  }
0x8a: {  	s1 =	srdreg.scid  }
0x8b: {  	s0 =	sand.u32 $0x1, s1  }
0x8c: {  	s17 =	sshll.u32 s0, $0xA;
	s2 =	sadd.s32 s3, s2  }
0x8d: {  	s2 =	sadd.s32 s2, s17  }
0x8e: {  	[smem:$0x3FC5] =	sst s2  }
0x8f: {  	_ = 	snop  }
0x90: {  	s2 =	sld [smem:$0x3FC9]  }
0x91: {  	s18 =	sld [smem:$0x3FD0];
	(tm) =	ssettm $0x1  }
0x92: {  	s4 =	sld [smem:$0x3FFB];
	_ =	sdelay $0x3  }
0x93: {  	_ =	strace s4  }
0x94: {  	s4 =	sld [smem:$0x3FFC];
	_ =	sdelay $0x3  }
0x95: {  	_ =	strace s4  }
0x96: {  	s4 =	sld [smem:$0x3FFD];
	_ =	sdelay $0x3  }
0x97: {  	_ =	strace s4  }
0x98: {  	_ =	strace $0x8FFFFFFF  }
0x99: {  	s19 =	sld [smem:$0x3FDB];
	_ =	sdelay $0x1  }
0x9a: {  	s5 =	simm.s32 $_scs_section_size  }
0x9b: {  	s6 =	simm.s32 $_size__tile_overlayer_lowered;
	s7 =	simm.s32 $_tile_overlayer_lowered  }
0x9c: {  	s22 =	simm.s32 $0x1BFF;
	s21 =	sshll.u32 s7, $0x1;
	s4 =	sadd.s32 s5, s19  }
0x9d: {  	s8 =	simm.s32 $0x0;
	s20 =	sshll.u32 s6, $0x1;
	s6 =	sadd.s32 s21, s4  }
0x9e: {  	[timem:s8], [sflag:s22] =	dma.local [hbm:s6], s20  }
0x9f: {  	_ =	swait.ge [sflag:s22], s20  }
0xa0: {  	s5 =	ssub.s32 $0x0, s20;
	[sflag:s22] =	ssyncset.done $0x0  }
0xa1: {  	[sflag:s22] =	ssyncadd.s32 s5;
	_ =	sdelay $0x1  }
0xa2: {  	s23 =	simm.s32 $0x1B8B  }
0xa3: {  	_ =	swait.ge [sflag:s23], $0x1  }
0xa4: {  	[sflag:s23] =	ssyncset.done $0x0  }
0xa5: {  	s25 =	simm.s32 $0x1B8E;
	s24 =	sld [smem:$0x3FFE];
	[sflag:s23] =	ssyncadd.s32 $0xFFFFFFFF  }
0xa6: {  	s26 =	simm.s32 $execute0_lowered;
	[smem:$0x3FD2] =	sst s25  }
0xa7: {  	s6 =	sshll.u32 s26, $0x1;
	_ =	strace $0x80000046;
	[dreg:$0x1] =	wrdreg $0xFFFFFFFF  }
0xa8: {  	s28 =	simm.s32 $_size_execute0_lowered;
	s4 =	sadd.s32 s4, s6;
	[dreg:$0x0] =	wrdreg $0x0  }
0xa9: {  	s6 =	sshll.u32 s28, $0x1;
	[dreg:$0x2] =	wrdreg s4  }
0xaa: {  	[dreg:$0x3] =	wrdreg s6  }
0xab: {  	[dreg:$0x4] =	wrdreg $0xC0  }
0xac: {  	_ =	task [dreg:s8], $0x5FFFF  }
0xad: {  	[dreg:$0x1] =	wrdreg $0xFFFFFFFF  }
0xae: {  	[dreg:$0x0] =	wrdreg $0x60  }
0xaf: {  	[dreg:$0x2] =	wrdreg s2  }
0xb0: {  	[dreg:$0x3] =	wrdreg s18  }
0xb1: {  	[dreg:$0x4] =	wrdreg s24  }
0xb2: {  	[dreg:$0x5] =	wrdreg $0x9  }
0xb3: {  	_ =	task.clear_ibuf [dreg:s8], $0x6FFFF;
	_ =	strace $0x90000046  }
0xb4: {  	s29 =	simm.s32 $0x9;
	_ =	strace $0x80000048  }
0xb5: {  	_ =	swait.ge [sflag:s29], $0x1  }
0xb6: {  	[sflag:s29] =	ssyncadd.s32 $0xFFFFFFFF  }
0xb7: {  	_ =	strace $0x90000048  }
0xb8: {  	_ =	sfence  }
0xb9: {  	s30 =	sld [smem:$0x0];
	_ =	sdelay $0x2  }
0xba: {  	s31 =	sshll.u32 s1, $0xD;
	s1 =	sshrl.u32 s1, $0x2  }
0xbb: {  	s3 =	sand.u32 $0x4000, s31;
	s1 =	sadd.s32 s1, s30  }
0xbc: {  	s0 =	sor.u32 s3, s0;
	s1 =	sshll.u32 s1, $0x11  }
0xbd: {  	s0 =	sor.u32 s1, s0  }
0xbe: {  	s0 =	sadd.s32 $0x8F2B, s0  }
0xbf: {  	[sflag:s0] =	ssyncadd.remote.s32 $0x1  }
0xc0: {  	_ =	sfence.sel $0xFFFF  }
0xc1: {  	[dreg:$0x0] =	wrdreg $0xFFFFFFFF;
	(pc) =	sbr.abs _section_cstart, $3  }
0xc2: {  	[dreg:$0x1] =	wrdreg $0xFFFFFFFF  }
0xc3: {  	_ =	task.clear_ibuf [dreg:s8], $0x2FFFF;
	_ =	strace $0x9FFFFFFF  }
0xc4: {  	(tm) =	ssettm $0x7FFFFFFF  }
0xc5: {  	_ =	shalt  }
tec
execute0_lowered:
.L_overlay_start_1:
0x0: {  	(tag) =	ssettag $0x1  }
0x1: {  	s5 =	rddreg [dreg:$0x0]  }
0x2: {  	s0 =	srdreg.scid;
	s4 =	rddreg [dreg:$0x1]  }
0x3: {  	s6 =	rddreg [dreg:$0x2];
	s2 =	simm.s32 $0x0;
	s14 =	simm.s32 $0x9020  }
0x4: {  	s15 =	simm.s32 $0x1;
	s16 =	simm.s32 $0x1000;
	s17 =	simm.s32 $0x5010  }
0x5: {  	s18 =	simm.s32 $0x100;
	s19 =	simm.s32 $0x4000;
	s20 =	simm.s32 $0x178B0  }
0x6: {  	s21 =	simm.s32 $0x0;
	s3 =	sand.u32 $0x1, s0;
	s0 =	stileid.u32  }
0x7: {  	[smem:$0x7FF] =	sst s2;
	s1 =	sshll.u32 s3, $0x4;
	s9 =	ssub.s32 $0x2, s3  }
0x8: {  	s3 =	sadd.s32 $0x21200, s6;
	s7 =	sor.u32 s0, s1;
	s1 =	rddreg [dreg:$0x3]  }
0x9: {  	_ =	strace $0x80000047;
	s30 =	sshrl.u32 s9, $0x1;
	s8 =	smul.u32 $0x3A240, s7  }
0xa: {  	s13 =	ssub.s32 s9, s30;
	s31 =	sshll.u32 s7, $0xD;
	s7 =	sshll.u32 s7, $0x11  }
0xb: {  	s4 =	sadd.s32 s4, s31;
	s5 =	sadd.s32 s5, s7;
	s8 =	sshrl.u32 s8, $0x3  }
0xc: {  	s13 =	smax.u32 s13, $0x1;
	s7 =	sadd.s32 $0x8000, s5;
	s12 =	sadd.s32 s8, s6  }
0xd: {  	v0 =	vlaneseq.u32;
	s9 =	sadd.s32 $0x10000, s5;
	s11 =	sadd.s32 $0x18000, s5;
	s6 =	sadd.s32 $0x23000, s12  }
0xe: {  	v1 =	vimm.s32 $0x0;
	v2 =	vmul.u32 $0x100, v0;
	s8 =	sadd.s32 $0x24D12, s12;
	s10 =	sadd.s32 $0x26A24, s12;
	s12 =	sadd.s32 $0x28736, s12  }
.LBB2_1:
0xf: {  	[tilespmem:s14], [sflag:$0x1] =	stream.linear.gather [hbm4b:s3+s2], $0xE890, $0x38;
	[tilespmem:$0x188B0] =	vst v63  }
0x10: {  	_ =	swait.ge [sflag:s15], $0xE890  }
0x11: {  	[sflag:s15] =	ssyncset.done $0x0  }
0x12: {  	[sflag:s15] =	ssyncadd.s32 $0xFFFF1770  }
0x13: {  	s26 =	simm.s32 $0x0;
	s22 =	simm.s32 $0x0;
	[smem:$0x0] =	sst s2  }
.LBB2_2:
0x14: {  	s23 =	sshll.u32 s22, $0x9  }
0x15: {  	s24 =	sadd.s32 s23, s4;
	s23 =	simm.s32 $0x0  }
0x16: {  	[tilespmem:s23], [sflag:$0x1] =	stream.linear.gather [hbm4b:s24+s23], $0x1000, $0x38;
	[tilespmem:$0x188B0] =	vst v63  }
0x17: {  	_ =	swait.ge [sflag:s15], $0x1000  }
0x18: {  	s31 =	sshll.u32 s22, $0x2;
	[sflag:s15] =	ssyncset.done $0x0  }
0x19: {  	s25 =	simm.s32 $0x0;
	s24 =	sand.u32 $0x3FFFFFFC, s31;
	[sflag:s15] =	ssyncadd.s32 $0xFFFFF000  }
.LBB2_3:
0x1a: {  	s28 =	sadd.s32 $0x0, s23  }
0x1b: {  	v3 =	vor.u32 s28, v0;
	_ =	sdelay $0x4  }
0x1c: {  	v3 =	vld.idx.msk [tilespmem:v3+s2+$0x0], $0xffff;
	_ =	sdelay $0x4  }
0x1d: {  	vm0 =	vgt.s32 v3, $0xFFFFFFFF  }
0x1e: {  	v4 =	vsel vm0, $0x1, v1  }
0x1f: {  	(xrf0) =	vadd.scan.msk.s32 $0xffff, v4;
	_ =	sdelay $0x2  }
0x20: {  	v4 =	vmov s26  }
0x21: {  	v4 =	vadd.s32 $0xFFFFFFFF, v4  }
0x22: {  	v4 =	vbroadcast v4, $0x0  }
0x23: {  	v5, _, _ =	vpop (xrf0)  }
0x24: {  	s31 =	sadd.s32 $0x10, s23;
	v4 =	vadd.s32 v5, v4;
	(v2sf) =	vpush v5, $0xF  }
0x25: {  	s30 =	simm.s32 $0x20;
	s29 =	simm.s32 $0x0;
	s28 =	simm.s32 $0x10  }
.LBB2_4:
0x26: {  	p0 =	sne.s32 s30, $0x3F0;
	v5 =	vor.u32 s31, v0;
	v6 =	vmov s29;
	v7 =	vor.u32 s29, v0;
	s29 =	smov.u32 s28;
	s28 =	smov.u32 s30  }
0x27: {  	v6 =	vshrl.u32 v6, $0x2;
	v7 =	vshrl.u32 v7, $0x1  }
0x28: {  	v6 =	vand.u32 $0x80, v6;
	v7 =	vand.u32 $0x7F, v7  }
0x29: {  	v6 =	vor.u32 v6, v7;
	[tilespmem:v4+s16+$0x0] =	vst.idx.msk vm0, v3  }
0x2a: {  	[tilespmem:v4+s17+$0x0] =	vst.idx.msk vm0, v6  }
0x2b: {  	v3 =	vld.idx.msk [tilespmem:v5+s2+$0x0], $0xffff;
	_ =	sdelay $0x5  }
0x2c: {  	vm0 =	vgt.s32 v3, $0xFFFFFFFF  }
0x2d: {  	v4 =	vsel vm0, $0x1, v1  }
0x2e: {  	(xrf0) =	vadd.scan.msk.s32 $0xffff, v4;
	s31 =	spop (v2sf)  }
0x2f: {  	s26 =	sadd.s32 s26, s31  }
0x30: {  	v4 =	vmov s26  }
0x31: {  	v4 =	vadd.s32 $0xFFFFFFFF, v4  }
.Ltmp0:
0x32: {  	v4 =	vbroadcast v4, $0x0;
	(pc) =	sbr.rel @p0 .LBB2_4-.Ltmp0, $4  }
0x33: {  	_ = 	snop  }
0x34: {  	v5, _, _ =	vpop (xrf0)  }
0x35: {  	v4 =	vadd.s32 v5, v4;
	(v2sf) =	vpush v5, $0xF  }
0x36: {  	s30 =	sadd.s32 $0x10, s30;
	s31 =	sadd.s32 s28, s23  }
0x37: {  	_ =	sdelay $0x1  }
0x38: {  	v5 =	vor.u32 s31, v0;
	v6 =	vmov s29;
	v7 =	vor.u32 s29, v0  }
0x39: {  	v6 =	vshrl.u32 v6, $0x2;
	v7 =	vshrl.u32 v7, $0x1  }
0x3a: {  	v6 =	vand.u32 $0x80, v6;
	v7 =	vand.u32 $0x7F, v7  }
0x3b: {  	[tilespmem:v4+s16+$0x0] =	vst.idx.msk vm0, v3;
	v6 =	vor.u32 v6, v7  }
0x3c: {  	[tilespmem:v4+s17+$0x0] =	vst.idx.msk vm0, v6  }
0x3d: {  	v3 =	vld.idx.msk [tilespmem:v5+s2+$0x0], $0xffff;
	_ =	sdelay $0x4  }
0x3e: {  	vm15 =	vgt.s32 v3, $0xFFFFFFFF  }
0x3f: {  	v60 =	vsel vm15, $0x1, v1  }
0x40: {  	(xrf0) =	vadd.scan.msk.s32 $0xffff, v60;
	_ =	sdelay $0x5  }
0x41: {  	v4, _, _ =	vpop (xrf0)  }
0x42: {  	(v2sf) =	vpush v4, $0xF;
	_ =	sdelay $0x4  }
0x43: {  	s31 =	spop (v2sf)  }
0x44: {  	s26 =	sadd.s32 s26, s31  }
0x45: {  	v61 =	vmov s26  }
0x46: {  	v5 =	vadd.s32 $0xFFFFFFFF, v61  }
0x47: {  	v5 =	vbroadcast v5, $0x0;
	_ =	sdelay $0x1  }
0x48: {  	s30 =	sadd.s32 s25, s24;
	s25 =	sadd.s32 $0x1, s25;
	v4 =	vadd.s32 v4, v5  }
0x49: {  	p0 =	sne.s32 s25, $0x4  }
.Ltmp1:
0x4a: {  	v62 =	vmov s28;
	v63 =	vor.u32 s28, v0;
	(pc) =	sbr.rel @p0 .LBB2_3-.Ltmp1, $4  }
0x4b: {  	v6 =	vshrl.u32 v63, $0x1;
	v5 =	vshrl.u32 v62, $0x2  }
0x4c: {  	v6 =	vand.u32 $0x7F, v6;
	v5 =	vand.u32 $0x80, v5;
	s31 =	spop (v2sf)  }
0x4d: {  	v5 =	vor.u32 v5, v6;
	[tilespmem:v4+s16+$0x0] =	vst.idx.msk vm15, v3;
	s26 =	sadd.s32 s26, s31  }
0x4e: {  	s23 =	sadd.s32 $0x400, s23;
	[tilespmem:v4+s17+$0x0] =	vst.idx.msk vm15, v5;
	[smem:s30+$0x1] =	sst s26  }
0x4f: {  	s22 =	sadd.s32 $0x1, s22  }
0x50: {  	p0 =	seq.s32 s22, $0x10  }
.Ltmp2:
0x51: {  	_ = 	snop;
	(pc) =	sbr.rel @!p0 .LBB2_2-.Ltmp2, $1  }
0x52: {  	_ =	sdelay $0x3  }
.Ltmp3:
0x53: {  	(pc) =	sbr.rel .LBB2_9-.Ltmp3, $2  }
0x54: {  	_ =	sdelay $0x2  }
0x55: {  	s22 =	simm.s32 $0x0  }
.LBB2_12:
0x56: {  	_ =	sdelay $0x2  }
0x57: {  	v4 =	vmax.f32 v5, v4  }
0x58: {  	[tilespmem:v3+s14+$0x0] =	vst.idx.msk $0xffff, v4  }
.LBB2_8:
0x59: {  	s22 =	sadd.s32 $0x1, s22  }
0x5a: {  	p0 =	seq.s32 s22, $0x40  }
.Ltmp4:
0x5b: {  	_ = 	snop;
	(pc) =	sbr.rel @p0 .LBB2_13-.Ltmp4, $1  }
0x5c: {  	_ =	sdelay $0x3  }
.LBB2_9:
0x5d: {  	s23 =	sshll.u32 s22, $0x5  }
0x5e: {  	s23 =	sadd.s32 s23, s5  }
0x5f: {  	[tilespmem:s20], [sflag:$0x1] =	stream.strided.gather [hbm4b:s23+s18], $0x1000, s19, s18, $0x38;
	[tilespmem:$0x188B0] =	vst v63  }
0x60: {  	_ =	swait.ge [sflag:s15], $0x1000  }
0x61: {  	[sflag:s15] =	ssyncset.done $0x0  }
0x62: {  	[sflag:s15] =	ssyncadd.s32 $0xFFFFF000  }
0x63: {  	s24 =	sld [smem:s22+$0x0]  }
0x64: {  	s23 =	sld [smem:s22+$0x1];
	_ =	sdelay $0x2  }
0x65: {  	p0 =	sge.s32 s24, s23  }
.Ltmp5:
0x66: {  	_ = 	snop;
	(pc) =	sbr.rel @p0 .LBB2_8-.Ltmp5, $1  }
0x67: {  	_ =	sdelay $0x3  }
0x68: {  	v3 =	vmov s24;
	_ =	sdelay $0x4  }
0x69: {  	v4 =	vld.idx.msk [tilespmem:v3+s17+$0x0], $0xffff  }
0x6a: {  	v3 =	vld.idx.msk [tilespmem:v3+s16+$0x0], $0xffff;
	_ =	sdelay $0x4  }
0x6b: {  	v4 =	vadd.s32 v2, v4;
	v3 =	vshll.u32 v3, $0x4  }
0x6c: {  	s24 =	sadd.s32 $0x1, s24;
	v3 =	vor.u32 v0, v3  }
0x6d: {  	p0 =	seq.s32 s23, s24  }
.Ltmp6:
0x6e: {  	_ = 	snop;
	(pc) =	sbr.rel @p0 .LBB2_12-.Ltmp6, $3  }
0x6f: {  	_ = 	snop  }
0x70: {  	v4 =	vld.idx.msk [tilespmem:v4+s20+$0x0], $0xffff  }
0x71: {  	v5 =	vld.idx.msk [tilespmem:v3+s14+$0x0], $0xffff;
	_ =	sdelay $0x1  }
.LBB2_11:
0x72: {  	v6 =	vmov s24  }
0x73: {  	s24 =	sadd.s32 $0x1, s24  }
0x74: {  	p0 =	seq.s32 s23, s24  }
0x75: {  	v4 =	vmax.f32 v5, v4  }
0x76: {  	[tilespmem:v3+s14+$0x0] =	vst.idx.msk $0xffff, v4  }
0x77: {  	v3 =	vld.idx.msk [tilespmem:v6+s17+$0x0], $0xffff  }
0x78: {  	v4 =	vld.idx.msk [tilespmem:v6+s16+$0x0], $0xffff;
	_ =	sdelay $0x5  }
0x79: {  	v5 =	vadd.s32 v2, v3;
	v3 =	vshll.u32 v4, $0x4  }
0x7a: {  	v3 =	vor.u32 v0, v3  }
.Ltmp7:
0x7b: {  	(pc) =	sbr.rel @!p0 .LBB2_11-.Ltmp7, $3  }
0x7c: {  	_ =	sdelay $0x1  }
0x7d: {  	v4 =	vld.idx.msk [tilespmem:v5+s20+$0x0], $0xffff  }
0x7e: {  	v5 =	vld.idx.msk [tilespmem:v3+s14+$0x0], $0xffff  }
.Ltmp8:
0x7f: {  	_ = 	snop;
	(pc) =	sbr.rel .LBB2_12-.Ltmp8, $1  }
0x80: {  	_ =	sdelay $0x3  }
.LBB2_13:
0x81: {  	s22 =	simm.s32 $0x0  }
0x82: {  	v3 =	vor.u32 s22, v0;
	_ =	sdelay $0x4  }
0x83: {  	v4 =	vld.idx.msk [tilespmem:v3+s14+$0x0], $0xffff;
	_ =	sdelay $0x1  }
0x84: {  	s23 =	simm.s32 $0x10;
	s22 =	simm.s32 $0x2  }
.LBB2_14:
0x85: {  	p0 =	sne.s32 s22, $0xE88;
	v5 =	vor.u32 s23, v0;
	_ =	sdelay $0x1  }
0x86: {  	vm0 =	veq.f32 v4, $-1.000000030e+16  }
0x87: {  	v4 =	vsel vm0, $0x0, v4  }
.Ltmp9:
0x88: {  	[tilespmem:v3+s14+$0x0] =	vst.idx.msk $0xffff, v4;
	v3 =	vmov v5;
	(pc) =	sbr.rel @p0 .LBB2_14-.Ltmp9, $2  }
0x89: {  	v4 =	vld.idx.msk [tilespmem:v5+s14+$0x0], $0xffff;
	_ =	sdelay $0x2  }
0x8a: {  	s23 =	sshll.u32 s22, $0x4;
	s22 =	sadd.s32 $0x1, s22  }
0x8b: {  	v5 =	vor.u32 s23, v0;
	_ =	sdelay $0x1  }
0x8c: {  	vm0 =	veq.f32 v4, $-1.000000030e+16  }
0x8d: {  	v4 =	vsel vm0, $0x0, v4  }
0x8e: {  	[tilespmem:v3+s14+$0x0] =	vst.idx.msk $0xffff, v4  }
0x8f: {  	v3 =	vld.idx.msk [tilespmem:v5+s14+$0x0], $0xffff;
	_ =	sdelay $0x4  }
0x90: {  	vm15 =	veq.f32 v3, $-1.000000030e+16  }
0x91: {  	v3 =	vsel vm15, $0x0, v3  }
0x92: {  	s22 =	simm.s32 $0x0;
	[tilespmem:v5+s14+$0x0] =	vst.idx.msk $0xffff, v3  }
0x93: {  	[hbm4b:s6+s22] =	stream.linear.scatter [tilespmem:s14], [sflag:$0x1], $0xE890, $0x38;
	[tilespmem:$0x188B0] =	vst v63  }
0x94: {  	_ =	swait.ge [sflag:s15], $0xE890  }
0x95: {  	[sflag:s15] =	ssyncset.done $0x0  }
.Ltmp10:
0x96: {  	[sflag:s15] =	ssyncadd.s32 $0xFFFF1770;
	(pc) =	sbr.rel .LBB2_17-.Ltmp10, $4  }
0x97: {  	[tilespmem:s14], [sflag:$0x1] =	stream.linear.gather [hbm4b:s3+s22], $0xE890, $0x38;
	[tilespmem:$0x188B0] =	vst v63  }
0x98: {  	_ =	swait.ge [sflag:s15], $0xE890  }
0x99: {  	[sflag:s15] =	ssyncset.done $0x0  }
0x9a: {  	[sflag:s15] =	ssyncadd.s32 $0xFFFF1770  }
.LBB2_20:
0x9b: {  	_ =	sdelay $0x2  }
0x9c: {  	v4 =	vmax.f32 v5, v4  }
0x9d: {  	[tilespmem:v3+s14+$0x0] =	vst.idx.msk $0xffff, v4  }
.LBB2_16:
0x9e: {  	s22 =	sadd.s32 $0x1, s22  }
0x9f: {  	p0 =	seq.s32 s22, $0x40  }
.Ltmp11:
0xa0: {  	_ = 	snop;
	(pc) =	sbr.rel @p0 .LBB2_21-.Ltmp11, $1  }
0xa1: {  	_ =	sdelay $0x3  }
.LBB2_17:
0xa2: {  	s23 =	sshll.u32 s22, $0x5  }
0xa3: {  	s23 =	sadd.s32 s23, s7  }
0xa4: {  	[tilespmem:s20], [sflag:$0x1] =	stream.strided.gather [hbm4b:s23+s18], $0x1000, s19, s18, $0x38;
	[tilespmem:$0x188B0] =	vst v63  }
0xa5: {  	_ =	swait.ge [sflag:s15], $0x1000  }
0xa6: {  	[sflag:s15] =	ssyncset.done $0x0  }
0xa7: {  	[sflag:s15] =	ssyncadd.s32 $0xFFFFF000  }
0xa8: {  	s24 =	sld [smem:s22+$0x0]  }
0xa9: {  	s23 =	sld [smem:s22+$0x1];
	_ =	sdelay $0x2  }
0xaa: {  	p0 =	sge.s32 s24, s23  }
.Ltmp12:
0xab: {  	_ = 	snop;
	(pc) =	sbr.rel @p0 .LBB2_16-.Ltmp12, $1  }
0xac: {  	_ =	sdelay $0x3  }
0xad: {  	v3 =	vmov s24;
	_ =	sdelay $0x4  }
0xae: {  	v4 =	vld.idx.msk [tilespmem:v3+s17+$0x0], $0xffff  }
0xaf: {  	v3 =	vld.idx.msk [tilespmem:v3+s16+$0x0], $0xffff;
	_ =	sdelay $0x4  }
0xb0: {  	v4 =	vadd.s32 v2, v4;
	v3 =	vshll.u32 v3, $0x4  }
0xb1: {  	s24 =	sadd.s32 $0x1, s24;
	v3 =	vor.u32 v0, v3  }
0xb2: {  	p0 =	seq.s32 s23, s24  }
.Ltmp13:
0xb3: {  	_ = 	snop;
	(pc) =	sbr.rel @p0 .LBB2_20-.Ltmp13, $3  }
0xb4: {  	_ = 	snop  }
0xb5: {  	v4 =	vld.idx.msk [tilespmem:v4+s20+$0x0], $0xffff  }
0xb6: {  	v5 =	vld.idx.msk [tilespmem:v3+s14+$0x0], $0xffff;
	_ =	sdelay $0x1  }
.LBB2_19:
0xb7: {  	v6 =	vmov s24  }
0xb8: {  	s24 =	sadd.s32 $0x1, s24  }
0xb9: {  	p0 =	seq.s32 s23, s24  }
0xba: {  	v4 =	vmax.f32 v5, v4  }
0xbb: {  	[tilespmem:v3+s14+$0x0] =	vst.idx.msk $0xffff, v4  }
0xbc: {  	v3 =	vld.idx.msk [tilespmem:v6+s17+$0x0], $0xffff  }
0xbd: {  	v4 =	vld.idx.msk [tilespmem:v6+s16+$0x0], $0xffff;
	_ =	sdelay $0x5  }
0xbe: {  	v5 =	vadd.s32 v2, v3;
	v3 =	vshll.u32 v4, $0x4  }
0xbf: {  	v3 =	vor.u32 v0, v3  }
.Ltmp14:
0xc0: {  	(pc) =	sbr.rel @!p0 .LBB2_19-.Ltmp14, $3  }
0xc1: {  	_ =	sdelay $0x1  }
0xc2: {  	v4 =	vld.idx.msk [tilespmem:v5+s20+$0x0], $0xffff  }
0xc3: {  	v5 =	vld.idx.msk [tilespmem:v3+s14+$0x0], $0xffff  }
.Ltmp15:
0xc4: {  	_ = 	snop;
	(pc) =	sbr.rel .LBB2_20-.Ltmp15, $1  }
0xc5: {  	_ =	sdelay $0x3  }
.LBB2_21:
0xc6: {  	s22 =	simm.s32 $0x0  }
0xc7: {  	v3 =	vor.u32 s22, v0;
	_ =	sdelay $0x4  }
0xc8: {  	v4 =	vld.idx.msk [tilespmem:v3+s14+$0x0], $0xffff;
	_ =	sdelay $0x1  }
0xc9: {  	s23 =	simm.s32 $0x10;
	s22 =	simm.s32 $0x2  }
.LBB2_22:
0xca: {  	p0 =	sne.s32 s22, $0xE88;
	v5 =	vor.u32 s23, v0;
	_ =	sdelay $0x1  }
0xcb: {  	vm0 =	veq.f32 v4, $-1.000000030e+16  }
0xcc: {  	v4 =	vsel vm0, $0x0, v4  }
.Ltmp16:
0xcd: {  	[tilespmem:v3+s14+$0x0] =	vst.idx.msk $0xffff, v4;
	v3 =	vmov v5;
	(pc) =	sbr.rel @p0 .LBB2_22-.Ltmp16, $2  }
0xce: {  	v4 =	vld.idx.msk [tilespmem:v5+s14+$0x0], $0xffff;
	_ =	sdelay $0x2  }
0xcf: {  	s23 =	sshll.u32 s22, $0x4;
	s22 =	sadd.s32 $0x1, s22  }
0xd0: {  	v5 =	vor.u32 s23, v0;
	_ =	sdelay $0x1  }
0xd1: {  	vm0 =	veq.f32 v4, $-1.000000030e+16  }
0xd2: {  	v4 =	vsel vm0, $0x0, v4  }
0xd3: {  	[tilespmem:v3+s14+$0x0] =	vst.idx.msk $0xffff, v4  }
0xd4: {  	v3 =	vld.idx.msk [tilespmem:v5+s14+$0x0], $0xffff;
	_ =	sdelay $0x4  }
0xd5: {  	vm15 =	veq.f32 v3, $-1.000000030e+16  }
0xd6: {  	v3 =	vsel vm15, $0x0, v3  }
0xd7: {  	s22 =	simm.s32 $0x0;
	[tilespmem:v5+s14+$0x0] =	vst.idx.msk $0xffff, v3  }
0xd8: {  	[hbm4b:s8+s22] =	stream.linear.scatter [tilespmem:s14], [sflag:$0x1], $0xE890, $0x38;
	[tilespmem:$0x188B0] =	vst v63  }
0xd9: {  	_ =	swait.ge [sflag:s15], $0xE890  }
0xda: {  	[sflag:s15] =	ssyncset.done $0x0  }
.Ltmp17:
0xdb: {  	[sflag:s15] =	ssyncadd.s32 $0xFFFF1770;
	(pc) =	sbr.rel .LBB2_25-.Ltmp17, $4  }
0xdc: {  	[tilespmem:s14], [sflag:$0x1] =	stream.linear.gather [hbm4b:s3+s22], $0xE890, $0x38;
	[tilespmem:$0x188B0] =	vst v63  }
0xdd: {  	_ =	swait.ge [sflag:s15], $0xE890  }
0xde: {  	[sflag:s15] =	ssyncset.done $0x0  }
0xdf: {  	[sflag:s15] =	ssyncadd.s32 $0xFFFF1770  }
.LBB2_28:
0xe0: {  	_ =	sdelay $0x2  }
0xe1: {  	v4 =	vmax.f32 v5, v4  }
0xe2: {  	[tilespmem:v3+s14+$0x0] =	vst.idx.msk $0xffff, v4  }
.LBB2_24:
0xe3: {  	s22 =	sadd.s32 $0x1, s22  }
0xe4: {  	p0 =	seq.s32 s22, $0x40  }
.Ltmp18:
0xe5: {  	_ = 	snop;
	(pc) =	sbr.rel @p0 .LBB2_29-.Ltmp18, $1  }
0xe6: {  	_ =	sdelay $0x3  }
.LBB2_25:
0xe7: {  	s23 =	sshll.u32 s22, $0x5  }
0xe8: {  	s23 =	sadd.s32 s23, s9  }
0xe9: {  	[tilespmem:s20], [sflag:$0x1] =	stream.strided.gather [hbm4b:s23+s18], $0x1000, s19, s18, $0x38;
	[tilespmem:$0x188B0] =	vst v63  }
0xea: {  	_ =	swait.ge [sflag:s15], $0x1000  }
0xeb: {  	[sflag:s15] =	ssyncset.done $0x0  }
0xec: {  	[sflag:s15] =	ssyncadd.s32 $0xFFFFF000  }
0xed: {  	s24 =	sld [smem:s22+$0x0]  }
0xee: {  	s23 =	sld [smem:s22+$0x1];
	_ =	sdelay $0x2  }
0xef: {  	p0 =	sge.s32 s24, s23  }
.Ltmp19:
0xf0: {  	_ = 	snop;
	(pc) =	sbr.rel @p0 .LBB2_24-.Ltmp19, $1  }
0xf1: {  	_ =	sdelay $0x3  }
0xf2: {  	v3 =	vmov s24;
	_ =	sdelay $0x4  }
0xf3: {  	v4 =	vld.idx.msk [tilespmem:v3+s17+$0x0], $0xffff  }
0xf4: {  	v3 =	vld.idx.msk [tilespmem:v3+s16+$0x0], $0xffff;
	_ =	sdelay $0x4  }
0xf5: {  	v4 =	vadd.s32 v2, v4;
	v3 =	vshll.u32 v3, $0x4  }
0xf6: {  	s24 =	sadd.s32 $0x1, s24;
	v3 =	vor.u32 v0, v3  }
0xf7: {  	p0 =	seq.s32 s23, s24  }
.Ltmp20:
0xf8: {  	_ = 	snop;
	(pc) =	sbr.rel @p0 .LBB2_28-.Ltmp20, $3  }
0xf9: {  	_ = 	snop  }
0xfa: {  	v4 =	vld.idx.msk [tilespmem:v4+s20+$0x0], $0xffff  }
0xfb: {  	v5 =	vld.idx.msk [tilespmem:v3+s14+$0x0], $0xffff;
	_ =	sdelay $0x1  }
.LBB2_27:
0xfc: {  	v6 =	vmov s24  }
0xfd: {  	s24 =	sadd.s32 $0x1, s24  }
0xfe: {  	p0 =	seq.s32 s23, s24  }
0xff: {  	v4 =	vmax.f32 v5, v4  }
0x100: {  	[tilespmem:v3+s14+$0x0] =	vst.idx.msk $0xffff, v4  }
0x101: {  	v3 =	vld.idx.msk [tilespmem:v6+s17+$0x0], $0xffff  }
0x102: {  	v4 =	vld.idx.msk [tilespmem:v6+s16+$0x0], $0xffff;
	_ =	sdelay $0x5  }
0x103: {  	v5 =	vadd.s32 v2, v3;
	v3 =	vshll.u32 v4, $0x4  }
0x104: {  	v3 =	vor.u32 v0, v3  }
.Ltmp21:
0x105: {  	(pc) =	sbr.rel @!p0 .LBB2_27-.Ltmp21, $3  }
0x106: {  	_ =	sdelay $0x1  }
0x107: {  	v4 =	vld.idx.msk [tilespmem:v5+s20+$0x0], $0xffff  }
0x108: {  	v5 =	vld.idx.msk [tilespmem:v3+s14+$0x0], $0xffff  }
.Ltmp22:
0x109: {  	_ = 	snop;
	(pc) =	sbr.rel .LBB2_28-.Ltmp22, $1  }
0x10a: {  	_ =	sdelay $0x3  }
.LBB2_29:
0x10b: {  	s22 =	simm.s32 $0x0  }
0x10c: {  	v3 =	vor.u32 s22, v0;
	_ =	sdelay $0x4  }
0x10d: {  	v4 =	vld.idx.msk [tilespmem:v3+s14+$0x0], $0xffff;
	_ =	sdelay $0x1  }
0x10e: {  	s23 =	simm.s32 $0x10;
	s22 =	simm.s32 $0x2  }
.LBB2_30:
0x10f: {  	p0 =	sne.s32 s22, $0xE88;
	v5 =	vor.u32 s23, v0;
	_ =	sdelay $0x1  }
0x110: {  	vm0 =	veq.f32 v4, $-1.000000030e+16  }
0x111: {  	v4 =	vsel vm0, $0x0, v4  }
.Ltmp23:
0x112: {  	[tilespmem:v3+s14+$0x0] =	vst.idx.msk $0xffff, v4;
	v3 =	vmov v5;
	(pc) =	sbr.rel @p0 .LBB2_30-.Ltmp23, $2  }
0x113: {  	v4 =	vld.idx.msk [tilespmem:v5+s14+$0x0], $0xffff;
	_ =	sdelay $0x2  }
0x114: {  	s23 =	sshll.u32 s22, $0x4;
	s22 =	sadd.s32 $0x1, s22  }
0x115: {  	v5 =	vor.u32 s23, v0;
	_ =	sdelay $0x1  }
0x116: {  	vm0 =	veq.f32 v4, $-1.000000030e+16  }
0x117: {  	v4 =	vsel vm0, $0x0, v4  }
0x118: {  	[tilespmem:v3+s14+$0x0] =	vst.idx.msk $0xffff, v4  }
0x119: {  	v3 =	vld.idx.msk [tilespmem:v5+s14+$0x0], $0xffff;
	_ =	sdelay $0x4  }
0x11a: {  	vm15 =	veq.f32 v3, $-1.000000030e+16  }
0x11b: {  	v3 =	vsel vm15, $0x0, v3  }
0x11c: {  	s22 =	simm.s32 $0x0;
	[tilespmem:v5+s14+$0x0] =	vst.idx.msk $0xffff, v3  }
0x11d: {  	[hbm4b:s10+s22] =	stream.linear.scatter [tilespmem:s14], [sflag:$0x1], $0xE890, $0x38;
	[tilespmem:$0x188B0] =	vst v63  }
0x11e: {  	_ =	swait.ge [sflag:s15], $0xE890  }
0x11f: {  	[sflag:s15] =	ssyncset.done $0x0  }
.Ltmp24:
0x120: {  	[sflag:s15] =	ssyncadd.s32 $0xFFFF1770;
	(pc) =	sbr.rel .LBB2_33-.Ltmp24, $4  }
0x121: {  	[tilespmem:s14], [sflag:$0x1] =	stream.linear.gather [hbm4b:s3+s22], $0xE890, $0x38;
	[tilespmem:$0x188B0] =	vst v63  }
0x122: {  	_ =	swait.ge [sflag:s15], $0xE890  }
0x123: {  	[sflag:s15] =	ssyncset.done $0x0  }
0x124: {  	[sflag:s15] =	ssyncadd.s32 $0xFFFF1770  }
.LBB2_36:
0x125: {  	_ =	sdelay $0x2  }
0x126: {  	v4 =	vmax.f32 v5, v4  }
0x127: {  	[tilespmem:v3+s14+$0x0] =	vst.idx.msk $0xffff, v4  }
.LBB2_32:
0x128: {  	s22 =	sadd.s32 $0x1, s22  }
0x129: {  	p0 =	seq.s32 s22, $0x40  }
.Ltmp25:
0x12a: {  	_ = 	snop;
	(pc) =	sbr.rel @p0 .LBB2_37-.Ltmp25, $1  }
0x12b: {  	_ =	sdelay $0x3  }
.LBB2_33:
0x12c: {  	s23 =	sshll.u32 s22, $0x5  }
0x12d: {  	s23 =	sadd.s32 s23, s11  }
0x12e: {  	[tilespmem:s20], [sflag:$0x1] =	stream.strided.gather [hbm4b:s23+s18], $0x1000, s19, s18, $0x38;
	[tilespmem:$0x188B0] =	vst v63  }
0x12f: {  	_ =	swait.ge [sflag:s15], $0x1000  }
0x130: {  	[sflag:s15] =	ssyncset.done $0x0  }
0x131: {  	[sflag:s15] =	ssyncadd.s32 $0xFFFFF000  }
0x132: {  	s24 =	sld [smem:s22+$0x0]  }
0x133: {  	s23 =	sld [smem:s22+$0x1];
	_ =	sdelay $0x2  }
0x134: {  	p0 =	sge.s32 s24, s23  }
.Ltmp26:
0x135: {  	_ = 	snop;
	(pc) =	sbr.rel @p0 .LBB2_32-.Ltmp26, $1  }
0x136: {  	_ =	sdelay $0x3  }
0x137: {  	v3 =	vmov s24;
	_ =	sdelay $0x4  }
0x138: {  	v4 =	vld.idx.msk [tilespmem:v3+s17+$0x0], $0xffff  }
0x139: {  	v3 =	vld.idx.msk [tilespmem:v3+s16+$0x0], $0xffff;
	_ =	sdelay $0x4  }
0x13a: {  	v4 =	vadd.s32 v2, v4;
	v3 =	vshll.u32 v3, $0x4  }
0x13b: {  	s24 =	sadd.s32 $0x1, s24;
	v3 =	vor.u32 v0, v3  }
0x13c: {  	p0 =	seq.s32 s23, s24  }
.Ltmp27:
0x13d: {  	_ = 	snop;
	(pc) =	sbr.rel @p0 .LBB2_36-.Ltmp27, $3  }
0x13e: {  	_ = 	snop  }
0x13f: {  	v4 =	vld.idx.msk [tilespmem:v4+s20+$0x0], $0xffff  }
0x140: {  	v5 =	vld.idx.msk [tilespmem:v3+s14+$0x0], $0xffff;
	_ =	sdelay $0x1  }
.LBB2_35:
0x141: {  	v6 =	vmov s24  }
0x142: {  	s24 =	sadd.s32 $0x1, s24  }
0x143: {  	p0 =	seq.s32 s23, s24  }
0x144: {  	v4 =	vmax.f32 v5, v4  }
0x145: {  	[tilespmem:v3+s14+$0x0] =	vst.idx.msk $0xffff, v4  }
0x146: {  	v3 =	vld.idx.msk [tilespmem:v6+s17+$0x0], $0xffff  }
0x147: {  	v4 =	vld.idx.msk [tilespmem:v6+s16+$0x0], $0xffff;
	_ =	sdelay $0x5  }
0x148: {  	v5 =	vadd.s32 v2, v3;
	v3 =	vshll.u32 v4, $0x4  }
0x149: {  	v3 =	vor.u32 v0, v3  }
.Ltmp28:
0x14a: {  	(pc) =	sbr.rel @!p0 .LBB2_35-.Ltmp28, $3  }
0x14b: {  	_ =	sdelay $0x1  }
0x14c: {  	v4 =	vld.idx.msk [tilespmem:v5+s20+$0x0], $0xffff  }
0x14d: {  	v5 =	vld.idx.msk [tilespmem:v3+s14+$0x0], $0xffff  }
.Ltmp29:
0x14e: {  	_ = 	snop;
	(pc) =	sbr.rel .LBB2_36-.Ltmp29, $1  }
0x14f: {  	_ =	sdelay $0x3  }
.LBB2_37:
0x150: {  	s22 =	simm.s32 $0x0  }
0x151: {  	v3 =	vor.u32 s22, v0;
	_ =	sdelay $0x4  }
0x152: {  	v4 =	vld.idx.msk [tilespmem:v3+s14+$0x0], $0xffff;
	_ =	sdelay $0x1  }
0x153: {  	s23 =	simm.s32 $0x10;
	s22 =	simm.s32 $0x2  }
.LBB2_38:
0x154: {  	p0 =	sne.s32 s22, $0xE88;
	v5 =	vor.u32 s23, v0;
	_ =	sdelay $0x1  }
0x155: {  	vm0 =	veq.f32 v4, $-1.000000030e+16  }
0x156: {  	v4 =	vsel vm0, $0x0, v4  }
.Ltmp30:
0x157: {  	[tilespmem:v3+s14+$0x0] =	vst.idx.msk $0xffff, v4;
	v3 =	vmov v5;
	(pc) =	sbr.rel @p0 .LBB2_38-.Ltmp30, $2  }
0x158: {  	v4 =	vld.idx.msk [tilespmem:v5+s14+$0x0], $0xffff;
	_ =	sdelay $0x2  }
0x159: {  	s23 =	sshll.u32 s22, $0x4;
	s22 =	sadd.s32 $0x1, s22  }
0x15a: {  	v5 =	vor.u32 s23, v0;
	_ =	sdelay $0x1  }
0x15b: {  	vm0 =	veq.f32 v4, $-1.000000030e+16  }
0x15c: {  	v4 =	vsel vm0, $0x0, v4  }
0x15d: {  	[tilespmem:v3+s14+$0x0] =	vst.idx.msk $0xffff, v4  }
0x15e: {  	v3 =	vld.idx.msk [tilespmem:v5+s14+$0x0], $0xffff;
	_ =	sdelay $0x4  }
0x15f: {  	s21 =	sadd.s32 $0x1, s21;
	vm15 =	veq.f32 v3, $-1.000000030e+16  }
0x160: {  	p0 =	sne.s32 s21, s13;
	v3 =	vsel vm15, $0x0, v3  }
.Ltmp31:
0x161: {  	[tilespmem:v5+s14+$0x0] =	vst.idx.msk $0xffff, v3;
	(pc) =	sbr.rel @p0 .LBB2_1-.Ltmp31, $4  }
0x162: {  	[hbm4b:s12+s2] =	stream.linear.scatter [tilespmem:s14], [sflag:$0x1], $0xE890, $0x38;
	[tilespmem:$0x188B0] =	vst v63  }
0x163: {  	_ =	swait.ge [sflag:s15], $0xE890  }
0x164: {  	[sflag:s15] =	ssyncset.done $0x0  }
0x165: {  	[sflag:s15] =	ssyncadd.s32 $0xFFFF1770  }
0x166: {  	_ =	sfence.sel $0x180000  }
0x167: {  	[bflag:$0x0] =	sbarrier.arrive $0xFFFF  }
0x168: {  	p0 =	sne.s32 s0, $0x0;
	_ =	strace $0x90000047  }
0x169: {  	s0 =	sadd.s32 @!p0 $0x100000, s1;
	[bflag:$0x2] =	sbarrier.arrive $0xFFFF  }
0x16a: {  	[sflag:s0] =	ssyncadd.tile.s32 @!p0 $0x1;
	_ =	shalt  }
.Lfunc_end2:
_tile_overlayer_lowered:
.L_overlay_start_2:
0x16b: {  	(tag) =	ssettag $0x2  }
0x16c: {  	s0 =	rddreg [dreg:$0x0];
	s2 =	stileid.u32  }
0x16d: {  	s1 =	rddreg [dreg:$0x1];
	p0 =	sne.s32 s2, $0x0  }
0x16e: {  	s3 =	rddreg [dreg:$0x2];
	[bflag:$0x3] =	sbarrier.arrive $0xFFFF;
	s2 =	simm.s32 @!p0 $0x1C01  }
0x16f: {  	[timem:s3], [sflag:s2] =	dma.local @!p0 [hbm:s0], s1  }
0x170: {  	s0 =	simm.s32 @!p0 $0x1  }
0x171: {  	_ =	swait.ge @!p0 [sflag:s0], s1  }
0x172: {  	s1 =	ssub.s32 @!p0 $0x0, s1;
	[sflag:s0] =	ssyncset.done @!p0 $0x0  }
0x173: {  	[sflag:s0] =	ssyncadd.s32 @!p0 s1  }
0x174: {  	[bflag:$0x3] =	sbarrier.arrive $0xFFFF  }
0x175: {  	_ =	shalt  }

// kernel: kernel.8.cloned.1.call-start
scs
__scs_entry_jumppad:
0x0: {  	(pc) =	sbr.rel $0x88, $3  }
0x1: {  	(tag) =	ssettag $0x0;
	lr =	simm.s32 $0x1  }
0x2: {  	[smem:$0x3F9E] =	sst lr;
	_ =	strace $0xD0000000  }
0x3: {  	_ = 	snop  }
0x4: {  	_ = 	snop  }
0x5: {  	_ = 	snop  }
0x6: {  	_ = 	snop  }
0x7: {  	_ = 	snop  }
__scs_overlays_trampoline_lowered:
0x8: {  	[smem:$0x3FAD] =	sst s0  }
0x9: {  	[smem:$0x3FAE] =	sst s1  }
0xa: {  	[smem:$0x3FAF] =	sst s2  }
0xb: {  	[smem:$0x3FB0] =	sst s3  }
0xc: {  	[smem:$0x3FB1] =	sst s4  }
0xd: {  	[smem:$0x3FB2] =	sst s5  }
0xe: {  	[smem:$0x3FB3] =	sst s6  }
0xf: {  	[smem:$0x3FB4] =	sst s7  }
0x10: {  	[smem:$0x3FB5] =	sst s8  }
0x11: {  	[smem:$0x3FB6] =	sst s9;
	s0 =	simm.s32 @!p0 $0x0  }
0x12: {  	s1 =	sld [smem:$0x3F9C];
	s0 =	simm.s32 @p0 $0x1  }
0x13: {  	[smem:$0x3FB7] =	sst s0;
	s0 =	simm.s32 @!p1 $0x0  }
0x14: {  	s2 =	sld [smem:$0x3F9B];
	s0 =	simm.s32 @p1 $0x1  }
0x15: {  	[smem:$0x3FB8] =	sst s0;
	s0 =	simm.s32 @!p2 $0x0  }
0x16: {  	s3 =	sld [smem:$0x3FDB];
	s0 =	simm.s32 @p2 $0x1  }
0x17: {  	s4 =	simm.s32 $0x1BF5;
	[smem:$0x3FBA] =	sst s0  }
0x18: {  	s0 =	sld [smem:$0x3F9D];
	_ =	swait.ge [sflag:s4], $0x0  }
0x19: {  	s7 =	sld [smem:$0x3F9E]  }
0x1a: {  	s8 =	sadd.s32 $0xFFFFE003, lr  }
0x1b: {  	s9 =	sadd.s32 $0xFFFFFEF7, lr;
	s5 =	simm.s32 $0xFFFFFFFF;
	p2 =	slt.u32 s8, $0xFFFFF086  }
0x1c: {  	p1 =	slt.u32 s9, $0xF7A;
	s5 =	simm.s32 @!p2 $0x0  }
0x1d: {  	s5 =	simm.s32 @p1 $0x1;
	p0 =	seq.s32 s7, s2  }
0x1e: {  	s7 =	smul.u32 @!p0 $0xF7A, s2;
	p2 =	seq.s32 @!p0 s5, $0x0  }
0x1f: {  	s9 =	smul.u32 $0xF7A, s1;
	s8 =	simm.s32 @!p0 $0x1BF5;
	p2 =	por !p2, p0  }
0x20: {  	[sflag:s8] =	ssyncset.s32 @!p0 $0xFFFFF086;
	s6 =	sadd.s32 @!p0 s3, s7;
	s7 =	simm.s32 @!p0 $0x108  }
0x21: {  	s3 =	sadd.s32 s3, s9;
	s6 =	sadd.s32 @!p0 $0x88, s6;
	s7 =	simm.s32 @p2 $0x1082  }
0x22: {  	[simem:s7], [sflag:s8] =	dma.local @!p0 [hbm:s6], $0xF7A  }
0x23: {  	s9 =	sor.u32 $0xD0000000, s2;
	s6 =	simm.s32 $0x108;
	_ =	swait.ge @!p0 [sflag:s8], $0x0  }
0x24: {  	s3 =	sadd.s32 $0x88, s3;
	s6 =	simm.s32 @!p1 $0x1082;
	[sflag:s4] =	ssyncset.s32 $0xFFFFF086  }
0x25: {  	[simem:s6], [sflag:s4] =	dma.local [hbm:s3], $0xF7A  }
0x26: {  	[smem:$0x3F9E] =	sst s1;
	(tag) =	ssettag s2;
	_ =	strace s9  }
0x27: {  	s1 =	sld [smem:$0x3FAE]  }
0x28: {  	s2 =	sld [smem:$0x3FAF]  }
0x29: {  	s4 =	sld [smem:$0x3FB1]  }
0x2a: {  	p0 =	seq.s32 s5, $0x0;
	s5 =	sld [smem:$0x3FB2]  }
0x2b: {  	s6 =	sld [smem:$0x3FB3]  }
0x2c: {  	s7 =	sld [smem:$0x3FB4]  }
0x2d: {  	s3 =	simm.s32 $0x108;
	s8 =	sld [smem:$0x3FB5]  }
0x2e: {  	s3 =	simm.s32 @!p0 $0x1082;
	s9 =	sld [smem:$0x3FB6]  }
0x2f: {  	lr =	sadd.s32 s0, s3;
	s0 =	sld [smem:$0x3FAD]  }
0x30: {  	s3 =	sld [smem:$0x3FB0]  }
0x31: {  	[smem:$0x3FB9] =	sst s10  }
0x32: {  	s10 =	sld [smem:$0x3FB7];
	_ =	sdelay $0x3  }
0x33: {  	p0 =	seq.s32 s10, $0x1;
	s10 =	sld [smem:$0x3FB9];
	_ =	sdelay $0x3  }
0x34: {  	[smem:$0x3FB9] =	sst s10  }
0x35: {  	s10 =	sld [smem:$0x3FB8];
	_ =	sdelay $0x3  }
0x36: {  	p1 =	seq.s32 s10, $0x1;
	s10 =	sld [smem:$0x3FB9];
	_ =	sdelay $0x3  }
0x37: {  	[smem:$0x3FB9] =	sst s10  }
0x38: {  	s10 =	sld [smem:$0x3FBA]  }
0x39: {  	_ = 	snop;
	(pc) =	sbr.ind lr, $3  }
0x3a: {  	_ = 	snop  }
0x3b: {  	_ = 	snop  }
0x3c: {  	p2 =	seq.s32 s10, $0x1;
	s10 =	sld [smem:$0x3FB9]  }
0x3d: {  	_ =	shalt  }
0x3e: {  	_ =	shalt  }
0x3f: {  	_ =	shalt  }
0x40: {  	_ =	shalt  }
0x41: {  	_ =	shalt  }
0x42: {  	_ =	shalt  }
0x43: {  	_ =	shalt  }
0x44: {  	_ =	shalt  }
0x45: {  	_ =	shalt  }
0x46: {  	_ =	shalt  }
0x47: {  	_ =	shalt  }
0x48: {  	_ =	shalt  }
0x49: {  	_ =	shalt  }
0x4a: {  	_ =	shalt  }
0x4b: {  	_ =	shalt  }
0x4c: {  	_ =	shalt  }
0x4d: {  	_ =	shalt  }
0x4e: {  	_ =	shalt  }
0x4f: {  	_ =	shalt  }
0x50: {  	_ =	shalt  }
0x51: {  	_ =	shalt  }
0x52: {  	_ =	shalt  }
0x53: {  	_ =	shalt  }
0x54: {  	_ =	shalt  }
0x55: {  	_ =	shalt  }
0x56: {  	_ =	shalt  }
0x57: {  	_ =	shalt  }
0x58: {  	_ =	shalt  }
0x59: {  	_ =	shalt  }
0x5a: {  	_ =	shalt  }
0x5b: {  	_ =	shalt  }
0x5c: {  	_ =	shalt  }
0x5d: {  	_ =	shalt  }
0x5e: {  	_ =	shalt  }
0x5f: {  	_ =	shalt  }
0x60: {  	_ =	shalt  }
0x61: {  	_ =	shalt  }
0x62: {  	_ =	shalt  }
0x63: {  	_ =	shalt  }
0x64: {  	_ =	shalt  }
0x65: {  	_ =	shalt  }
0x66: {  	_ =	shalt  }
0x67: {  	_ =	shalt  }
0x68: {  	_ =	shalt  }
0x69: {  	_ =	shalt  }
0x6a: {  	_ =	shalt  }
0x6b: {  	_ =	shalt  }
0x6c: {  	_ =	shalt  }
0x6d: {  	_ =	shalt  }
0x6e: {  	_ =	shalt  }
0x6f: {  	_ =	shalt  }
0x70: {  	_ =	shalt  }
0x71: {  	_ =	shalt  }
0x72: {  	_ =	shalt  }
0x73: {  	_ =	shalt  }
0x74: {  	_ =	shalt  }
0x75: {  	_ =	shalt  }
0x76: {  	_ =	shalt  }
0x77: {  	_ =	shalt  }
0x78: {  	_ =	shalt  }
0x79: {  	_ =	shalt  }
0x7a: {  	_ =	shalt  }
0x7b: {  	_ =	shalt  }
0x7c: {  	_ =	shalt  }
0x7d: {  	_ =	shalt  }
0x7e: {  	_ =	shalt  }
0x7f: {  	_ =	shalt  }
0x80: {  	_ =	shalt  }
0x81: {  	_ =	shalt  }
0x82: {  	_ =	shalt  }
0x83: {  	_ =	shalt  }
0x84: {  	_ =	shalt  }
0x85: {  	_ =	shalt  }
0x86: {  	_ =	shalt  }
0x87: {  	_ =	shalt  }
.Lfunc_end0:
.L_simem_size_0:
called_computation.1_lowered:
.L_overlay_start_0:
0x88: {  	s2 =	sld [smem:$0x3FD9]  }
0x89: {  	s3 =	sld [smem:$0x3FFE];
	_ =	sdelay $0x1  }
0x8a: {  	s1 =	srdreg.scid  }
0x8b: {  	s0 =	sand.u32 $0x1, s1  }
0x8c: {  	s17 =	sshll.u32 s0, $0xA;
	s2 =	sadd.s32 s3, s2  }
0x8d: {  	s2 =	sadd.s32 s2, s17  }
0x8e: {  	[smem:$0x3FC5] =	sst s2  }
0x8f: {  	_ = 	snop  }
0x90: {  	s2 =	sld [smem:$0x3FD0];
	(tm) =	ssettm $0x1  }
0x91: {  	s18 =	sld [smem:$0x3FFB];
	_ =	sdelay $0x3  }
0x92: {  	_ =	strace s18  }
0x93: {  	s3 =	sld [smem:$0x3FFC];
	_ =	sdelay $0x3  }
0x94: {  	_ =	strace s3  }
0x95: {  	s3 =	sld [smem:$0x3FFD];
	_ =	sdelay $0x3  }
0x96: {  	_ =	strace s3  }
0x97: {  	_ =	strace $0x8FFFFFFF  }
0x98: {  	s19 =	sld [smem:$0x3FDB];
	_ =	sdelay $0x1  }
0x99: {  	s4 =	simm.s32 $_scs_section_size  }
0x9a: {  	s5 =	simm.s32 $_size__tile_overlayer_lowered;
	s6 =	simm.s32 $_tile_overlayer_lowered  }
0x9b: {  	s22 =	simm.s32 $0x1BFF;
	s21 =	sshll.u32 s6, $0x1;
	s3 =	sadd.s32 s4, s19  }
0x9c: {  	s7 =	simm.s32 $0x0;
	s20 =	sshll.u32 s5, $0x1;
	s5 =	sadd.s32 s21, s3  }
0x9d: {  	[timem:s7], [sflag:s22] =	dma.local [hbm:s5], s20  }
0x9e: {  	_ =	swait.ge [sflag:s22], s20  }
0x9f: {  	s4 =	ssub.s32 $0x0, s20;
	[sflag:s22] =	ssyncset.done $0x0  }
0xa0: {  	[sflag:s22] =	ssyncadd.s32 s4;
	_ =	sdelay $0x1  }
0xa1: {  	s23 =	simm.s32 $0x1B8B  }
0xa2: {  	_ =	swait.ge [sflag:s23], $0x1  }
0xa3: {  	[sflag:s23] =	ssyncset.done $0x0  }
0xa4: {  	s25 =	simm.s32 $0x1B8E;
	s24 =	sld [smem:$0x3FFE];
	[sflag:s23] =	ssyncadd.s32 $0xFFFFFFFF  }
0xa5: {  	s26 =	simm.s32 $execute0_lowered;
	[smem:$0x3FD2] =	sst s25  }
0xa6: {  	s5 =	sshll.u32 s26, $0x1;
	_ =	strace $0x80000049;
	[dreg:$0x1] =	wrdreg $0xFFFFFFFF  }
0xa7: {  	s28 =	simm.s32 $_size_execute0_lowered;
	s3 =	sadd.s32 s3, s5;
	[dreg:$0x0] =	wrdreg $0x0  }
0xa8: {  	s5 =	sshll.u32 s28, $0x1;
	[dreg:$0x2] =	wrdreg s3  }
0xa9: {  	[dreg:$0x3] =	wrdreg s5  }
0xaa: {  	[dreg:$0x4] =	wrdreg $0xC0  }
0xab: {  	_ =	task [dreg:s7], $0x5FFFF  }
0xac: {  	[dreg:$0x1] =	wrdreg $0xFFFFFFFF  }
0xad: {  	[dreg:$0x0] =	wrdreg $0x60  }
0xae: {  	[dreg:$0x2] =	wrdreg s24  }
0xaf: {  	[dreg:$0x3] =	wrdreg s2  }
0xb0: {  	[dreg:$0x4] =	wrdreg $0x9  }
0xb1: {  	_ =	task.clear_ibuf [dreg:s7], $0x5FFFF;
	_ =	strace $0x90000049  }
0xb2: {  	s29 =	simm.s32 $0x9;
	_ =	strace $0x8000004B  }
0xb3: {  	_ =	swait.ge [sflag:s29], $0x1  }
0xb4: {  	[sflag:s29] =	ssyncadd.s32 $0xFFFFFFFF  }
0xb5: {  	_ =	strace $0x9000004B  }
0xb6: {  	_ =	sfence  }
0xb7: {  	s30 =	sld [smem:$0x0];
	_ =	sdelay $0x2  }
0xb8: {  	s31 =	sshll.u32 s1, $0xD;
	s1 =	sshrl.u32 s1, $0x2  }
0xb9: {  	s3 =	sand.u32 $0x4000, s31;
	s1 =	sadd.s32 s1, s30  }
0xba: {  	s0 =	sor.u32 s3, s0;
	s1 =	sshll.u32 s1, $0x11  }
0xbb: {  	s0 =	sor.u32 s1, s0  }
0xbc: {  	s0 =	sadd.s32 $0x8F2B, s0  }
0xbd: {  	[sflag:s0] =	ssyncadd.remote.s32 $0x1  }
0xbe: {  	_ =	sfence.sel $0xFFFF  }
0xbf: {  	[dreg:$0x0] =	wrdreg $0xFFFFFFFF;
	(pc) =	sbr.abs _section_cstart, $3  }
0xc0: {  	[dreg:$0x1] =	wrdreg $0xFFFFFFFF  }
0xc1: {  	_ =	task.clear_ibuf [dreg:s7], $0x2FFFF;
	_ =	strace $0x9FFFFFFF  }
0xc2: {  	(tm) =	ssettm $0x7FFFFFFF  }
0xc3: {  	_ =	shalt  }
tec
execute0_lowered:
.L_overlay_start_1:
0x0: {  	(tag) =	ssettag $0x1  }
0x1: {  	s0 =	srdreg.scid  }
0x2: {  	s1 =	rddreg [dreg:$0x0];
	s3 =	stileid.u32  }
0x3: {  	s23 =	simm.s32 $0x0;
	s13 =	simm.s32 $0x2;
	s14 =	simm.s32 $0x200  }
0x4: {  	s15 =	simm.s32 $0x80;
	s17 =	simm.s32 $0x100;
	s19 =	simm.s32 $0x180  }
0x5: {  	s21 =	simm.s32 $0x400;
	s30 =	simm.s32 $0x4400;
	s31 =	simm.s32 $0x4C00  }
0x6: {  	s12 =	simm.s32 $0x6400;
	s16 =	simm.s32 $0x7C00;
	s0 =	sand.u32 $0x1, s0  }
0x7: {  	s20 =	simm.s32 $0x8400;
	s22 =	simm.s32 $0xF00;
	s2 =	sshll.u32 s0, $0x4  }
0x8: {  	v0 =	vlaneseq.u32;
	[smem:$0x7FF] =	sst s23;
	s0 =	ssub.s32 $0x2, s0;
	s2 =	sor.u32 s3, s2  }
0x9: {  	s4 =	sadd.s32 $0x11200, s1;
	v1 =	vor.u32 $0x2000, v0;
	s6 =	sshrl.u32 s0, $0x1;
	s3 =	smul.u32 $0x3A240, s2  }
0xa: {  	s5 =	sadd.s32 $0x1200, s1;
	v2 =	vor.u32 $0x4000, v0;
	v3 =	vor.u32 $0x6000, v0;
	v4 =	vmul.u32 $0x80, v0;
	s0 =	ssub.s32 s0, s6;
	s6 =	smul.u32 $0x3C00, s2  }
0xb: {  	s18 =	simm.s32 $0x1;
	v5 =	vor.u32 $0x800, v0;
	v6 =	vor.u32 $0x2800, v0;
	v7 =	vor.u32 $0x4800, v0;
	_ =	strace $0x8000004A;
	s11 =	smul.u32 $0x3C000, s2  }
0xc: {  	v8 =	vor.u32 $0x6800, v0;
	v10 =	vor.u32 $0x1000, v0;
	v11 =	vor.u32 $0x3000, v0;
	s2 =	simm.s32 $0x7400;
	s0 =	smax.u32 s0, $0x1;
	s3 =	sshrl.u32 s3, $0x3  }
0xd: {  	v12 =	vor.u32 $0x5000, v0;
	v13 =	vor.u32 $0x7000, v0;
	v15 =	vor.u32 $0x1800, v0;
	[dreg:$0x4] =	wrdreg s0;
	s0 =	simm.s32 $0x5C00;
	s3 =	sadd.s32 s3, s1  }
0xe: {  	v16 =	vor.u32 $0x3800, v0;
	v17 =	vor.u32 $0x5800, v0;
	v18 =	vor.u32 $0x7800, v0;
	s1 =	simm.s32 $0x5400;
	s7 =	sadd.s32 $0x23000, s3;
	s8 =	sadd.s32 $0x24D12, s3  }
0xf: {  	v9 =	vor.u32 $0x800, v4;
	v14 =	vor.u32 $0x1000, v4;
	v19 =	vor.u32 $0x1800, v4;
	s9 =	sadd.s32 $0x26A24, s3;
	s10 =	sadd.s32 $0x28736, s3;
	s3 =	simm.s32 $0x6C00  }
.LBB2_1:
0x10: {  	[dreg:$0x3] =	wrdreg s23;
	s23 =	simm.s32 $0x0  }
.LBB2_2:
0x11: {  	s24 =	sshll.u32 s23, $0x7  }
0x12: {  	s25 =	sadd.s32 s6, s24  }
0x13: {  	s26 =	sshrl.u32 s25, $0x3  }
0x14: {  	s25 =	simm.s32 $0x0;
	s28 =	sadd.s32 s5, s26  }
0x15: {  	[tilespmem:s25], [sflag:$0x2] =	stream.linear.gather [hbm4b:s28+s25], $0x80, $0x38;
	[tilespmem:$0xA400] =	vst v63  }
0x16: {  	_ =	swait.ge [sflag:s13], $0x80  }
0x17: {  	[sflag:s13] =	ssyncset.done $0x0  }
0x18: {  	s29 =	sadd.s32 s4, s26;
	[sflag:s13] =	ssyncadd.s32 $0xFFFFFF80  }
0x19: {  	[tilespmem:s14], [sflag:$0x2] =	stream.linear.gather [hbm4b:s29+s25], $0x80, $0x38;
	[tilespmem:$0xA400] =	vst v63  }
0x1a: {  	_ =	swait.ge [sflag:s13], $0x80  }
0x1b: {  	s28 =	sadd.s32 $0x1E0, s26;
	[sflag:s13] =	ssyncset.done $0x0  }
0x1c: {  	s29 =	sadd.s32 s5, s28;
	[sflag:s13] =	ssyncadd.s32 $0xFFFFFF80  }
0x1d: {  	[tilespmem:s15], [sflag:$0x2] =	stream.linear.gather [hbm4b:s29+s25], $0x80, $0x38;
	[tilespmem:$0xA400] =	vst v63  }
0x1e: {  	_ =	swait.ge [sflag:s13], $0x80  }
0x1f: {  	[sflag:s13] =	ssyncset.done $0x0  }
0x20: {  	s28 =	sadd.s32 s4, s28;
	s29 =	simm.s32 $0x280;
	[sflag:s13] =	ssyncadd.s32 $0xFFFFFF80  }
0x21: {  	[tilespmem:s29], [sflag:$0x2] =	stream.linear.gather [hbm4b:s28+s25], $0x80, $0x38;
	[tilespmem:$0xA400] =	vst v63  }
0x22: {  	_ =	swait.ge [sflag:s13], $0x80  }
0x23: {  	s28 =	sadd.s32 $0x3C0, s26;
	[sflag:s13] =	ssyncset.done $0x0  }
0x24: {  	s29 =	sadd.s32 s5, s28;
	[sflag:s13] =	ssyncadd.s32 $0xFFFFFF80  }
0x25: {  	[tilespmem:s17], [sflag:$0x2] =	stream.linear.gather [hbm4b:s29+s25], $0x80, $0x38;
	[tilespmem:$0xA400] =	vst v63  }
0x26: {  	_ =	swait.ge [sflag:s13], $0x80  }
0x27: {  	[sflag:s13] =	ssyncset.done $0x0  }
0x28: {  	s28 =	sadd.s32 s4, s28;
	s29 =	simm.s32 $0x300;
	[sflag:s13] =	ssyncadd.s32 $0xFFFFFF80  }
0x29: {  	[tilespmem:s29], [sflag:$0x2] =	stream.linear.gather [hbm4b:s28+s25], $0x80, $0x38;
	[tilespmem:$0xA400] =	vst v63  }
0x2a: {  	_ =	swait.ge [sflag:s13], $0x80  }
0x2b: {  	s26 =	sadd.s32 $0x5A0, s26;
	[sflag:s13] =	ssyncset.done $0x0  }
0x2c: {  	s29 =	sadd.s32 s5, s26;
	[sflag:s13] =	ssyncadd.s32 $0xFFFFFF80  }
0x2d: {  	[tilespmem:s19], [sflag:$0x2] =	stream.linear.gather [hbm4b:s29+s25], $0x80, $0x38;
	[tilespmem:$0xA400] =	vst v63  }
0x2e: {  	_ =	swait.ge [sflag:s13], $0x80  }
0x2f: {  	[sflag:s13] =	ssyncset.done $0x0  }
0x30: {  	s26 =	sadd.s32 s4, s26;
	s29 =	simm.s32 $0x380;
	[sflag:s13] =	ssyncadd.s32 $0xFFFFFF80  }
0x31: {  	[tilespmem:s29], [sflag:$0x2] =	stream.linear.gather [hbm4b:s26+s25], $0x80, $0x38;
	[tilespmem:$0xA400] =	vst v63  }
0x32: {  	_ =	swait.ge [sflag:s13], $0x80  }
0x33: {  	[sflag:s13] =	ssyncset.done $0x0  }
0x34: {  	[sflag:s13] =	ssyncadd.s32 $0xFFFFFF80  }
0x35: {  	[tilespmem:s21], [sflag:$0x1] =	stream.indirect.gather [hbm4b:s7+s15], $0x10, s25, s15, $0xb8;
	[tilespmem:$0xA400] =	vst v63  }
0x36: {  	s28 =	simm.s32 $0xC00  }
0x37: {  	[tilespmem:s28], [sflag:$0x1] =	stream.indirect.gather [hbm4b:s8+s15], $0x10, s25, s15, $0xb8;
	[tilespmem:$0xA400] =	vst v63  }
0x38: {  	s29 =	simm.s32 $0x1400  }
0x39: {  	[tilespmem:s29], [sflag:$0x1] =	stream.indirect.gather [hbm4b:s9+s15], $0x10, s25, s15, $0xb8;
	[tilespmem:$0xA400] =	vst v63  }
0x3a: {  	s28 =	simm.s32 $0x1C00  }
0x3b: {  	[tilespmem:s28], [sflag:$0x1] =	stream.indirect.gather [hbm4b:s10+s15], $0x10, s25, s15, $0xb8;
	[tilespmem:$0xA400] =	vst v63  }
0x3c: {  	s29 =	simm.s32 $0x2400  }
0x3d: {  	[tilespmem:s29], [sflag:$0x1] =	stream.indirect.gather [hbm4b:s7+s15], $0x10, s15, s15, $0xb8;
	[tilespmem:$0xA400] =	vst v63  }
0x3e: {  	s28 =	simm.s32 $0x2C00  }
0x3f: {  	[tilespmem:s28], [sflag:$0x1] =	stream.indirect.gather [hbm4b:s8+s15], $0x10, s15, s15, $0xb8;
	[tilespmem:$0xA400] =	vst v63  }
0x40: {  	s29 =	simm.s32 $0x3400  }
0x41: {  	[tilespmem:s29], [sflag:$0x1] =	stream.indirect.gather [hbm4b:s9+s15], $0x10, s15, s15, $0xb8;
	[tilespmem:$0xA400] =	vst v63  }
0x42: {  	s28 =	simm.s32 $0x3C00  }
0x43: {  	[tilespmem:s28], [sflag:$0x1] =	stream.indirect.gather [hbm4b:s10+s15], $0x10, s15, s15, $0xb8;
	[tilespmem:$0xA400] =	vst v63  }
0x44: {  	_ = 	snop  }
0x45: {  	[tilespmem:s30], [sflag:$0x1] =	stream.indirect.gather [hbm4b:s7+s15], $0x10, s17, s15, $0xb8;
	[tilespmem:$0xA400] =	vst v63  }
0x46: {  	_ = 	snop  }
0x47: {  	[tilespmem:s31], [sflag:$0x1] =	stream.indirect.gather [hbm4b:s8+s15], $0x10, s17, s15, $0xb8;
	[tilespmem:$0xA400] =	vst v63  }
0x48: {  	_ = 	snop  }
0x49: {  	[tilespmem:s1], [sflag:$0x1] =	stream.indirect.gather [hbm4b:s9+s15], $0x10, s17, s15, $0xb8;
	[tilespmem:$0xA400] =	vst v63  }
0x4a: {  	_ = 	snop  }
0x4b: {  	[tilespmem:s0], [sflag:$0x1] =	stream.indirect.gather [hbm4b:s10+s15], $0x10, s17, s15, $0xb8;
	[tilespmem:$0xA400] =	vst v63  }
0x4c: {  	_ = 	snop  }
0x4d: {  	[tilespmem:s12], [sflag:$0x1] =	stream.indirect.gather [hbm4b:s7+s15], $0x10, s19, s15, $0xb8;
	[tilespmem:$0xA400] =	vst v63  }
0x4e: {  	_ = 	snop  }
0x4f: {  	[tilespmem:s3], [sflag:$0x1] =	stream.indirect.gather [hbm4b:s8+s15], $0x10, s19, s15, $0xb8;
	[tilespmem:$0xA400] =	vst v63  }
0x50: {  	_ = 	snop  }
0x51: {  	[tilespmem:s2], [sflag:$0x1] =	stream.indirect.gather [hbm4b:s9+s15], $0x10, s19, s15, $0xb8;
	[tilespmem:$0xA400] =	vst v63  }
0x52: {  	_ = 	snop  }
0x53: {  	[tilespmem:s16], [sflag:$0x1] =	stream.indirect.gather [hbm4b:s10+s15], $0x10, s19, s15, $0xb8;
	[tilespmem:$0xA400] =	vst v63  }
0x54: {  	_ =	swait.ge [sflag:s18], $0x800  }
0x55: {  	[sflag:s18] =	ssyncset.done $0x0  }
0x56: {  	[sflag:s18] =	ssyncadd.s32 $0xFFFFF800  }
0x57: {  	_ =	swait.ge [sflag:s18], $0x800  }
0x58: {  	[sflag:s18] =	ssyncset.done $0x0  }
0x59: {  	[sflag:s18] =	ssyncadd.s32 $0xFFFFF800  }
0x5a: {  	_ =	swait.ge [sflag:s18], $0x800  }
0x5b: {  	[sflag:s18] =	ssyncset.done $0x0  }
0x5c: {  	[sflag:s18] =	ssyncadd.s32 $0xFFFFF800  }
0x5d: {  	_ =	swait.ge [sflag:s18], $0x800  }
0x5e: {  	[sflag:s18] =	ssyncset.done $0x0  }
0x5f: {  	[sflag:s18] =	ssyncadd.s32 $0xFFFFF800  }
0x60: {  	_ =	swait.ge [sflag:s18], $0x800  }
0x61: {  	[sflag:s18] =	ssyncset.done $0x0  }
0x62: {  	[sflag:s18] =	ssyncadd.s32 $0xFFFFF800  }
0x63: {  	_ =	swait.ge [sflag:s18], $0x800  }
0x64: {  	[sflag:s18] =	ssyncset.done $0x0  }
0x65: {  	[sflag:s18] =	ssyncadd.s32 $0xFFFFF800  }
0x66: {  	_ =	swait.ge [sflag:s18], $0x800  }
0x67: {  	[sflag:s18] =	ssyncset.done $0x0  }
0x68: {  	[sflag:s18] =	ssyncadd.s32 $0xFFFFF800  }
0x69: {  	_ =	swait.ge [sflag:s18], $0x800  }
0x6a: {  	[sflag:s18] =	ssyncset.done $0x0  }
0x6b: {  	[sflag:s18] =	ssyncadd.s32 $0xFFFFF800  }
0x6c: {  	_ =	swait.ge [sflag:s18], $0x800  }
0x6d: {  	[sflag:s18] =	ssyncset.done $0x0  }
0x6e: {  	[sflag:s18] =	ssyncadd.s32 $0xFFFFF800  }
0x6f: {  	_ =	swait.ge [sflag:s18], $0x800  }
0x70: {  	[sflag:s18] =	ssyncset.done $0x0  }
0x71: {  	[sflag:s18] =	ssyncadd.s32 $0xFFFFF800  }
0x72: {  	_ =	swait.ge [sflag:s18], $0x800  }
0x73: {  	[sflag:s18] =	ssyncset.done $0x0  }
0x74: {  	[sflag:s18] =	ssyncadd.s32 $0xFFFFF800  }
0x75: {  	_ =	swait.ge [sflag:s18], $0x800  }
0x76: {  	[sflag:s18] =	ssyncset.done $0x0  }
0x77: {  	[sflag:s18] =	ssyncadd.s32 $0xFFFFF800  }
0x78: {  	_ =	swait.ge [sflag:s18], $0x800  }
0x79: {  	[sflag:s18] =	ssyncset.done $0x0  }
0x7a: {  	[sflag:s18] =	ssyncadd.s32 $0xFFFFF800  }
0x7b: {  	_ =	swait.ge [sflag:s18], $0x800  }
0x7c: {  	[sflag:s18] =	ssyncset.done $0x0  }
0x7d: {  	[sflag:s18] =	ssyncadd.s32 $0xFFFFF800  }
0x7e: {  	v20 =	vmov s25;
	_ =	swait.ge [sflag:s18], $0x800  }
0x7f: {  	v21 =	vshll.u32 v20, $0x4;
	[sflag:s18] =	ssyncset.done $0x0  }
0x80: {  	v22 =	vor.u32 v0, v21;
	[sflag:s18] =	ssyncadd.s32 $0xFFFFF800  }
0x81: {  	v23 =	vand.u32 $0x7F, v20;
	v24 =	vor.u32 v1, v21;
	_ =	swait.ge [sflag:s18], $0x800  }
0x82: {  	v25 =	vor.u32 $0x80, v23;
	[sflag:s18] =	ssyncset.done $0x0  }
0x83: {  	v26 =	vor.u32 v2, v21;
	[sflag:s18] =	ssyncadd.s32 $0xFFFFF800  }
0x84: {  	v27 =	vor.u32 $0x100, v23;
	v20 =	vld.idx.msk [tilespmem:v20+s14+$0x0], $0xffff  }
0x85: {  	v28 =	vor.u32 v3, v21;
	v22 =	vld.idx.msk [tilespmem:v22+s21+$0x0], $0xffff  }
0x86: {  	v29 =	vor.u32 $0x180, v23;
	v24 =	vld.idx.msk [tilespmem:v24+s21+$0x0], $0xffff  }
0x87: {  	v25 =	vld.idx.msk [tilespmem:v25+s14+$0x0], $0xffff  }
0x88: {  	v26 =	vld.idx.msk [tilespmem:v26+s21+$0x0], $0xffff  }
0x89: {  	v27 =	vld.idx.msk [tilespmem:v27+s14+$0x0], $0xffff  }
0x8a: {  	v28 =	vld.idx.msk [tilespmem:v28+s21+$0x0], $0xffff;
	v22 =	vmul.f32 v22, v20  }
0x8b: {  	v29 =	vld.idx.msk [tilespmem:v29+s14+$0x0], $0xffff  }
0x8c: {  	v24 =	vmul.f32 v24, v25;
	v22 =	vadd.f32 $0.0e+00, v22;
	_ =	sdelay $0x1  }
0x8d: {  	v22 =	vadd.f32 v24, v22;
	v24 =	vmul.f32 v26, v27  }
0x8e: {  	v26 =	vor.u32 v4, v23  }
0x8f: {  	v22 =	vadd.f32 v24, v22;
	v24 =	vmul.f32 v28, v29;
	v28 =	vor.u32 v5, v21;
	_ =	sdelay $0x1  }
0x90: {  	v22 =	vadd.f32 v24, v22;
	v24 =	vor.u32 v6, v21;
	_ =	sdelay $0x1  }
0x91: {  	[tilespmem:v26+s20+$0x0] =	vst.idx.msk $0xffff, v22;
	v22 =	vor.u32 v7, v21  }
0x92: {  	v26 =	vld.idx.msk [tilespmem:v28+s21+$0x0], $0xffff  }
0x93: {  	v28 =	vor.u32 v8, v21  }
0x94: {  	v24 =	vld.idx.msk [tilespmem:v24+s21+$0x0], $0xffff;
	_ =	sdelay $0x1  }
0x95: {  	v22 =	vld.idx.msk [tilespmem:v22+s21+$0x0], $0xffff  }
0x96: {  	v26 =	vmul.f32 v26, v20  }
0x97: {  	v28 =	vld.idx.msk [tilespmem:v28+s21+$0x0], $0xffff  }
0x98: {  	v26 =	vadd.f32 $0.0e+00, v26;
	v24 =	vmul.f32 v24, v25;
	_ =	sdelay $0x1  }
0x99: {  	v24 =	vadd.f32 v24, v26;
	v22 =	vmul.f32 v22, v27  }
0x9a: {  	v26 =	vor.u32 v9, v23  }
0x9b: {  	v22 =	vadd.f32 v22, v24;
	v24 =	vmul.f32 v28, v29;
	v28 =	vor.u32 v10, v21;
	_ =	sdelay $0x1  }
0x9c: {  	v22 =	vadd.f32 v24, v22;
	v24 =	vor.u32 v11, v21;
	_ =	sdelay $0x1  }
0x9d: {  	[tilespmem:v26+s20+$0x0] =	vst.idx.msk $0xffff, v22;
	v22 =	vor.u32 v12, v21  }
0x9e: {  	v26 =	vld.idx.msk [tilespmem:v28+s21+$0x0], $0xffff  }
0x9f: {  	v28 =	vor.u32 v13, v21  }
0xa0: {  	v24 =	vld.idx.msk [tilespmem:v24+s21+$0x0], $0xffff;
	_ =	sdelay $0x1  }
0xa1: {  	v22 =	vld.idx.msk [tilespmem:v22+s21+$0x0], $0xffff  }
0xa2: {  	v26 =	vmul.f32 v26, v20  }
0xa3: {  	v28 =	vld.idx.msk [tilespmem:v28+s21+$0x0], $0xffff  }
0xa4: {  	v26 =	vadd.f32 $0.0e+00, v26;
	v24 =	vmul.f32 v24, v25;
	_ =	sdelay $0x1  }
0xa5: {  	v24 =	vadd.f32 v24, v26;
	v22 =	vmul.f32 v22, v27  }
0xa6: {  	v26 =	vor.u32 v14, v23  }
0xa7: {  	v22 =	vadd.f32 v22, v24;
	v24 =	vmul.f32 v28, v29;
	v28 =	vor.u32 v15, v21;
	_ =	sdelay $0x1  }
0xa8: {  	v30 =	vor.u32 v16, v21;
	v22 =	vadd.f32 v24, v22;
	_ =	sdelay $0x1  }
0xa9: {  	v24 =	vor.u32 v17, v21;
	[tilespmem:v26+s20+$0x0] =	vst.idx.msk $0xffff, v22  }
0xaa: {  	v21 =	vor.u32 v18, v21;
	v22 =	vld.idx.msk [tilespmem:v28+s21+$0x0], $0xffff;
	_ =	sdelay $0x1  }
0xab: {  	v26 =	vld.idx.msk [tilespmem:v30+s21+$0x0], $0xffff;
	_ =	sdelay $0x1  }
0xac: {  	v24 =	vld.idx.msk [tilespmem:v24+s21+$0x0], $0xffff  }
0xad: {  	v21 =	vld.idx.msk [tilespmem:v21+s21+$0x0], $0xffff;
	v20 =	vmul.f32 v22, v20;
	_ =	sdelay $0x1  }
0xae: {  	v22 =	vmul.f32 v26, v25;
	v20 =	vadd.f32 $0.0e+00, v20;
	_ =	sdelay $0x1  }
0xaf: {  	s29 =	simm.s32 $0x1;
	v24 =	vmul.f32 v24, v27;
	v27 =	vadd.f32 v22, v20  }
0xb0: {  	v26 =	vor.u32 v19, v23;
	v25 =	vmul.f32 v21, v29;
	v22 =	vmov s29  }
0xb1: {  	v20 =	vand.u32 $0x7F, v22;
	v21 =	vshll.u32 v22, $0x4;
	v30 =	vadd.f32 v24, v27  }
0xb2: {  	v23 =	vor.u32 $0x80, v20;
	v29 =	vor.u32 v0, v21  }
0xb3: {  	v28 =	vor.u32 v1, v21;
	v24 =	vor.u32 $0x100, v20;
	v31 =	vadd.f32 v25, v30  }
0xb4: {  	s25 =	simm.s32 $0x2;
	v27 =	vor.u32 v2, v21;
	v25 =	vor.u32 $0x180, v20;
	v30 =	vor.u32 v3, v21  }
.LBB2_3:
0xb5: {  	p0 =	sne.s32 s25, $0x7F;
	[tilespmem:v26+s20+$0x0] =	vst.idx.msk $0xffff, v31;
	s26 =	smov.u32 s25;
	s25 =	sadd.s32 $0x1, s25  }
0xb6: {  	v22 =	vld.idx.msk [tilespmem:v22+s14+$0x0], $0xffff  }
0xb7: {  	v26 =	vld.idx.msk [tilespmem:v29+s21+$0x0], $0xffff  }
0xb8: {  	v28 =	vld.idx.msk [tilespmem:v28+s21+$0x0], $0xffff  }
0xb9: {  	v23 =	vld.idx.msk [tilespmem:v23+s14+$0x0], $0xffff  }
0xba: {  	v27 =	vld.idx.msk [tilespmem:v27+s21+$0x0], $0xffff  }
0xbb: {  	v24 =	vld.idx.msk [tilespmem:v24+s14+$0x0], $0xffff  }
0xbc: {  	v29 =	vld.idx.msk [tilespmem:v30+s21+$0x0], $0xffff  }
0xbd: {  	v26 =	vmul.f32 v26, v22;
	v25 =	vld.idx.msk [tilespmem:v25+s14+$0x0], $0xffff;
	_ =	sdelay $0x1  }
0xbe: {  	v26 =	vadd.f32 $0.0e+00, v26;
	v28 =	vmul.f32 v28, v23;
	_ =	sdelay $0x1  }
0xbf: {  	v26 =	vadd.f32 v28, v26;
	v27 =	vmul.f32 v27, v24  }
0xc0: {  	v28 =	vor.u32 v4, v20  }
0xc1: {  	v26 =	vadd.f32 v27, v26;
	v27 =	vmul.f32 v29, v25;
	v29 =	vor.u32 v5, v21;
	_ =	sdelay $0x1  }
0xc2: {  	v26 =	vadd.f32 v27, v26;
	v27 =	vor.u32 v6, v21;
	_ =	sdelay $0x1  }
0xc3: {  	[tilespmem:v28+s20+$0x0] =	vst.idx.msk $0xffff, v26;
	v26 =	vor.u32 v7, v21  }
0xc4: {  	v28 =	vld.idx.msk [tilespmem:v29+s21+$0x0], $0xffff  }
0xc5: {  	v29 =	vor.u32 v8, v21  }
0xc6: {  	v27 =	vld.idx.msk [tilespmem:v27+s21+$0x0], $0xffff;
	_ =	sdelay $0x1  }
0xc7: {  	v26 =	vld.idx.msk [tilespmem:v26+s21+$0x0], $0xffff;
	_ =	sdelay $0x1  }
0xc8: {  	v28 =	vmul.f32 v28, v22;
	v29 =	vld.idx.msk [tilespmem:v29+s21+$0x0], $0xffff;
	_ =	sdelay $0x1  }
0xc9: {  	v28 =	vadd.f32 $0.0e+00, v28;
	v27 =	vmul.f32 v27, v23;
	_ =	sdelay $0x1  }
0xca: {  	v27 =	vadd.f32 v27, v28;
	v26 =	vmul.f32 v26, v24  }
0xcb: {  	v28 =	vor.u32 v9, v20  }
0xcc: {  	v26 =	vadd.f32 v26, v27;
	v27 =	vmul.f32 v29, v25;
	v29 =	vor.u32 v10, v21;
	_ =	sdelay $0x1  }
0xcd: {  	v26 =	vadd.f32 v27, v26;
	v27 =	vor.u32 v11, v21;
	_ =	sdelay $0x1  }
0xce: {  	[tilespmem:v28+s20+$0x0] =	vst.idx.msk $0xffff, v26;
	v26 =	vor.u32 v12, v21  }
0xcf: {  	v28 =	vld.idx.msk [tilespmem:v29+s21+$0x0], $0xffff  }
0xd0: {  	v29 =	vor.u32 v13, v21  }
0xd1: {  	v27 =	vld.idx.msk [tilespmem:v27+s21+$0x0], $0xffff;
	_ =	sdelay $0x1  }
0xd2: {  	v26 =	vld.idx.msk [tilespmem:v26+s21+$0x0], $0xffff;
	_ =	sdelay $0x1  }
0xd3: {  	v28 =	vmul.f32 v28, v22;
	v29 =	vld.idx.msk [tilespmem:v29+s21+$0x0], $0xffff;
	_ =	sdelay $0x1  }
0xd4: {  	v28 =	vadd.f32 $0.0e+00, v28;
	v27 =	vmul.f32 v27, v23;
	_ =	sdelay $0x1  }
0xd5: {  	v27 =	vadd.f32 v27, v28;
	v26 =	vmul.f32 v26, v24  }
0xd6: {  	v28 =	vor.u32 v14, v20  }
0xd7: {  	v26 =	vadd.f32 v26, v27;
	v27 =	vmul.f32 v29, v25;
	v29 =	vor.u32 v15, v21  }
0xd8: {  	v30 =	vor.u32 v16, v21  }
0xd9: {  	v26 =	vadd.f32 v27, v26;
	v27 =	vor.u32 v17, v21  }
0xda: {  	v21 =	vor.u32 v18, v21  }
0xdb: {  	[tilespmem:v28+s20+$0x0] =	vst.idx.msk $0xffff, v26  }
0xdc: {  	v26 =	vld.idx.msk [tilespmem:v29+s21+$0x0], $0xffff  }
0xdd: {  	v28 =	vld.idx.msk [tilespmem:v30+s21+$0x0], $0xffff  }
0xde: {  	v27 =	vld.idx.msk [tilespmem:v27+s21+$0x0], $0xffff  }
0xdf: {  	v21 =	vld.idx.msk [tilespmem:v21+s21+$0x0], $0xffff;
	_ =	sdelay $0x2  }
0xe0: {  	v22 =	vmul.f32 v26, v22  }
0xe1: {  	v23 =	vmul.f32 v28, v23  }
0xe2: {  	v22 =	vadd.f32 $0.0e+00, v22;
	v24 =	vmul.f32 v27, v24  }
0xe3: {  	v25 =	vmul.f32 v21, v25  }
0xe4: {  	v23 =	vadd.f32 v23, v22  }
.Ltmp0:
0xe5: {  	v26 =	vor.u32 v19, v20;
	v22 =	vmov s26;
	(pc) =	sbr.rel @p0 .LBB2_3-.Ltmp0, $4  }
0xe6: {  	v20 =	vand.u32 $0x7F, v22;
	v21 =	vshll.u32 v22, $0x4;
	v30 =	vadd.f32 v24, v23  }
0xe7: {  	v23 =	vor.u32 $0x80, v20;
	v29 =	vor.u32 v0, v21;
	v28 =	vor.u32 v1, v21  }
0xe8: {  	v24 =	vor.u32 $0x100, v20;
	v27 =	vor.u32 v2, v21;
	v31 =	vadd.f32 v25, v30  }
0xe9: {  	v25 =	vor.u32 $0x180, v20;
	v30 =	vor.u32 v3, v21  }
0xea: {  	_ =	sdelay $0x3  }
0xeb: {  	[tilespmem:v26+s20+$0x0] =	vst.idx.msk $0xffff, v31  }
0xec: {  	v22 =	vld.idx.msk [tilespmem:v22+s14+$0x0], $0xffff  }
0xed: {  	v26 =	vld.idx.msk [tilespmem:v29+s21+$0x0], $0xffff  }
0xee: {  	v28 =	vld.idx.msk [tilespmem:v28+s21+$0x0], $0xffff  }
0xef: {  	v23 =	vld.idx.msk [tilespmem:v23+s14+$0x0], $0xffff  }
0xf0: {  	v27 =	vld.idx.msk [tilespmem:v27+s21+$0x0], $0xffff  }
0xf1: {  	v24 =	vld.idx.msk [tilespmem:v24+s14+$0x0], $0xffff  }
0xf2: {  	v45 =	vld.idx.msk [tilespmem:v30+s21+$0x0], $0xffff;
	v26 =	vmul.f32 v26, v22  }
0xf3: {  	v25 =	vld.idx.msk [tilespmem:v25+s14+$0x0], $0xffff  }
0xf4: {  	v28 =	vmul.f32 v28, v23;
	v26 =	vadd.f32 $0.0e+00, v26;
	_ =	sdelay $0x1  }
0xf5: {  	v27 =	vmul.f32 v27, v24;
	v26 =	vadd.f32 v28, v26  }
0xf6: {  	v46 =	vor.u32 v4, v20  }
0xf7: {  	v48 =	vor.u32 v5, v21;
	v47 =	vmul.f32 v45, v25;
	v26 =	vadd.f32 v27, v26;
	_ =	sdelay $0x1  }
0xf8: {  	v49 =	vor.u32 v6, v21;
	v26 =	vadd.f32 v47, v26;
	_ =	sdelay $0x1  }
0xf9: {  	v50 =	vor.u32 v7, v21;
	[tilespmem:v46+s20+$0x0] =	vst.idx.msk $0xffff, v26  }
0xfa: {  	v28 =	vld.idx.msk [tilespmem:v48+s21+$0x0], $0xffff  }
0xfb: {  	v51 =	vor.u32 v8, v21  }
0xfc: {  	v27 =	vld.idx.msk [tilespmem:v49+s21+$0x0], $0xffff;
	_ =	sdelay $0x1  }
0xfd: {  	v26 =	vld.idx.msk [tilespmem:v50+s21+$0x0], $0xffff  }
0xfe: {  	v28 =	vmul.f32 v28, v22  }
0xff: {  	v29 =	vld.idx.msk [tilespmem:v51+s21+$0x0], $0xffff  }
0x100: {  	v27 =	vmul.f32 v27, v23;
	v28 =	vadd.f32 $0.0e+00, v28;
	_ =	sdelay $0x1  }
0x101: {  	v26 =	vmul.f32 v26, v24;
	v27 =	vadd.f32 v27, v28  }
0x102: {  	v52 =	vor.u32 v9, v20  }
0x103: {  	v54 =	vor.u32 v10, v21;
	v53 =	vmul.f32 v29, v25;
	v26 =	vadd.f32 v26, v27;
	_ =	sdelay $0x1  }
0x104: {  	v55 =	vor.u32 v11, v21;
	v26 =	vadd.f32 v53, v26;
	_ =	sdelay $0x1  }
0x105: {  	v56 =	vor.u32 v12, v21;
	[tilespmem:v52+s20+$0x0] =	vst.idx.msk $0xffff, v26  }
0x106: {  	v28 =	vld.idx.msk [tilespmem:v54+s21+$0x0], $0xffff  }
0x107: {  	v57 =	vor.u32 v13, v21  }
0x108: {  	v27 =	vld.idx.msk [tilespmem:v55+s21+$0x0], $0xffff;
	_ =	sdelay $0x1  }
0x109: {  	v26 =	vld.idx.msk [tilespmem:v56+s21+$0x0], $0xffff  }
0x10a: {  	v28 =	vmul.f32 v28, v22  }
0x10b: {  	v29 =	vld.idx.msk [tilespmem:v57+s21+$0x0], $0xffff  }
0x10c: {  	v27 =	vmul.f32 v27, v23;
	v28 =	vadd.f32 $0.0e+00, v28;
	_ =	sdelay $0x1  }
0x10d: {  	v26 =	vmul.f32 v26, v24;
	v27 =	vadd.f32 v27, v28  }
0x10e: {  	v58 =	vor.u32 v14, v20  }
0x10f: {  	v60 =	vor.u32 v15, v21;
	v59 =	vmul.f32 v29, v25;
	v26 =	vadd.f32 v26, v27;
	_ =	sdelay $0x1  }
0x110: {  	v61 =	vor.u32 v16, v21;
	v26 =	vadd.f32 v59, v26;
	_ =	sdelay $0x1  }
0x111: {  	v62 =	vor.u32 v17, v21;
	[tilespmem:v58+s20+$0x0] =	vst.idx.msk $0xffff, v26  }
0x112: {  	v26 =	vld.idx.msk [tilespmem:v60+s21+$0x0], $0xffff  }
0x113: {  	v63 =	vor.u32 v18, v21  }
0x114: {  	v28 =	vld.idx.msk [tilespmem:v61+s21+$0x0], $0xffff;
	_ =	sdelay $0x1  }
0x115: {  	v27 =	vld.idx.msk [tilespmem:v62+s21+$0x0], $0xffff  }
0x116: {  	v22 =	vmul.f32 v26, v22  }
0x117: {  	v21 =	vld.idx.msk [tilespmem:v63+s21+$0x0], $0xffff  }
0x118: {  	v23 =	vmul.f32 v28, v23;
	v22 =	vadd.f32 $0.0e+00, v22;
	_ =	sdelay $0x1  }
0x119: {  	v24 =	vmul.f32 v27, v24;
	v22 =	vadd.f32 v23, v22  }
0x11a: {  	v20 =	vor.u32 v19, v20  }
0x11b: {  	v21 =	vmul.f32 v21, v25;
	v22 =	vadd.f32 v24, v22;
	_ =	sdelay $0x1  }
0x11c: {  	s24 =	sadd.s32 s11, s24;
	s23 =	sadd.s32 $0x1, s23;
	v21 =	vadd.f32 v21, v22  }
0x11d: {  	s25 =	rddreg [dreg:$0x1];
	s24 =	sshrl.u32 s24, $0x3;
	p0 =	sne.s32 s23, $0x1E  }
.Ltmp1:
0x11e: {  	s24 =	sadd.s32 s25, s24;
	[tilespmem:v20+s20+$0x0] =	vst.idx.msk $0xffff, v21;
	(pc) =	sbr.rel @p0 .LBB2_2-.Ltmp1, $4  }
0x11f: {  	[hbm4b:s24+s15] =	stream.strided.scatter [tilespmem:s20], [sflag:$0x2], $0x2000, s22, s15, $0x38;
	[tilespmem:$0xA400] =	vst v63  }
0x120: {  	_ =	swait.ge [sflag:s13], $0x2000  }
0x121: {  	[sflag:s13] =	ssyncset.done $0x0  }
0x122: {  	[sflag:s13] =	ssyncadd.s32 $0xFFFFE000  }
0x123: {  	s23 =	rddreg [dreg:$0x3]  }
0x124: {  	s24 =	rddreg [dreg:$0x4];
	s23 =	sadd.s32 $0x1, s23  }
0x125: {  	p0 =	sne.s32 s23, s24  }
.Ltmp2:
0x126: {  	_ = 	snop;
	(pc) =	sbr.rel @p0 .LBB2_1-.Ltmp2, $1  }
0x127: {  	_ =	sdelay $0x3  }
0x128: {  	_ =	sfence.sel $0x180000  }
0x129: {  	[bflag:$0x0] =	sbarrier.arrive $0xFFFF  }
0x12a: {  	_ =	strace $0x9000004A  }
0x12b: {  	s0 =	stileid.u32;
	[bflag:$0x2] =	sbarrier.arrive $0xFFFF  }
0x12c: {  	p0 =	sne.s32 s0, $0x0;
	s0 =	rddreg [dreg:$0x2]  }
0x12d: {  	s0 =	sadd.s32 @!p0 $0x100000, s0  }
0x12e: {  	[sflag:s0] =	ssyncadd.tile.s32 @!p0 $0x1;
	_ =	shalt  }
.Lfunc_end2:
_tile_overlayer_lowered:
.L_overlay_start_2:
0x12f: {  	(tag) =	ssettag $0x2  }
0x130: {  	s0 =	rddreg [dreg:$0x0];
	s2 =	stileid.u32  }
0x131: {  	s1 =	rddreg [dreg:$0x1];
	p0 =	sne.s32 s2, $0x0  }
0x132: {  	s3 =	rddreg [dreg:$0x2];
	[bflag:$0x3] =	sbarrier.arrive $0xFFFF;
	s2 =	simm.s32 @!p0 $0x1C02  }
0x133: {  	[timem:s3], [sflag:s2] =	dma.local @!p0 [hbm:s0], s1  }
0x134: {  	s0 =	simm.s32 @!p0 $0x2  }
0x135: {  	_ =	swait.ge @!p0 [sflag:s0], s1  }
0x136: {  	s1 =	ssub.s32 @!p0 $0x0, s1;
	[sflag:s0] =	ssyncset.done @!p0 $0x0  }
0x137: {  	[sflag:s0] =	ssyncadd.s32 @!p0 s1  }
0x138: {  	[bflag:$0x3] =	sbarrier.arrive $0xFFFF  }
0x139: {  	_ =	shalt  }

</sc_bundles>
